<compile_context>
chip_gen: v7x
topology: tpu7x:2x2x1
jax: 0.10.2.dev20260603
libtpu: 0.0.44.dev20260713+nightly
codegen_flags: <defaults>
</compile_context>

<pallas_src>
import jax
import jax.numpy as jnp
from jax import lax
from jax.experimental import pallas as pl
from jax.experimental.pallas import tpu as pltpu
from jax.experimental.pallas import tpu_sc as plsc

N = 10000
E = 320000
D = 128
G = 500
P = 4096
RH = 256

NC, NS = 2, 16
NW = NC * NS
NP = 10240
EP = 327680
GP = 512
ECH = 80
NCH = 5
RPT = NP // NS

_mesh = plsc.VectorSubcoreMesh(core_axis_name="c", subcore_axis_name="s")
_f32 = jnp.float32


def _zero_rows(ref, n16):
    z = jnp.zeros((16,), _f32)
    def row(i, _):
        for j in range(8):
            ref[i, pl.ds(j * 16, 16)] = z
        return 0
    lax.fori_loop(0, 16 * n16, row, 0)


def _fill_1d(ref, n, val):
    v = jnp.full((16,), val, _f32)
    def it(i, _):
        ref[pl.ds(i * 16, 16)] = v
        return 0
    lax.fori_loop(0, n // 16, it, 0)


def _hist_body(dst_hbm, bat_hbm, deg_out, cnt_out,
               didx_v, bidx_v, ones_v, zb_v, deg_sh, cnt_sh):
    cid = lax.axis_index("c")
    sid = lax.axis_index("s")
    wid = cid * NS + sid
    _fill_1d(ones_v, 128, 1.0)
    _fill_1d(zb_v, RPT, 0.0)
    pltpu.sync_copy(zb_v, deg_sh.at[pl.ds(sid * RPT, RPT)])
    pltpu.sync_copy(zb_v.at[pl.ds(0, GP // NS)],
                    cnt_sh.at[pl.ds(sid * (GP // NS), GP // NS)])
    plsc.subcore_barrier()
    pltpu.sync_copy(dst_hbm.at[pl.ds(wid * ECH, ECH)], didx_v)
    def echunk(c, _):
        pltpu.sync_copy(ones_v, deg_sh.at[didx_v.at[c]], add=True)
        return 0
    lax.fori_loop(0, ECH, echunk, 0)
    pltpu.sync_copy(bat_hbm.at[wid], bidx_v)
    def bchunk(c, _):
        pltpu.sync_copy(ones_v.at[pl.ds(0, 64)], cnt_sh.at[bidx_v.at[c]],
                        add=True)
        return 0
    lax.fori_loop(0, NCH, bchunk, 0)
    plsc.subcore_barrier()
    pltpu.sync_copy(deg_sh.at[pl.ds(sid * RPT, RPT)], zb_v)
    pltpu.sync_copy(zb_v, deg_out.at[pl.ds(cid * NP + sid * RPT, RPT)])
    pltpu.sync_copy(cnt_sh.at[pl.ds(sid * (GP // NS), GP // NS)],
                    ones_v.at[pl.ds(0, GP // NS)])
    pltpu.sync_copy(ones_v.at[pl.ds(0, GP // NS)],
                    cnt_out.at[pl.ds(cid * GP + sid * (GP // NS), GP // NS)])


_hist = pl.kernel(
    _hist_body,
    out_type=(jax.ShapeDtypeStruct((NC * NP,), _f32),
              jax.ShapeDtypeStruct((NC * GP,), _f32)),
    mesh=_mesh,
    scratch_types=[
        pltpu.VMEM((ECH, 128), jnp.int32),
        pltpu.VMEM((NCH, 64), jnp.int32),
        pltpu.VMEM((128,), _f32),
        pltpu.VMEM((RPT,), _f32),
        pltpu.VMEM_SHARED((NP,), _f32),
        pltpu.VMEM_SHARED((GP,), _f32),
    ],
)


CW = 64
NBUF = 4
NGIF = 2
ECW = EP // NW // CW
PH = 4
PCH = ECW // PH


def _prop_body(q_hbm, src_hbm, dst_hbm, out_hbm,
               sidx_v, didx_v, rows0, rows1, rows2, rows3, acc_sh,
               gs0, gs1, gs2, gs3, ss0, ss1, ss2, ss3):
    cid = lax.axis_index("c")
    sid = lax.axis_index("s")
    wid = cid * NS + sid
    rows = (rows0, rows1, rows2, rows3)
    gsem = (gs0, gs1, gs2, gs3)
    ssem = (ss0, ss1, ss2, ss3)
    _zero_rows(rows0, 1)
    def zrow(i, _):
        pltpu.sync_copy(rows0.at[pl.ds(0, 16)],
                        acc_sh.at[pl.ds(sid * RPT + i * 16, 16)])
        return 0
    lax.fori_loop(0, RPT // 16, zrow, 0)
    plsc.subcore_barrier()

    def wait_bytes(sem, buf):
        pltpu.make_async_copy(q_hbm.at[pl.ds(0, CW)], buf, sem).wait()

    def phase(p, _):
        pltpu.sync_copy(src_hbm.at[wid, pl.ds(p * PCH, PCH)], sidx_v)
        pltpu.sync_copy(dst_hbm.at[wid, pl.ds(p * PCH, PCH)], didx_v)
        for j in range(NGIF):
            pltpu.async_copy(q_hbm.at[sidx_v.at[j]], rows[j], gsem[j])
        def step(g, _):
            for b in range(NBUF):
                c = NBUF * g + b
                bj = (b + NGIF) % NBUF
                wait_bytes(gsem[b], rows[b])
                pltpu.async_copy(rows[b], acc_sh.at[didx_v.at[c]],
                                 ssem[b], add=True)
                @pl.when(c + NGIF < PCH)
                def _():
                    @pl.when(c >= NBUF - NGIF)
                    def _():
                        wait_bytes(ssem[bj], rows[bj])
                    pltpu.async_copy(q_hbm.at[sidx_v.at[c + NGIF]],
                                     rows[bj], gsem[bj])
            return 0
        lax.fori_loop(0, PCH // NBUF, step, 0)
        for b in range(NBUF):
            wait_bytes(ssem[b], rows[b])
        return 0
    lax.fori_loop(0, PH, phase, 0)
    plsc.subcore_barrier()
    def rb(i, _):
        pltpu.sync_copy(acc_sh.at[pl.ds(sid * RPT + i * CW, CW)], rows0)
        pltpu.sync_copy(rows0,
                        out_hbm.at[pl.ds(cid * NP + sid * RPT + i * CW, CW)])
        return 0
    lax.fori_loop(0, RPT // CW, rb, 0)


_prop = pl.kernel(
    _prop_body,
    out_type=jax.ShapeDtypeStruct((NC * NP, D), _f32),
    mesh=_mesh,
    scratch_types=[
        pltpu.VMEM((PCH, CW), jnp.int32),
        pltpu.VMEM((PCH, CW), jnp.int32),
        pltpu.VMEM((CW, D), _f32),
        pltpu.VMEM((CW, D), _f32),
        pltpu.VMEM((CW, D), _f32),
        pltpu.VMEM((CW, D), _f32),
        pltpu.VMEM_SHARED((NP, D), _f32),
        pltpu.SemaphoreType.DMA,
        pltpu.SemaphoreType.DMA,
        pltpu.SemaphoreType.DMA,
        pltpu.SemaphoreType.DMA,
        pltpu.SemaphoreType.DMA,
        pltpu.SemaphoreType.DMA,
        pltpu.SemaphoreType.DMA,
        pltpu.SemaphoreType.DMA,
    ],
)


def _pool_body(h_hbm, bat_hbm, out_hbm, bidx_v, rows_v, zr_v, g_sh):
    cid = lax.axis_index("c")
    sid = lax.axis_index("s")
    wid = cid * NS + sid
    _zero_rows(zr_v, 1)
    def zrow(i, _):
        pltpu.sync_copy(zr_v, g_sh.at[pl.ds(sid * (GP // NS) + i * 16, 16)])
        return 0
    lax.fori_loop(0, GP // NS // 16, zrow, 0)
    plsc.subcore_barrier()
    pltpu.sync_copy(bat_hbm.at[wid], bidx_v)
    def chunk(c, _):
        pltpu.sync_copy(h_hbm.at[pl.ds(wid * (NCH * 64) + c * 64, 64)], rows_v)
        pltpu.sync_copy(rows_v, g_sh.at[bidx_v.at[c]], add=True)
        return 0
    lax.fori_loop(0, NCH, chunk, 0)
    plsc.subcore_barrier()
    pltpu.sync_copy(g_sh.at[pl.ds(sid * (GP // NS), GP // NS)],
                    rows_v.at[pl.ds(0, GP // NS)])
    pltpu.sync_copy(rows_v.at[pl.ds(0, GP // NS)],
                    out_hbm.at[pl.ds(cid * GP + sid * (GP // NS), GP // NS)])


_pool = pl.kernel(
    _pool_body,
    out_type=jax.ShapeDtypeStruct((NC * GP, D), _f32),
    mesh=_mesh,
    scratch_types=[
        pltpu.VMEM((NCH, 64), jnp.int32),
        pltpu.VMEM((64, D), _f32),
        pltpu.VMEM((16, D), _f32),
        pltpu.VMEM_SHARED((GP, D), _f32),
    ],
)


def _pairs_body(tab_hbm, pidx_hbm, out_hbm, pidx_v, rows_v, sem):
    cid = lax.axis_index("c")
    sid = lax.axis_index("s")
    wid = cid * NS + sid
    pltpu.sync_copy(pidx_hbm.at[wid], pidx_v)
    def chunk(c, _):
        pltpu.async_copy(tab_hbm.at[pidx_v.at[c]], rows_v, sem).wait()
        pltpu.sync_copy(rows_v, out_hbm.at[pl.ds(wid * 256 + c * 128, 128)])
        return 0
    lax.fori_loop(0, 2, chunk, 0)


_pairs = pl.kernel(
    _pairs_body,
    out_type=jax.ShapeDtypeStruct((2 * P, RH), _f32),
    mesh=_mesh,
    scratch_types=[
        pltpu.VMEM((2, 128), jnp.int32),
        pltpu.VMEM((128, RH), _f32),
        pltpu.SemaphoreType.DMA,
    ],
)


_RB = 1024


def _tc1_body(x_ref, w_ref, deg_ref, q_ref, dis_ref):
    deg = deg_ref[0] + deg_ref[1] + 1.0
    dis = lax.rsqrt(deg)
    h = jnp.dot(x_ref[...], w_ref[...], preferred_element_type=_f32)
    q_ref[...] = h * dis
    dis_ref[...] = dis


def _tc1(x_pad, W1, deg3):
    return pl.pallas_call(
        _tc1_body,
        grid=(NP // _RB,),
        in_specs=[
            pl.BlockSpec((_RB, D), lambda i: (i, 0)),
            pl.BlockSpec((D, D), lambda i: (0, 0)),
            pl.BlockSpec((NC, _RB, 1), lambda i: (0, i, 0)),
        ],
        out_specs=[
            pl.BlockSpec((_RB, D), lambda i: (i, 0)),
            pl.BlockSpec((_RB, 1), lambda i: (i, 0)),
        ],
        out_shape=[jax.ShapeDtypeStruct((NP, D), _f32),
                   jax.ShapeDtypeStruct((NP, 1), _f32)],
    )(x_pad, W1, deg3)


def _tc2_body(acc_ref, q_ref, dis_ref, b_ref, w_ref, oq_ref):
    s = acc_ref[0] + acc_ref[1] + q_ref[...]
    o1 = jnp.maximum(s * dis_ref[...] + b_ref[...], 0.0)
    oq_ref[...] = jnp.dot(o1, w_ref[...],
                          preferred_element_type=_f32) * dis_ref[...]


def _tc2(acc3, q1, dis, b1r, W2):
    return pl.pallas_call(
        _tc2_body,
        grid=(NP // _RB,),
        in_specs=[
            pl.BlockSpec((NC, _RB, D), lambda i: (0, i, 0)),
            pl.BlockSpec((_RB, D), lambda i: (i, 0)),
            pl.BlockSpec((_RB, 1), lambda i: (i, 0)),
            pl.BlockSpec((1, D), lambda i: (0, 0)),
            pl.BlockSpec((D, D), lambda i: (0, 0)),
        ],
        out_specs=pl.BlockSpec((_RB, D), lambda i: (i, 0)),
        out_shape=jax.ShapeDtypeStruct((NP, D), _f32),
    )(acc3, q1, dis, b1r, W2)


def _tc3_body(acc_ref, q_ref, dis_ref, b_ref, h_ref):
    s = acc_ref[0] + acc_ref[1] + q_ref[...]
    h_ref[...] = jnp.maximum(s * dis_ref[...] + b_ref[...], 0.0)


def _tc3(acc3, q2, dis, b2r):
    return pl.pallas_call(
        _tc3_body,
        grid=(NP // _RB,),
        in_specs=[
            pl.BlockSpec((NC, _RB, D), lambda i: (0, i, 0)),
            pl.BlockSpec((_RB, D), lambda i: (i, 0)),
            pl.BlockSpec((_RB, 1), lambda i: (i, 0)),
            pl.BlockSpec((1, D), lambda i: (0, 0)),
        ],
        out_specs=pl.BlockSpec((_RB, D), lambda i: (i, 0)),
        out_shape=jax.ShapeDtypeStruct((NP, D), _f32),
    )(acc3, q2, dis, b2r)


def _tc4_body(gs_ref, cnt_ref, w_ref, u_ref, v_ref):
    cnt = cnt_ref[0] + cnt_ref[1]
    ge = (gs_ref[0] + gs_ref[1]) / jnp.maximum(cnt, 1.0)
    u_ref[...] = jnp.dot(ge, w_ref[0:D, :], preferred_element_type=_f32)
    v_ref[...] = jnp.dot(ge, w_ref[D:2 * D, :], preferred_element_type=_f32)


def _tc4(gs3, cnt3, Wr1):
    return pl.pallas_call(
        _tc4_body,
        out_shape=[jax.ShapeDtypeStruct((GP, RH), _f32),
                   jax.ShapeDtypeStruct((GP, RH), _f32)],
    )(gs3, cnt3, Wr1)


def _tc5_body(zf_ref, zt_ref, b1_ref, w_ref, b2_ref, o_ref):
    o = jnp.maximum(zf_ref[...] + zt_ref[...] + b1_ref[...], 0.0)
    o_ref[...] = jnp.dot(o, w_ref[...], preferred_element_type=_f32) + b2_ref[...]


def _tc5(zg, br1r, Wr2, br2r):
    blk = 512
    return pl.pallas_call(
        _tc5_body,
        grid=(P // blk,),
        in_specs=[
            pl.BlockSpec((blk, RH), lambda i: (i, 0)),
            pl.BlockSpec((blk, RH), lambda i: (i + P // blk, 0)),
            pl.BlockSpec((1, RH), lambda i: (0, 0)),
            pl.BlockSpec((RH, 1), lambda i: (0, 0)),
            pl.BlockSpec((1, 1), lambda i: (0, 0)),
        ],
        out_specs=pl.BlockSpec((blk, 1), lambda i: (i, 0)),
        out_shape=jax.ShapeDtypeStruct((P, 1), _f32),
    )(zg, zg, br1r, Wr2, br2r)


def kernel(x, edge_index, batch, drug_drug_batch,
           W1, b1, W2, b2, Wr1, br1, Wr2, br2):
    pad_e = N + jnp.arange(EP - E, dtype=jnp.int32) % (NP - N)
    src_f = jnp.concatenate([edge_index[0], pad_e])
    dst_f = jnp.concatenate([edge_index[1], pad_e])
    src = src_f.reshape(NW, ECW, CW)
    dst = dst_f.reshape(NW, ECW, CW)
    dsth = dst_f.reshape(NW * ECH, 128)
    bat = jnp.concatenate([batch, jnp.full((NP - N,), G, jnp.int32)])
    bat = bat.reshape(NW, NCH, 64)
    x_pad = jnp.pad(x, ((0, NP - N), (0, 0)))

    degf, cntf = _hist(dsth, bat)
    q1, dis = _tc1(x_pad, W1, degf.reshape(NC, NP, 1))
    acc1 = _prop(q1, src, dst)
    q2 = _tc2(acc1.reshape(NC, NP, D), q1, dis, b1.reshape(1, D), W2)
    acc2 = _prop(q2, src, dst)
    h = _tc3(acc2.reshape(NC, NP, D), q2, dis, b2.reshape(1, D))
    gs = _pool(h, bat)
    U, V = _tc4(gs.reshape(NC, GP, D), cntf.reshape(NC, GP, 1), Wr1)
    tab = jnp.concatenate([U, V], axis=0)
    pidx = jnp.concatenate([drug_drug_batch[0],
                            drug_drug_batch[1] + GP]).reshape(NW, 2, 128)
    zg = _pairs(tab, pidx)
    return _tc5(zg, br1.reshape(1, RH), Wr2, br2.reshape(1, 1))

# --- scband reference (transcript-rebuilt; emitter-appended) ---
"""Pipeline reference for scband-subgraph-embedding-regressor-model-87737591923132 (READ-ONLY COPY).

The authoritative reference and input builder live on the scoring server;
editing this copy changes nothing except your own understanding.
"""

import jax, jax.numpy as jnp
import numpy as np

N = 10000   # nodes
E = 320000  # edges
D = 128     # in_channels
H = 128     # embed_channels
G = 500     # number of subgraphs
P = 4096    # drug-drug pairs
RH = 256    # regressor hidden
OUT = 1     # out_channels


def setup_inputs(seed: int = 0) -> dict:
    key = jax.random.key(seed)
    ks = jax.random.split(key, 12)
    x = jax.random.normal(ks[0], (N, D), dtype=jnp.float32)
    edge_index = jax.random.randint(ks[1], (2, E), 0, N, dtype=jnp.int32)
    batch = jnp.sort(jax.random.randint(ks[2], (N,), 0, G, dtype=jnp.int32))
    drug_drug_batch = jax.random.randint(ks[3], (2, P), 0, G, dtype=jnp.int32)
    W1 = jax.random.normal(ks[4], (D, H), dtype=jnp.float32) * 0.05
    b1 = jnp.zeros((H,), dtype=jnp.float32)
    W2 = jax.random.normal(ks[5], (H, H), dtype=jnp.float32) * 0.05
    b2 = jnp.zeros((H,), dtype=jnp.float32)
    Wr1 = jax.random.normal(ks[6], (2 * H, RH), dtype=jnp.float32) * 0.05
    br1 = jnp.zeros((RH,), dtype=jnp.float32)
    Wr2 = jax.random.normal(ks[7], (RH, OUT), dtype=jnp.float32) * 0.05
    br2 = jnp.zeros((OUT,), dtype=jnp.float32)
    return {"x": x, "edge_index": edge_index, "batch": batch,
            "drug_drug_batch": drug_drug_batch,
            "W1": W1, "b1": b1, "W2": W2, "b2": b2,
            "Wr1": Wr1, "br1": br1, "Wr2": Wr2, "br2": br2}


def gcn_conv(x, edge_index, W, b):
    # PyG GCNConv: x' = D^-1/2 (A + I) D^-1/2 (x W) + b
    h = x @ W
    loop = jnp.arange(N, dtype=edge_index.dtype)
    src = jnp.concatenate([edge_index[0], loop])
    dst = jnp.concatenate([edge_index[1], loop])
    deg = jax.ops.segment_sum(jnp.ones(src.shape[0], dtype=h.dtype), dst, num_segments=N)
    dis = jnp.where(deg > 0, jax.lax.rsqrt(jnp.maximum(deg, 1e-12)), 0.0)
    coef = dis[src] * dis[dst]
    msg = h[src] * coef[:, None]
    agg = jax.ops.segment_sum(msg, dst, num_segments=N)
    return agg + b


def reference(x, edge_index, batch, drug_drug_batch,
              W1, b1, W2, b2, Wr1, br1, Wr2, br2):
    h = jax.nn.relu(gcn_conv(x, edge_index, W1, b1))
    # dropout is a no-op in eval mode (training=False)
    h = jax.nn.relu(gcn_conv(h, edge_index, W2, b2))
    # scatter_mean over per-node graph assignment -> per-graph embeddings
    gsum = jax.ops.segment_sum(h, batch, num_segments=G)
    cnt = jax.ops.segment_sum(jnp.ones(N, dtype=h.dtype), batch, num_segments=G)
    graph_embeds = gsum / jnp.maximum(cnt, 1.0)[:, None]
    from_e = graph_embeds[drug_drug_batch[0]]
    to_e = graph_embeds[drug_drug_batch[1]]
    z = jnp.concatenate([from_e, to_e], axis=1)
    z = jax.nn.relu(z @ Wr1 + br1)
    return z @ Wr2 + br2

if __name__ == "__main__":
    import jax
    _d = setup_inputs()
    print(jax.jit(kernel)(*tuple(_d.values())))

</pallas_src>

<mosaic_0001>
#map = affine_map<(d0, d1) -> (0, 0)>
#map1 = affine_map<(d0, d1) -> (0, 0, 0)>
module attributes {stable_mosaic.version = 14 : i64} {
  func.func @_prop_body(%arg0: i32, %arg1: i32, %arg2: memref<10240x128xf32, #tpu.memory_space<hbm>>, %arg3: memref<32x160x64xi32, #tpu.memory_space<hbm>>, %arg4: memref<32x160x64xi32, #tpu.memory_space<hbm>>, %arg5: memref<20480x128xf32, #tpu.memory_space<hbm>>, %arg6: memref<40x64xi32, #tpu.memory_space<vmem>>, %arg7: memref<40x64xi32, #tpu.memory_space<vmem>>, %arg8: memref<64x128xf32, #tpu.memory_space<vmem>>, %arg9: memref<64x128xf32, #tpu.memory_space<vmem>>, %arg10: memref<64x128xf32, #tpu.memory_space<vmem>>, %arg11: memref<64x128xf32, #tpu.memory_space<vmem>>, %arg12: memref<10240x128xf32, #tpu.memory_space<vmem_shared>>, %arg13: memref<!tpu.dma_semaphore, #tpu.memory_space<semaphore_mem>>, %arg14: memref<!tpu.dma_semaphore, #tpu.memory_space<semaphore_mem>>, %arg15: memref<!tpu.dma_semaphore, #tpu.memory_space<semaphore_mem>>, %arg16: memref<!tpu.dma_semaphore, #tpu.memory_space<semaphore_mem>>, %arg17: memref<!tpu.dma_semaphore, #tpu.memory_space<semaphore_mem>>, %arg18: memref<!tpu.dma_semaphore, #tpu.memory_space<semaphore_mem>>, %arg19: memref<!tpu.dma_semaphore, #tpu.memory_space<semaphore_mem>>, %arg20: memref<!tpu.dma_semaphore, #tpu.memory_space<semaphore_mem>>) attributes {dimension_semantics = [#tpu.dimension_semantics<core_parallel>, #tpu.dimension_semantics<subcore_parallel>], iteration_bounds = array<i64: 2, 16>, scalar_prefetch = 0 : i64, scratch_operands = 15 : i64, tpu.core_type = #tpu.core_type<sc_vector_subcore>, window_params = [{transform_indices = #map}, {transform_indices = #map1}, {transform_indices = #map1}, {transform_indices = #map}]} {
    %mul3A = arith.constant 16 : i32
    %mul3A_0 = arith.muli %arg0, %mul3A : i32
    %add3A = arith.addi %mul3A_0, %arg1 : i32
    %broadcast_in_dim3A = arith.constant 0.000000e+00 : f32
    %broadcast_in_dim3A_1 = vector.broadcast %broadcast_in_dim3A : f32 to vector<16xf32>
    %scan3A = arith.constant 0 : i32
    %scan3A_2 = arith.constant 0 : i32
    %scan3A_3 = arith.constant 16 : i32
    %scan3A_4 = arith.addi %scan3A_2, %scan3A_3 : i32
    %scan3A_5 = arith.constant 1 : i32
    %scan3A_6 = scf.for %scan3A_30 = %scan3A_2 to %scan3A_4 step %scan3A_5 iter_args(%scan3A_31 = %scan3A) -> (i32)  : i32 {
      %swap3A = arith.index_cast %scan3A_30 : i32 to index
      %swap3A_32 = arith.constant 0 : index
      %swap3A_33 = tpu.vector_load %arg8[%swap3A, %swap3A_32] {strides = array<i32>} : memref<64x128xf32, #tpu.memory_space<vmem>>, vector<1x16xf32>,
      %swap3A_34 = vector.shape_cast %swap3A_33 : vector<1x16xf32> to vector<16xf32>
      %swap3A_35 = vector.shape_cast %broadcast_in_dim3A_1 : vector<16xf32> to vector<1x16xf32>
      tpu.vector_store %arg8[%swap3A, %swap3A_32], %swap3A_35 {strides = array<i32>} : memref<64x128xf32, #tpu.memory_space<vmem>>, vector<1x16xf32>,
      %swap3A_36 = arith.index_cast %scan3A_30 : i32 to index
      %swap3A_37 = arith.constant 16 : index
      %swap3A_38 = tpu.vector_load %arg8[%swap3A_36, %swap3A_37] {strides = array<i32>} : memref<64x128xf32, #tpu.memory_space<vmem>>, vector<1x16xf32>,
      %swap3A_39 = vector.shape_cast %swap3A_38 : vector<1x16xf32> to vector<16xf32>
      %swap3A_40 = vector.shape_cast %broadcast_in_dim3A_1 : vector<16xf32> to vector<1x16xf32>
      tpu.vector_store %arg8[%swap3A_36, %swap3A_37], %swap3A_40 {strides = array<i32>} : memref<64x128xf32, #tpu.memory_space<vmem>>, vector<1x16xf32>,
      %swap3A_41 = arith.index_cast %scan3A_30 : i32 to index
      %swap3A_42 = arith.constant 32 : index
      %swap3A_43 = tpu.vector_load %arg8[%swap3A_41, %swap3A_42] {strides = array<i32>} : memref<64x128xf32, #tpu.memory_space<vmem>>, vector<1x16xf32>,
      %swap3A_44 = vector.shape_cast %swap3A_43 : vector<1x16xf32> to vector<16xf32>
      %swap3A_45 = vector.shape_cast %broadcast_in_dim3A_1 : vector<16xf32> to vector<1x16xf32>
      tpu.vector_store %arg8[%swap3A_41, %swap3A_42], %swap3A_45 {strides = array<i32>} : memref<64x128xf32, #tpu.memory_space<vmem>>, vector<1x16xf32>,
      %swap3A_46 = arith.index_cast %scan3A_30 : i32 to index
      %swap3A_47 = arith.constant 48 : index
      %swap3A_48 = tpu.vector_load %arg8[%swap3A_46, %swap3A_47] {strides = array<i32>} : memref<64x128xf32, #tpu.memory_space<vmem>>, vector<1x16xf32>,
      %swap3A_49 = vector.shape_cast %swap3A_48 : vector<1x16xf32> to vector<16xf32>
      %swap3A_50 = vector.shape_cast %broadcast_in_dim3A_1 : vector<16xf32> to vector<1x16xf32>
      tpu.vector_store %arg8[%swap3A_46, %swap3A_47], %swap3A_50 {strides = array<i32>} : memref<64x128xf32, #tpu.memory_space<vmem>>, vector<1x16xf32>,
      %swap3A_51 = arith.index_cast %scan3A_30 : i32 to index
      %swap3A_52 = arith.constant 64 : index
      %swap3A_53 = tpu.vector_load %arg8[%swap3A_51, %swap3A_52] {strides = array<i32>} : memref<64x128xf32, #tpu.memory_space<vmem>>, vector<1x16xf32>,
      %swap3A_54 = vector.shape_cast %swap3A_53 : vector<1x16xf32> to vector<16xf32>
      %swap3A_55 = vector.shape_cast %broadcast_in_dim3A_1 : vector<16xf32> to vector<1x16xf32>
      tpu.vector_store %arg8[%swap3A_51, %swap3A_52], %swap3A_55 {strides = array<i32>} : memref<64x128xf32, #tpu.memory_space<vmem>>, vector<1x16xf32>,
      %swap3A_56 = arith.index_cast %scan3A_30 : i32 to index
      %swap3A_57 = arith.constant 80 : index
      %swap3A_58 = tpu.vector_load %arg8[%swap3A_56, %swap3A_57] {strides = array<i32>} : memref<64x128xf32, #tpu.memory_space<vmem>>, vector<1x16xf32>,
      %swap3A_59 = vector.shape_cast %swap3A_58 : vector<1x16xf32> to vector<16xf32>
      %swap3A_60 = vector.shape_cast %broadcast_in_dim3A_1 : vector<16xf32> to vector<1x16xf32>
      tpu.vector_store %arg8[%swap3A_56, %swap3A_57], %swap3A_60 {strides = array<i32>} : memref<64x128xf32, #tpu.memory_space<vmem>>, vector<1x16xf32>,
      %swap3A_61 = arith.index_cast %scan3A_30 : i32 to index
      %swap3A_62 = arith.constant 96 : index
      %swap3A_63 = tpu.vector_load %arg8[%swap3A_61, %swap3A_62] {strides = array<i32>} : memref<64x128xf32, #tpu.memory_space<vmem>>, vector<1x16xf32>,
      %swap3A_64 = vector.shape_cast %swap3A_63 : vector<1x16xf32> to vector<16xf32>
      %swap3A_65 = vector.shape_cast %broadcast_in_dim3A_1 : vector<16xf32> to vector<1x16xf32>
      tpu.vector_store %arg8[%swap3A_61, %swap3A_62], %swap3A_65 {strides = array<i32>} : memref<64x128xf32, #tpu.memory_space<vmem>>, vector<1x16xf32>,
      %swap3A_66 = arith.index_cast %scan3A_30 : i32 to index
      %swap3A_67 = arith.constant 112 : index
      %swap3A_68 = tpu.vector_load %arg8[%swap3A_66, %swap3A_67] {strides = array<i32>} : memref<64x128xf32, #tpu.memory_space<vmem>>, vector<1x16xf32>,
      %swap3A_69 = vector.shape_cast %swap3A_68 : vector<1x16xf32> to vector<16xf32>
      %swap3A_70 = vector.shape_cast %broadcast_in_dim3A_1 : vector<16xf32> to vector<1x16xf32>
      tpu.vector_store %arg8[%swap3A_66, %swap3A_67], %swap3A_70 {strides = array<i32>} : memref<64x128xf32, #tpu.memory_space<vmem>>, vector<1x16xf32>,
      %scan3A_71 = arith.constant 0 : i32
      scf.yield %scan3A_71 : i32
    }
    %scan3A_7 = arith.constant 16 : i32
    %scan3A_8 = arith.constant 0 : i32
    %scan3A_9 = arith.constant 0 : i32
    %scan3A_10 = arith.constant 40 : i32
    %scan3A_11 = arith.addi %scan3A_9, %scan3A_10 : i32
    %scan3A_12 = arith.constant 1 : i32
    %scan3A_13 = scf.for %scan3A_30 = %scan3A_9 to %scan3A_11 step %scan3A_12 iter_args(%scan3A_31 = %scan3A_8) -> (i32)  : i32 {
      %mul3A_32 = arith.constant 640 : i32
      %mul3A_33 = arith.muli %arg1, %mul3A_32 : i32
      %mul3A_34 = arith.constant 16 : i32
      %mul3A_35 = arith.muli %scan3A_30, %mul3A_34 : i32
      %add3A_36 = arith.addi %mul3A_33, %mul3A_35 : i32
      "tpu.region"() ({
        %run_scoped3A = tpu.sem_alloc : memref<!tpu.dma_semaphore, #tpu.memory_space<semaphore_mem>>
        %dma_start3A = arith.constant 0 : i32
        %dma_start3A_38 = arith.constant 0 : i32
        %dma_start3A_39 = tpu.memref_slice %arg8[%dma_start3A, %dma_start3A_38] : memref<64x128xf32, #tpu.memory_space<vmem>> -> memref<16x128xf32, #tpu.memory_space<vmem>>
        %dma_start3A_40 = arith.constant 0 : i32
        %dma_start3A_41 = tpu.memref_slice %arg12[%add3A_36, %dma_start3A_40] : memref<10240x128xf32, #tpu.memory_space<vmem_shared>> -> memref<16x128xf32, #tpu.memory_space<vmem_shared>>
        %dma_start3A_42 = arith.constant 0 : i32
        %dma_start3A_43 = tpu.memref_slice %arg12[%add3A_36, %dma_start3A_42] : memref<10240x128xf32, #tpu.memory_space<vmem_shared>> -> memref<16x128xf32, #tpu.memory_space<vmem_shared>>
        %dma_start3A_44 = arith.constant 0 : i32
        %dma_start3A_45 = arith.constant 0 : i32
        %dma_start3A_46 = tpu.memref_slice %arg8[%dma_start3A_44, %dma_start3A_45] : memref<64x128xf32, #tpu.memory_space<vmem>> -> memref<16x128xf32, #tpu.memory_space<vmem>>
        tpu.enqueue_dma source(%dma_start3A_46 : memref<16x128xf32, #tpu.memory_space<vmem>>) target(%dma_start3A_43 : memref<16x128xf32, #tpu.memory_space<vmem_shared>>) target_semaphore(%run_scoped3A : memref<!tpu.dma_semaphore, #tpu.memory_space<semaphore_mem>>)
        %dma_wait3A = arith.constant 0 : i32
        %dma_wait3A_47 = arith.constant 0 : i32
        %dma_wait3A_48 = tpu.memref_slice %arg8[%dma_wait3A, %dma_wait3A_47] : memref<64x128xf32, #tpu.memory_space<vmem>> -> memref<16x128xf32, #tpu.memory_space<vmem>>
        %dma_wait3A_49 = arith.constant 0 : i32
        %dma_wait3A_50 = tpu.memref_slice %arg12[%add3A_36, %dma_wait3A_49] : memref<10240x128xf32, #tpu.memory_space<vmem_shared>> -> memref<16x128xf32, #tpu.memory_space<vmem_shared>>
        %dma_wait3A_51 = arith.constant 0 : i32
        %dma_wait3A_52 = tpu.memref_slice %arg12[%add3A_36, %dma_wait3A_51] : memref<10240x128xf32, #tpu.memory_space<vmem_shared>> -> memref<16x128xf32, #tpu.memory_space<vmem_shared>>
        %dma_wait3A_53 = arith.constant 0 : i32
        %dma_wait3A_54 = arith.constant 0 : i32
        %dma_wait3A_55 = tpu.memref_slice %arg8[%dma_wait3A_53, %dma_wait3A_54] : memref<64x128xf32, #tpu.memory_space<vmem>> -> memref<16x128xf32, #tpu.memory_space<vmem>>
        tpu.wait_dma2 semaphore(%run_scoped3A : memref<!tpu.dma_semaphore, #tpu.memory_space<semaphore_mem>>) src(%dma_wait3A_55 : memref<16x128xf32, #tpu.memory_space<vmem>>) dst(%dma_wait3A_52 : memref<16x128xf32, #tpu.memory_space<vmem_shared>>)
        tpu.yield
      }) : () -> ()
      %scan3A_37 = arith.constant 0 : i32
      scf.yield %scan3A_37 : i32
    }
    %scan3A_14 = arith.constant 40 : i32
    %barrier3A = arith.constant 0 : index
    tpu.barrier barrier_id(%barrier3A)
    %scan3A_15 = arith.constant 0 : i32
    %scan3A_16 = arith.constant 0 : i32
    %scan3A_17 = arith.constant 4 : i32
    %scan3A_18 = arith.addi %scan3A_16, %scan3A_17 : i32
    %scan3A_19 = arith.constant 1 : i32
    %scan3A_20 = scf.for %scan3A_30 = %scan3A_16 to %scan3A_18 step %scan3A_19 iter_args(%scan3A_31 = %scan3A_15) -> (i32)  : i32 {
      %mul3A_32 = arith.constant 40 : i32
      %mul3A_33 = arith.muli %scan3A_30, %mul3A_32 : i32
      "tpu.region"() ({
        %run_scoped3A = tpu.sem_alloc : memref<!tpu.dma_semaphore, #tpu.memory_space<semaphore_mem>>
        %dma_start3A_80 = arith.constant 0 : i32
        %dma_start3A_81 = tpu.memref_slice %arg3[%add3A, %mul3A_33, %dma_start3A_80] : memref<32x160x64xi32, #tpu.memory_space<hbm>> -> memref<1x40x64xi32, #tpu.memory_space<hbm>>
        %dma_start3A_82 = tpu.memref_squeeze %dma_start3A_81 : memref<1x40x64xi32, #tpu.memory_space<hbm>> -> memref<40x64xi32, #tpu.memory_space<hbm>>
        %dma_start3A_83 = arith.constant 0 : i32
        %dma_start3A_84 = tpu.memref_slice %arg3[%add3A, %mul3A_33, %dma_start3A_83] : memref<32x160x64xi32, #tpu.memory_space<hbm>> -> memref<1x40x64xi32, #tpu.memory_space<hbm>>
        %dma_start3A_85 = tpu.memref_squeeze %dma_start3A_84 : memref<1x40x64xi32, #tpu.memory_space<hbm>> -> memref<40x64xi32, #tpu.memory_space<hbm>>
        tpu.enqueue_dma source(%dma_start3A_85 : memref<40x64xi32, #tpu.memory_space<hbm>>) target(%arg6 : memref<40x64xi32, #tpu.memory_space<vmem>>) target_semaphore(%run_scoped3A : memref<!tpu.dma_semaphore, #tpu.memory_space<semaphore_mem>>)
        %dma_wait3A_86 = arith.constant 0 : i32
        %dma_wait3A_87 = tpu.memref_slice %arg3[%add3A, %mul3A_33, %dma_wait3A_86] : memref<32x160x64xi32, #tpu.memory_space<hbm>> -> memref<1x40x64xi32, #tpu.memory_space<hbm>>
        %dma_wait3A_88 = tpu.memref_squeeze %dma_wait3A_87 : memref<1x40x64xi32, #tpu.memory_space<hbm>> -> memref<40x64xi32, #tpu.memory_space<hbm>>
        %dma_wait3A_89 = arith.constant 0 : i32
        %dma_wait3A_90 = tpu.memref_slice %arg3[%add3A, %mul3A_33, %dma_wait3A_89] : memref<32x160x64xi32, #tpu.memory_space<hbm>> -> memref<1x40x64xi32, #tpu.memory_space<hbm>>
        %dma_wait3A_91 = tpu.memref_squeeze %dma_wait3A_90 : memref<1x40x64xi32, #tpu.memory_space<hbm>> -> memref<40x64xi32, #tpu.memory_space<hbm>>
        tpu.wait_dma2 semaphore(%run_scoped3A : memref<!tpu.dma_semaphore, #tpu.memory_space<semaphore_mem>>) src(%dma_wait3A_91 : memref<40x64xi32, #tpu.memory_space<hbm>>) dst(%arg6 : memref<40x64xi32, #tpu.memory_space<vmem>>)
        tpu.yield
      }) : () -> ()
      %mul3A_34 = arith.constant 40 : i32
      %mul3A_35 = arith.muli %scan3A_30, %mul3A_34 : i32
      "tpu.region"() ({
        %run_scoped3A = tpu.sem_alloc : memref<!tpu.dma_semaphore, #tpu.memory_space<semaphore_mem>>
        %dma_start3A_80 = arith.constant 0 : i32
        %dma_start3A_81 = tpu.memref_slice %arg4[%add3A, %mul3A_35, %dma_start3A_80] : memref<32x160x64xi32, #tpu.memory_space<hbm>> -> memref<1x40x64xi32, #tpu.memory_space<hbm>>
        %dma_start3A_82 = tpu.memref_squeeze %dma_start3A_81 : memref<1x40x64xi32, #tpu.memory_space<hbm>> -> memref<40x64xi32, #tpu.memory_space<hbm>>
        %dma_start3A_83 = arith.constant 0 : i32
        %dma_start3A_84 = tpu.memref_slice %arg4[%add3A, %mul3A_35, %dma_start3A_83] : memref<32x160x64xi32, #tpu.memory_space<hbm>> -> memref<1x40x64xi32, #tpu.memory_space<hbm>>
        %dma_start3A_85 = tpu.memref_squeeze %dma_start3A_84 : memref<1x40x64xi32, #tpu.memory_space<hbm>> -> memref<40x64xi32, #tpu.memory_space<hbm>>
        tpu.enqueue_dma source(%dma_start3A_85 : memref<40x64xi32, #tpu.memory_space<hbm>>) target(%arg7 : memref<40x64xi32, #tpu.memory_space<vmem>>) target_semaphore(%run_scoped3A : memref<!tpu.dma_semaphore, #tpu.memory_space<semaphore_mem>>)
        %dma_wait3A_86 = arith.constant 0 : i32
        %dma_wait3A_87 = tpu.memref_slice %arg4[%add3A, %mul3A_35, %dma_wait3A_86] : memref<32x160x64xi32, #tpu.memory_space<hbm>> -> memref<1x40x64xi32, #tpu.memory_space<hbm>>
        %dma_wait3A_88 = tpu.memref_squeeze %dma_wait3A_87 : memref<1x40x64xi32, #tpu.memory_space<hbm>> -> memref<40x64xi32, #tpu.memory_space<hbm>>
        %dma_wait3A_89 = arith.constant 0 : i32
        %dma_wait3A_90 = tpu.memref_slice %arg4[%add3A, %mul3A_35, %dma_wait3A_89] : memref<32x160x64xi32, #tpu.memory_space<hbm>> -> memref<1x40x64xi32, #tpu.memory_space<hbm>>
        %dma_wait3A_91 = tpu.memref_squeeze %dma_wait3A_90 : memref<1x40x64xi32, #tpu.memory_space<hbm>> -> memref<40x64xi32, #tpu.memory_space<hbm>>
        tpu.wait_dma2 semaphore(%run_scoped3A : memref<!tpu.dma_semaphore, #tpu.memory_space<semaphore_mem>>) src(%dma_wait3A_91 : memref<40x64xi32, #tpu.memory_space<hbm>>) dst(%arg7 : memref<40x64xi32, #tpu.memory_space<vmem>>)
        tpu.yield
      }) : () -> ()
      %dma_start3A = arith.constant 0 : i32
      %dma_start3A_36 = arith.constant 0 : i32
      %dma_start3A_37 = tpu.memref_slice %arg6[%dma_start3A, %dma_start3A_36] : memref<40x64xi32, #tpu.memory_space<vmem>> -> memref<1x64xi32, #tpu.memory_space<vmem>>
      %dma_start3A_38 = tpu.memref_squeeze %dma_start3A_37 : memref<1x64xi32, #tpu.memory_space<vmem>> -> memref<64xi32, #tpu.memory_space<vmem>>
      %dma_start3A_39 = arith.constant 0 : i32
      %dma_start3A_40 = arith.constant 0 : i32
      %dma_start3A_41 = tpu.memref_slice %arg2[%dma_start3A_39, %dma_start3A_40] : memref<10240x128xf32, #tpu.memory_space<hbm>> -> memref<10240x128xf32, #tpu.memory_space<hbm>>
      tpu.enqueue_indirect_dma source(%dma_start3A_41 : memref<10240x128xf32, #tpu.memory_space<hbm>>) target(%arg8 : memref<64x128xf32, #tpu.memory_space<vmem>>) offsets(%dma_start3A_38 : memref<64xi32, #tpu.memory_space<vmem>>) semaphore(%arg13 : memref<!tpu.dma_semaphore, #tpu.memory_space<semaphore_mem>>)
      %dma_start3A_42 = arith.constant 1 : i32
      %dma_start3A_43 = arith.constant 0 : i32
      %dma_start3A_44 = tpu.memref_slice %arg6[%dma_start3A_42, %dma_start3A_43] : memref<40x64xi32, #tpu.memory_space<vmem>> -> memref<1x64xi32, #tpu.memory_space<vmem>>
      %dma_start3A_45 = tpu.memref_squeeze %dma_start3A_44 : memref<1x64xi32, #tpu.memory_space<vmem>> -> memref<64xi32, #tpu.memory_space<vmem>>
      %dma_start3A_46 = arith.constant 0 : i32
      %dma_start3A_47 = arith.constant 0 : i32
      %dma_start3A_48 = tpu.memref_slice %arg2[%dma_start3A_46, %dma_start3A_47] : memref<10240x128xf32, #tpu.memory_space<hbm>> -> memref<10240x128xf32, #tpu.memory_space<hbm>>
      tpu.enqueue_indirect_dma source(%dma_start3A_48 : memref<10240x128xf32, #tpu.memory_space<hbm>>) target(%arg9 : memref<64x128xf32, #tpu.memory_space<vmem>>) offsets(%dma_start3A_45 : memref<64xi32, #tpu.memory_space<vmem>>) semaphore(%arg14 : memref<!tpu.dma_semaphore, #tpu.memory_space<semaphore_mem>>)
      %scan3A_49 = arith.constant 0 : i32
      %scan3A_50 = arith.constant 0 : i32
      %scan3A_51 = arith.constant 10 : i32
      %scan3A_52 = arith.addi %scan3A_50, %scan3A_51 : i32
      %scan3A_53 = arith.constant 1 : i32
      %scan3A_54 = scf.for %scan3A_80 = %scan3A_50 to %scan3A_52 step %scan3A_53 iter_args(%scan3A_81 = %scan3A_49) -> (i32)  : i32 {
        %mul3A_82 = arith.constant 4 : i32
        %mul3A_83 = arith.muli %mul3A_82, %scan3A_80 : i32
        %add3A_84 = arith.constant 0 : i32
        %add3A_85 = arith.addi %mul3A_83, %add3A_84 : i32
        %dma_wait3A_86 = arith.constant 0 : i32
        %dma_wait3A_87 = arith.constant 0 : i32
        %dma_wait3A_88 = tpu.memref_slice %arg2[%dma_wait3A_86, %dma_wait3A_87] : memref<10240x128xf32, #tpu.memory_space<hbm>> -> memref<64x128xf32, #tpu.memory_space<hbm>>
        %dma_wait3A_89 = arith.constant 0 : i32
        %dma_wait3A_90 = arith.constant 0 : i32
        %dma_wait3A_91 = tpu.memref_slice %arg2[%dma_wait3A_89, %dma_wait3A_90] : memref<10240x128xf32, #tpu.memory_space<hbm>> -> memref<64x128xf32, #tpu.memory_space<hbm>>
        tpu.wait_dma2 semaphore(%arg13 : memref<!tpu.dma_semaphore, #tpu.memory_space<semaphore_mem>>) src(%dma_wait3A_91 : memref<64x128xf32, #tpu.memory_space<hbm>>) dst(%arg8 : memref<64x128xf32, #tpu.memory_space<vmem>>)
        %dma_start3A_92 = arith.constant 0 : i32
        %dma_start3A_93 = tpu.memref_slice %arg7[%add3A_85, %dma_start3A_92] : memref<40x64xi32, #tpu.memory_space<vmem>> -> memref<1x64xi32, #tpu.memory_space<vmem>>
        %dma_start3A_94 = tpu.memref_squeeze %dma_start3A_93 : memref<1x64xi32, #tpu.memory_space<vmem>> -> memref<64xi32, #tpu.memory_space<vmem>>
        %dma_start3A_95 = arith.constant 0 : i32
        %dma_start3A_96 = arith.constant 0 : i32
        %dma_start3A_97 = tpu.memref_slice %arg12[%dma_start3A_95, %dma_start3A_96] : memref<10240x128xf32, #tpu.memory_space<vmem_shared>> -> memref<10240x128xf32, #tpu.memory_space<vmem_shared>>
        tpu.enqueue_indirect_dma source(%arg8 : memref<64x128xf32, #tpu.memory_space<vmem>>) target(%dma_start3A_97 : memref<10240x128xf32, #tpu.memory_space<vmem_shared>>) offsets(%dma_start3A_94 : memref<64xi32, #tpu.memory_space<vmem>>) semaphore(%arg17 : memref<!tpu.dma_semaphore, #tpu.memory_space<semaphore_mem>>) {add = true}
        %add3A_98 = arith.constant 2 : i32
        %add3A_99 = arith.addi %add3A_85, %add3A_98 : i32
        %lt3A = arith.constant 40 : i32
        %lt3A_100 = arith.cmpi slt, %add3A_99, %lt3A : i32
        %convert_element_type3A = arith.extui %lt3A_100 : i1 to i32
        %cond3A = arith.constant 0 : i32
        %cond3A_101 = arith.cmpi ne, %convert_element_type3A, %cond3A : i32
        scf.if %cond3A_101 {
          %ge3A = arith.constant 2 : i32
          %ge3A_172 = arith.cmpi sge, %add3A_85, %ge3A : i32
          %convert_element_type3A_173 = arith.extui %ge3A_172 : i1 to i32
          %cond3A_174 = arith.constant 0 : i32
          %cond3A_175 = arith.cmpi ne, %convert_element_type3A_173, %cond3A_174 : i32
          scf.if %cond3A_175 {
            %dma_wait3A_184 = arith.constant 0 : i32
            %dma_wait3A_185 = arith.constant 0 : i32
            %dma_wait3A_186 = tpu.memref_slice %arg2[%dma_wait3A_184, %dma_wait3A_185] : memref<10240x128xf32, #tpu.memory_space<hbm>> -> memref<64x128xf32, #tpu.memory_space<hbm>>
            %dma_wait3A_187 = arith.constant 0 : i32
            %dma_wait3A_188 = arith.constant 0 : i32
            %dma_wait3A_189 = tpu.memref_slice %arg2[%dma_wait3A_187, %dma_wait3A_188] : memref<10240x128xf32, #tpu.memory_space<hbm>> -> memref<64x128xf32, #tpu.memory_space<hbm>>
            tpu.wait_dma2 semaphore(%arg19 : memref<!tpu.dma_semaphore, #tpu.memory_space<semaphore_mem>>) src(%dma_wait3A_189 : memref<64x128xf32, #tpu.memory_space<hbm>>) dst(%arg10 : memref<64x128xf32, #tpu.memory_space<vmem>>)
          } else {
          }
          %add3A_176 = arith.constant 2 : i32
          %add3A_177 = arith.addi %add3A_85, %add3A_176 : i32
          %dma_start3A_178 = arith.constant 0 : i32
          %dma_start3A_179 = tpu.memref_slice %arg6[%add3A_177, %dma_start3A_178] : memref<40x64xi32, #tpu.memory_space<vmem>> -> memref<1x64xi32, #tpu.memory_space<vmem>>
          %dma_start3A_180 = tpu.memref_squeeze %dma_start3A_179 : memref<1x64xi32, #tpu.memory_space<vmem>> -> memref<64xi32, #tpu.memory_space<vmem>>
          %dma_start3A_181 = arith.constant 0 : i32
          %dma_start3A_182 = arith.constant 0 : i32
          %dma_start3A_183 = tpu.memref_slice %arg2[%dma_start3A_181, %dma_start3A_182] : memref<10240x128xf32, #tpu.memory_space<hbm>> -> memref<10240x128xf32, #tpu.memory_space<hbm>>
          tpu.enqueue_indirect_dma source(%dma_start3A_183 : memref<10240x128xf32, #tpu.memory_space<hbm>>) target(%arg10 : memref<64x128xf32, #tpu.memory_space<vmem>>) offsets(%dma_start3A_180 : memref<64xi32, #tpu.memory_space<vmem>>) semaphore(%arg15 : memref<!tpu.dma_semaphore, #tpu.memory_space<semaphore_mem>>)
        } else {
        }
        %mul3A_102 = arith.constant 4 : i32
        %mul3A_103 = arith.muli %mul3A_102, %scan3A_80 : i32
        %add3A_104 = arith.constant 1 : i32
        %add3A_105 = arith.addi %mul3A_103, %add3A_104 : i32
        %dma_wait3A_106 = arith.constant 0 : i32
        %dma_wait3A_107 = arith.constant 0 : i32
        %dma_wait3A_108 = tpu.memref_slice %arg2[%dma_wait3A_106, %dma_wait3A_107] : memref<10240x128xf32, #tpu.memory_space<hbm>> -> memref<64x128xf32, #tpu.memory_space<hbm>>
        %dma_wait3A_109 = arith.constant 0 : i32
        %dma_wait3A_110 = arith.constant 0 : i32
        %dma_wait3A_111 = tpu.memref_slice %arg2[%dma_wait3A_109, %dma_wait3A_110] : memref<10240x128xf32, #tpu.memory_space<hbm>> -> memref<64x128xf32, #tpu.memory_space<hbm>>
        tpu.wait_dma2 semaphore(%arg14 : memref<!tpu.dma_semaphore, #tpu.memory_space<semaphore_mem>>) src(%dma_wait3A_111 : memref<64x128xf32, #tpu.memory_space<hbm>>) dst(%arg9 : memref<64x128xf32, #tpu.memory_space<vmem>>)
        %dma_start3A_112 = arith.constant 0 : i32
        %dma_start3A_113 = tpu.memref_slice %arg7[%add3A_105, %dma_start3A_112] : memref<40x64xi32, #tpu.memory_space<vmem>> -> memref<1x64xi32, #tpu.memory_space<vmem>>
        %dma_start3A_114 = tpu.memref_squeeze %dma_start3A_113 : memref<1x64xi32, #tpu.memory_space<vmem>> -> memref<64xi32, #tpu.memory_space<vmem>>
        %dma_start3A_115 = arith.constant 0 : i32
        %dma_start3A_116 = arith.constant 0 : i32
        %dma_start3A_117 = tpu.memref_slice %arg12[%dma_start3A_115, %dma_start3A_116] : memref<10240x128xf32, #tpu.memory_space<vmem_shared>> -> memref<10240x128xf32, #tpu.memory_space<vmem_shared>>
        tpu.enqueue_indirect_dma source(%arg9 : memref<64x128xf32, #tpu.memory_space<vmem>>) target(%dma_start3A_117 : memref<10240x128xf32, #tpu.memory_space<vmem_shared>>) offsets(%dma_start3A_114 : memref<64xi32, #tpu.memory_space<vmem>>) semaphore(%arg18 : memref<!tpu.dma_semaphore, #tpu.memory_space<semaphore_mem>>) {add = true}
        %add3A_118 = arith.constant 2 : i32
        %add3A_119 = arith.addi %add3A_105, %add3A_118 : i32
        %lt3A_120 = arith.constant 40 : i32
        %lt3A_121 = arith.cmpi slt, %add3A_119, %lt3A_120 : i32
        %convert_element_type3A_122 = arith.extui %lt3A_121 : i1 to i32
        %cond3A_123 = arith.constant 0 : i32
        %cond3A_124 = arith.cmpi ne, %convert_element_type3A_122, %cond3A_123 : i32
        scf.if %cond3A_124 {
          %ge3A = arith.constant 2 : i32
          %ge3A_172 = arith.cmpi sge, %add3A_105, %ge3A : i32
          %convert_element_type3A_173 = arith.extui %ge3A_172 : i1 to i32
          %cond3A_174 = arith.constant 0 : i32
          %cond3A_175 = arith.cmpi ne, %convert_element_type3A_173, %cond3A_174 : i32
          scf.if %cond3A_175 {
            %dma_wait3A_184 = arith.constant 0 : i32
            %dma_wait3A_185 = arith.constant 0 : i32
            %dma_wait3A_186 = tpu.memref_slice %arg2[%dma_wait3A_184, %dma_wait3A_185] : memref<10240x128xf32, #tpu.memory_space<hbm>> -> memref<64x128xf32, #tpu.memory_space<hbm>>
            %dma_wait3A_187 = arith.constant 0 : i32
            %dma_wait3A_188 = arith.constant 0 : i32
            %dma_wait3A_189 = tpu.memref_slice %arg2[%dma_wait3A_187, %dma_wait3A_188] : memref<10240x128xf32, #tpu.memory_space<hbm>> -> memref<64x128xf32, #tpu.memory_space<hbm>>
            tpu.wait_dma2 semaphore(%arg20 : memref<!tpu.dma_semaphore, #tpu.memory_space<semaphore_mem>>) src(%dma_wait3A_189 : memref<64x128xf32, #tpu.memory_space<hbm>>) dst(%arg11 : memref<64x128xf32, #tpu.memory_space<vmem>>)
          } else {
          }
          %add3A_176 = arith.constant 2 : i32
          %add3A_177 = arith.addi %add3A_105, %add3A_176 : i32
          %dma_start3A_178 = arith.constant 0 : i32
          %dma_start3A_179 = tpu.memref_slice %arg6[%add3A_177, %dma_start3A_178] : memref<40x64xi32, #tpu.memory_space<vmem>> -> memref<1x64xi32, #tpu.memory_space<vmem>>
          %dma_start3A_180 = tpu.memref_squeeze %dma_start3A_179 : memref<1x64xi32, #tpu.memory_space<vmem>> -> memref<64xi32, #tpu.memory_space<vmem>>
          %dma_start3A_181 = arith.constant 0 : i32
          %dma_start3A_182 = arith.constant 0 : i32
          %dma_start3A_183 = tpu.memref_slice %arg2[%dma_start3A_181, %dma_start3A_182] : memref<10240x128xf32, #tpu.memory_space<hbm>> -> memref<10240x128xf32, #tpu.memory_space<hbm>>
          tpu.enqueue_indirect_dma source(%dma_start3A_183 : memref<10240x128xf32, #tpu.memory_space<hbm>>) target(%arg11 : memref<64x128xf32, #tpu.memory_space<vmem>>) offsets(%dma_start3A_180 : memref<64xi32, #tpu.memory_space<vmem>>) semaphore(%arg16 : memref<!tpu.dma_semaphore, #tpu.memory_space<semaphore_mem>>)
        } else {
        }
        %mul3A_125 = arith.constant 4 : i32
        %mul3A_126 = arith.muli %mul3A_125, %scan3A_80 : i32
        %add3A_127 = arith.constant 2 : i32
        %add3A_128 = arith.addi %mul3A_126, %add3A_127 : i32
        %dma_wait3A_129 = arith.constant 0 : i32
        %dma_wait3A_130 = arith.constant 0 : i32
        %dma_wait3A_131 = tpu.memref_slice %arg2[%dma_wait3A_129, %dma_wait3A_130] : memref<10240x128xf32, #tpu.memory_space<hbm>> -> memref<64x128xf32, #tpu.memory_space<hbm>>
        %dma_wait3A_132 = arith.constant 0 : i32
        %dma_wait3A_133 = arith.constant 0 : i32
        %dma_wait3A_134 = tpu.memref_slice %arg2[%dma_wait3A_132, %dma_wait3A_133] : memref<10240x128xf32, #tpu.memory_space<hbm>> -> memref<64x128xf32, #tpu.memory_space<hbm>>
        tpu.wait_dma2 semaphore(%arg15 : memref<!tpu.dma_semaphore, #tpu.memory_space<semaphore_mem>>) src(%dma_wait3A_134 : memref<64x128xf32, #tpu.memory_space<hbm>>) dst(%arg10 : memref<64x128xf32, #tpu.memory_space<vmem>>)
        %dma_start3A_135 = arith.constant 0 : i32
        %dma_start3A_136 = tpu.memref_slice %arg7[%add3A_128, %dma_start3A_135] : memref<40x64xi32, #tpu.memory_space<vmem>> -> memref<1x64xi32, #tpu.memory_space<vmem>>
        %dma_start3A_137 = tpu.memref_squeeze %dma_start3A_136 : memref<1x64xi32, #tpu.memory_space<vmem>> -> memref<64xi32, #tpu.memory_space<vmem>>
        %dma_start3A_138 = arith.constant 0 : i32
        %dma_start3A_139 = arith.constant 0 : i32
        %dma_start3A_140 = tpu.memref_slice %arg12[%dma_start3A_138, %dma_start3A_139] : memref<10240x128xf32, #tpu.memory_space<vmem_shared>> -> memref<10240x128xf32, #tpu.memory_space<vmem_shared>>
        tpu.enqueue_indirect_dma source(%arg10 : memref<64x128xf32, #tpu.memory_space<vmem>>) target(%dma_start3A_140 : memref<10240x128xf32, #tpu.memory_space<vmem_shared>>) offsets(%dma_start3A_137 : memref<64xi32, #tpu.memory_space<vmem>>) semaphore(%arg19 : memref<!tpu.dma_semaphore, #tpu.memory_space<semaphore_mem>>) {add = true}
        %add3A_141 = arith.constant 2 : i32
        %add3A_142 = arith.addi %add3A_128, %add3A_141 : i32
        %lt3A_143 = arith.constant 40 : i32
        %lt3A_144 = arith.cmpi slt, %add3A_142, %lt3A_143 : i32
        %convert_element_type3A_145 = arith.extui %lt3A_144 : i1 to i32
        %cond3A_146 = arith.constant 0 : i32
        %cond3A_147 = arith.cmpi ne, %convert_element_type3A_145, %cond3A_146 : i32
        scf.if %cond3A_147 {
          %ge3A = arith.constant 2 : i32
          %ge3A_172 = arith.cmpi sge, %add3A_128, %ge3A : i32
          %convert_element_type3A_173 = arith.extui %ge3A_172 : i1 to i32
          %cond3A_174 = arith.constant 0 : i32
          %cond3A_175 = arith.cmpi ne, %convert_element_type3A_173, %cond3A_174 : i32
          scf.if %cond3A_175 {
            %dma_wait3A_184 = arith.constant 0 : i32
            %dma_wait3A_185 = arith.constant 0 : i32
            %dma_wait3A_186 = tpu.memref_slice %arg2[%dma_wait3A_184, %dma_wait3A_185] : memref<10240x128xf32, #tpu.memory_space<hbm>> -> memref<64x128xf32, #tpu.memory_space<hbm>>
            %dma_wait3A_187 = arith.constant 0 : i32
            %dma_wait3A_188 = arith.constant 0 : i32
            %dma_wait3A_189 = tpu.memref_slice %arg2[%dma_wait3A_187, %dma_wait3A_188] : memref<10240x128xf32, #tpu.memory_space<hbm>> -> memref<64x128xf32, #tpu.memory_space<hbm>>
            tpu.wait_dma2 semaphore(%arg17 : memref<!tpu.dma_semaphore, #tpu.memory_space<semaphore_mem>>) src(%dma_wait3A_189 : memref<64x128xf32, #tpu.memory_space<hbm>>) dst(%arg8 : memref<64x128xf32, #tpu.memory_space<vmem>>)
          } else {
          }
          %add3A_176 = arith.constant 2 : i32
          %add3A_177 = arith.addi %add3A_128, %add3A_176 : i32
          %dma_start3A_178 = arith.constant 0 : i32
          %dma_start3A_179 = tpu.memref_slice %arg6[%add3A_177, %dma_start3A_178] : memref<40x64xi32, #tpu.memory_space<vmem>> -> memref<1x64xi32, #tpu.memory_space<vmem>>
          %dma_start3A_180 = tpu.memref_squeeze %dma_start3A_179 : memref<1x64xi32, #tpu.memory_space<vmem>> -> memref<64xi32, #tpu.memory_space<vmem>>
          %dma_start3A_181 = arith.constant 0 : i32
          %dma_start3A_182 = arith.constant 0 : i32
          %dma_start3A_183 = tpu.memref_slice %arg2[%dma_start3A_181, %dma_start3A_182] : memref<10240x128xf32, #tpu.memory_space<hbm>> -> memref<10240x128xf32, #tpu.memory_space<hbm>>
          tpu.enqueue_indirect_dma source(%dma_start3A_183 : memref<10240x128xf32, #tpu.memory_space<hbm>>) target(%arg8 : memref<64x128xf32, #tpu.memory_space<vmem>>) offsets(%dma_start3A_180 : memref<64xi32, #tpu.memory_space<vmem>>) semaphore(%arg13 : memref<!tpu.dma_semaphore, #tpu.memory_space<semaphore_mem>>)
        } else {
        }
        %mul3A_148 = arith.constant 4 : i32
        %mul3A_149 = arith.muli %mul3A_148, %scan3A_80 : i32
        %add3A_150 = arith.constant 3 : i32
        %add3A_151 = arith.addi %mul3A_149, %add3A_150 : i32
        %dma_wait3A_152 = arith.constant 0 : i32
        %dma_wait3A_153 = arith.constant 0 : i32
        %dma_wait3A_154 = tpu.memref_slice %arg2[%dma_wait3A_152, %dma_wait3A_153] : memref<10240x128xf32, #tpu.memory_space<hbm>> -> memref<64x128xf32, #tpu.memory_space<hbm>>
        %dma_wait3A_155 = arith.constant 0 : i32
        %dma_wait3A_156 = arith.constant 0 : i32
        %dma_wait3A_157 = tpu.memref_slice %arg2[%dma_wait3A_155, %dma_wait3A_156] : memref<10240x128xf32, #tpu.memory_space<hbm>> -> memref<64x128xf32, #tpu.memory_space<hbm>>
        tpu.wait_dma2 semaphore(%arg16 : memref<!tpu.dma_semaphore, #tpu.memory_space<semaphore_mem>>) src(%dma_wait3A_157 : memref<64x128xf32, #tpu.memory_space<hbm>>) dst(%arg11 : memref<64x128xf32, #tpu.memory_space<vmem>>)
        %dma_start3A_158 = arith.constant 0 : i32
        %dma_start3A_159 = tpu.memref_slice %arg7[%add3A_151, %dma_start3A_158] : memref<40x64xi32, #tpu.memory_space<vmem>> -> memref<1x64xi32, #tpu.memory_space<vmem>>
        %dma_start3A_160 = tpu.memref_squeeze %dma_start3A_159 : memref<1x64xi32, #tpu.memory_space<vmem>> -> memref<64xi32, #tpu.memory_space<vmem>>
        %dma_start3A_161 = arith.constant 0 : i32
        %dma_start3A_162 = arith.constant 0 : i32
        %dma_start3A_163 = tpu.memref_slice %arg12[%dma_start3A_161, %dma_start3A_162] : memref<10240x128xf32, #tpu.memory_space<vmem_shared>> -> memref<10240x128xf32, #tpu.memory_space<vmem_shared>>
        tpu.enqueue_indirect_dma source(%arg11 : memref<64x128xf32, #tpu.memory_space<vmem>>) target(%dma_start3A_163 : memref<10240x128xf32, #tpu.memory_space<vmem_shared>>) offsets(%dma_start3A_160 : memref<64xi32, #tpu.memory_space<vmem>>) semaphore(%arg20 : memref<!tpu.dma_semaphore, #tpu.memory_space<semaphore_mem>>) {add = true}
        %add3A_164 = arith.constant 2 : i32
        %add3A_165 = arith.addi %add3A_151, %add3A_164 : i32
        %lt3A_166 = arith.constant 40 : i32
        %lt3A_167 = arith.cmpi slt, %add3A_165, %lt3A_166 : i32
        %convert_element_type3A_168 = arith.extui %lt3A_167 : i1 to i32
        %cond3A_169 = arith.constant 0 : i32
        %cond3A_170 = arith.cmpi ne, %convert_element_type3A_168, %cond3A_169 : i32
        scf.if %cond3A_170 {
          %ge3A = arith.constant 2 : i32
          %ge3A_172 = arith.cmpi sge, %add3A_151, %ge3A : i32
          %convert_element_type3A_173 = arith.extui %ge3A_172 : i1 to i32
          %cond3A_174 = arith.constant 0 : i32
          %cond3A_175 = arith.cmpi ne, %convert_element_type3A_173, %cond3A_174 : i32
          scf.if %cond3A_175 {
            %dma_wait3A_184 = arith.constant 0 : i32
            %dma_wait3A_185 = arith.constant 0 : i32
            %dma_wait3A_186 = tpu.memref_slice %arg2[%dma_wait3A_184, %dma_wait3A_185] : memref<10240x128xf32, #tpu.memory_space<hbm>> -> memref<64x128xf32, #tpu.memory_space<hbm>>
            %dma_wait3A_187 = arith.constant 0 : i32
            %dma_wait3A_188 = arith.constant 0 : i32
            %dma_wait3A_189 = tpu.memref_slice %arg2[%dma_wait3A_187, %dma_wait3A_188] : memref<10240x128xf32, #tpu.memory_space<hbm>> -> memref<64x128xf32, #tpu.memory_space<hbm>>
            tpu.wait_dma2 semaphore(%arg18 : memref<!tpu.dma_semaphore, #tpu.memory_space<semaphore_mem>>) src(%dma_wait3A_189 : memref<64x128xf32, #tpu.memory_space<hbm>>) dst(%arg9 : memref<64x128xf32, #tpu.memory_space<vmem>>)
          } else {
          }
          %add3A_176 = arith.constant 2 : i32
          %add3A_177 = arith.addi %add3A_151, %add3A_176 : i32
          %dma_start3A_178 = arith.constant 0 : i32
          %dma_start3A_179 = tpu.memref_slice %arg6[%add3A_177, %dma_start3A_178] : memref<40x64xi32, #tpu.memory_space<vmem>> -> memref<1x64xi32, #tpu.memory_space<vmem>>
          %dma_start3A_180 = tpu.memref_squeeze %dma_start3A_179 : memref<1x64xi32, #tpu.memory_space<vmem>> -> memref<64xi32, #tpu.memory_space<vmem>>
          %dma_start3A_181 = arith.constant 0 : i32
          %dma_start3A_182 = arith.constant 0 : i32
          %dma_start3A_183 = tpu.memref_slice %arg2[%dma_start3A_181, %dma_start3A_182] : memref<10240x128xf32, #tpu.memory_space<hbm>> -> memref<10240x128xf32, #tpu.memory_space<hbm>>
          tpu.enqueue_indirect_dma source(%dma_start3A_183 : memref<10240x128xf32, #tpu.memory_space<hbm>>) target(%arg9 : memref<64x128xf32, #tpu.memory_space<vmem>>) offsets(%dma_start3A_180 : memref<64xi32, #tpu.memory_space<vmem>>) semaphore(%arg14 : memref<!tpu.dma_semaphore, #tpu.memory_space<semaphore_mem>>)
        } else {
        }
        %scan3A_171 = arith.constant 0 : i32
        scf.yield %scan3A_171 : i32
      }
      %scan3A_55 = arith.constant 10 : i32
      %dma_wait3A = arith.constant 0 : i32
      %dma_wait3A_56 = arith.constant 0 : i32
      %dma_wait3A_57 = tpu.memref_slice %arg2[%dma_wait3A, %dma_wait3A_56] : memref<10240x128xf32, #tpu.memory_space<hbm>> -> memref<64x128xf32, #tpu.memory_space<hbm>>
      %dma_wait3A_58 = arith.constant 0 : i32
      %dma_wait3A_59 = arith.constant 0 : i32
      %dma_wait3A_60 = tpu.memref_slice %arg2[%dma_wait3A_58, %dma_wait3A_59] : memref<10240x128xf32, #tpu.memory_space<hbm>> -> memref<64x128xf32, #tpu.memory_space<hbm>>
      tpu.wait_dma2 semaphore(%arg17 : memref<!tpu.dma_semaphore, #tpu.memory_space<semaphore_mem>>) src(%dma_wait3A_60 : memref<64x128xf32, #tpu.memory_space<hbm>>) dst(%arg8 : memref<64x128xf32, #tpu.memory_space<vmem>>)
      %dma_wait3A_61 = arith.constant 0 : i32
      %dma_wait3A_62 = arith.constant 0 : i32
      %dma_wait3A_63 = tpu.memref_slice %arg2[%dma_wait3A_61, %dma_wait3A_62] : memref<10240x128xf32, #tpu.memory_space<hbm>> -> memref<64x128xf32, #tpu.memory_space<hbm>>
      %dma_wait3A_64 = arith.constant 0 : i32
      %dma_wait3A_65 = arith.constant 0 : i32
      %dma_wait3A_66 = tpu.memref_slice %arg2[%dma_wait3A_64, %dma_wait3A_65] : memref<10240x128xf32, #tpu.memory_space<hbm>> -> memref<64x128xf32, #tpu.memory_space<hbm>>
      tpu.wait_dma2 semaphore(%arg18 : memref<!tpu.dma_semaphore, #tpu.memory_space<semaphore_mem>>) src(%dma_wait3A_66 : memref<64x128xf32, #tpu.memory_space<hbm>>) dst(%arg9 : memref<64x128xf32, #tpu.memory_space<vmem>>)
      %dma_wait3A_67 = arith.constant 0 : i32
      %dma_wait3A_68 = arith.constant 0 : i32
      %dma_wait3A_69 = tpu.memref_slice %arg2[%dma_wait3A_67, %dma_wait3A_68] : memref<10240x128xf32, #tpu.memory_space<hbm>> -> memref<64x128xf32, #tpu.memory_space<hbm>>
      %dma_wait3A_70 = arith.constant 0 : i32
      %dma_wait3A_71 = arith.constant 0 : i32
      %dma_wait3A_72 = tpu.memref_slice %arg2[%dma_wait3A_70, %dma_wait3A_71] : memref<10240x128xf32, #tpu.memory_space<hbm>> -> memref<64x128xf32, #tpu.memory_space<hbm>>
      tpu.wait_dma2 semaphore(%arg19 : memref<!tpu.dma_semaphore, #tpu.memory_space<semaphore_mem>>) src(%dma_wait3A_72 : memref<64x128xf32, #tpu.memory_space<hbm>>) dst(%arg10 : memref<64x128xf32, #tpu.memory_space<vmem>>)
      %dma_wait3A_73 = arith.constant 0 : i32
      %dma_wait3A_74 = arith.constant 0 : i32
      %dma_wait3A_75 = tpu.memref_slice %arg2[%dma_wait3A_73, %dma_wait3A_74] : memref<10240x128xf32, #tpu.memory_space<hbm>> -> memref<64x128xf32, #tpu.memory_space<hbm>>
      %dma_wait3A_76 = arith.constant 0 : i32
      %dma_wait3A_77 = arith.constant 0 : i32
      %dma_wait3A_78 = tpu.memref_slice %arg2[%dma_wait3A_76, %dma_wait3A_77] : memref<10240x128xf32, #tpu.memory_space<hbm>> -> memref<64x128xf32, #tpu.memory_space<hbm>>
      tpu.wait_dma2 semaphore(%arg20 : memref<!tpu.dma_semaphore, #tpu.memory_space<semaphore_mem>>) src(%dma_wait3A_78 : memref<64x128xf32, #tpu.memory_space<hbm>>) dst(%arg11 : memref<64x128xf32, #tpu.memory_space<vmem>>)
      %scan3A_79 = arith.constant 0 : i32
      scf.yield %scan3A_79 : i32
    }
    %scan3A_21 = arith.constant 4 : i32
    %barrier3A_22 = arith.constant 0 : index
    tpu.barrier barrier_id(%barrier3A_22)
    %scan3A_23 = arith.constant 0 : i32
    %scan3A_24 = arith.constant 0 : i32
    %scan3A_25 = arith.constant 10 : i32
    %scan3A_26 = arith.addi %scan3A_24, %scan3A_25 : i32
    %scan3A_27 = arith.constant 1 : i32
    %scan3A_28 = scf.for %scan3A_30 = %scan3A_24 to %scan3A_26 step %scan3A_27 iter_args(%scan3A_31 = %scan3A_23) -> (i32)  : i32 {
      %mul3A_32 = arith.constant 640 : i32
      %mul3A_33 = arith.muli %arg1, %mul3A_32 : i32
      %mul3A_34 = arith.constant 64 : i32
      %mul3A_35 = arith.muli %scan3A_30, %mul3A_34 : i32
      %add3A_36 = arith.addi %mul3A_33, %mul3A_35 : i32
      "tpu.region"() ({
        %run_scoped3A = tpu.sem_alloc : memref<!tpu.dma_semaphore, #tpu.memory_space<semaphore_mem>>
        %dma_start3A = arith.constant 0 : i32
        %dma_start3A_46 = tpu.memref_slice %arg12[%add3A_36, %dma_start3A] : memref<10240x128xf32, #tpu.memory_space<vmem_shared>> -> memref<64x128xf32, #tpu.memory_space<vmem_shared>>
        %dma_start3A_47 = arith.constant 0 : i32
        %dma_start3A_48 = tpu.memref_slice %arg12[%add3A_36, %dma_start3A_47] : memref<10240x128xf32, #tpu.memory_space<vmem_shared>> -> memref<64x128xf32, #tpu.memory_space<vmem_shared>>
        tpu.enqueue_dma source(%dma_start3A_48 : memref<64x128xf32, #tpu.memory_space<vmem_shared>>) target(%arg8 : memref<64x128xf32, #tpu.memory_space<vmem>>) target_semaphore(%run_scoped3A : memref<!tpu.dma_semaphore, #tpu.memory_space<semaphore_mem>>)
        %dma_wait3A = arith.constant 0 : i32
        %dma_wait3A_49 = tpu.memref_slice %arg12[%add3A_36, %dma_wait3A] : memref<10240x128xf32, #tpu.memory_space<vmem_shared>> -> memref<64x128xf32, #tpu.memory_space<vmem_shared>>
        %dma_wait3A_50 = arith.constant 0 : i32
        %dma_wait3A_51 = tpu.memref_slice %arg12[%add3A_36, %dma_wait3A_50] : memref<10240x128xf32, #tpu.memory_space<vmem_shared>> -> memref<64x128xf32, #tpu.memory_space<vmem_shared>>
        tpu.wait_dma2 semaphore(%run_scoped3A : memref<!tpu.dma_semaphore, #tpu.memory_space<semaphore_mem>>) src(%dma_wait3A_51 : memref<64x128xf32, #tpu.memory_space<vmem_shared>>) dst(%arg8 : memref<64x128xf32, #tpu.memory_space<vmem>>)
        tpu.yield
      }) : () -> ()
      %mul3A_37 = arith.constant 10240 : i32
      %mul3A_38 = arith.muli %arg0, %mul3A_37 : i32
      %mul3A_39 = arith.constant 640 : i32
      %mul3A_40 = arith.muli %arg1, %mul3A_39 : i32
      %add3A_41 = arith.addi %mul3A_38, %mul3A_40 : i32
      %mul3A_42 = arith.constant 64 : i32
      %mul3A_43 = arith.muli %scan3A_30, %mul3A_42 : i32
      %add3A_44 = arith.addi %add3A_41, %mul3A_43 : i32
      "tpu.region"() ({
        %run_scoped3A = tpu.sem_alloc : memref<!tpu.dma_semaphore, #tpu.memory_space<semaphore_mem>>
        %dma_start3A = arith.constant 0 : i32
        %dma_start3A_46 = tpu.memref_slice %arg5[%add3A_44, %dma_start3A] : memref<20480x128xf32, #tpu.memory_space<hbm>> -> memref<64x128xf32, #tpu.memory_space<hbm>>
        %dma_start3A_47 = arith.constant 0 : i32
        %dma_start3A_48 = tpu.memref_slice %arg5[%add3A_44, %dma_start3A_47] : memref<20480x128xf32, #tpu.memory_space<hbm>> -> memref<64x128xf32, #tpu.memory_space<hbm>>
        tpu.enqueue_dma source(%arg8 : memref<64x128xf32, #tpu.memory_space<vmem>>) target(%dma_start3A_48 : memref<64x128xf32, #tpu.memory_space<hbm>>) target_semaphore(%run_scoped3A : memref<!tpu.dma_semaphore, #tpu.memory_space<semaphore_mem>>)
        %dma_wait3A = arith.constant 0 : i32
        %dma_wait3A_49 = tpu.memref_slice %arg5[%add3A_44, %dma_wait3A] : memref<20480x128xf32, #tpu.memory_space<hbm>> -> memref<64x128xf32, #tpu.memory_space<hbm>>
        %dma_wait3A_50 = arith.constant 0 : i32
        %dma_wait3A_51 = tpu.memref_slice %arg5[%add3A_44, %dma_wait3A_50] : memref<20480x128xf32, #tpu.memory_space<hbm>> -> memref<64x128xf32, #tpu.memory_space<hbm>>
        tpu.wait_dma2 semaphore(%run_scoped3A : memref<!tpu.dma_semaphore, #tpu.memory_space<semaphore_mem>>) src(%arg8 : memref<64x128xf32, #tpu.memory_space<vmem>>) dst(%dma_wait3A_51 : memref<64x128xf32, #tpu.memory_space<hbm>>)
        tpu.yield
      }) : () -> ()
      %scan3A_45 = arith.constant 0 : i32
      scf.yield %scan3A_45 : i32
    }
    %scan3A_29 = arith.constant 10 : i32
    return
  }
}

#map = affine_map<(d0, d1) -> (0, 0)>
#map1 = affine_map<(d0, d1) -> (0, 0, 0)>
module attributes {stable_mosaic.version = 14 : i64} {
  func.func @_prop_body(%arg0: i32, %arg1: i32, %arg2: memref<10240x128xf32, #tpu.memory_space<hbm>>, %arg3: memref<32x160x64xi32, #tpu.memory_space<hbm>>, %arg4: memref<32x160x64xi32, #tpu.memory_space<hbm>>, %arg5: memref<20480x128xf32, #tpu.memory_space<hbm>>, %arg6: memref<40x64xi32, #tpu.memory_space<vmem>>, %arg7: memref<40x64xi32, #tpu.memory_space<vmem>>, %arg8: memref<64x128xf32, #tpu.memory_space<vmem>>, %arg9: memref<64x128xf32, #tpu.memory_space<vmem>>, %arg10: memref<64x128xf32, #tpu.memory_space<vmem>>, %arg11: memref<64x128xf32, #tpu.memory_space<vmem>>, %arg12: memref<10240x128xf32, #tpu.memory_space<vmem_shared>>, %arg13: memref<!tpu.dma_semaphore, #tpu.memory_space<semaphore_mem>>, %arg14: memref<!tpu.dma_semaphore, #tpu.memory_space<semaphore_mem>>, %arg15: memref<!tpu.dma_semaphore, #tpu.memory_space<semaphore_mem>>, %arg16: memref<!tpu.dma_semaphore, #tpu.memory_space<semaphore_mem>>, %arg17: memref<!tpu.dma_semaphore, #tpu.memory_space<semaphore_mem>>, %arg18: memref<!tpu.dma_semaphore, #tpu.memory_space<semaphore_mem>>, %arg19: memref<!tpu.dma_semaphore, #tpu.memory_space<semaphore_mem>>, %arg20: memref<!tpu.dma_semaphore, #tpu.memory_space<semaphore_mem>>) attributes {dimension_semantics = [#tpu.dimension_semantics<core_parallel>, #tpu.dimension_semantics<subcore_parallel>], iteration_bounds = array<i64: 2, 16>, scalar_prefetch = 0 : i64, scratch_operands = 15 : i64, tpu.core_type = #tpu.core_type<sc_vector_subcore>, window_params = [{transform_indices = #map}, {transform_indices = #map1}, {transform_indices = #map1}, {transform_indices = #map}]} {
    %mul3A = arith.constant 16 : i32
    %mul3A_0 = arith.muli %arg0, %mul3A : i32
    %add3A = arith.addi %mul3A_0, %arg1 : i32
    %broadcast_in_dim3A = arith.constant 0.000000e+00 : f32
    %broadcast_in_dim3A_1 = vector.broadcast %broadcast_in_dim3A : f32 to vector<16xf32>
    %scan3A = arith.constant 0 : i32
    %scan3A_2 = arith.constant 0 : i32
    %scan3A_3 = arith.constant 16 : i32
    %scan3A_4 = arith.addi %scan3A_2, %scan3A_3 : i32
    %scan3A_5 = arith.constant 1 : i32
    %scan3A_6 = scf.for %scan3A_30 = %scan3A_2 to %scan3A_4 step %scan3A_5 iter_args(%scan3A_31 = %scan3A) -> (i32)  : i32 {
      %swap3A = arith.index_cast %scan3A_30 : i32 to index
      %swap3A_32 = arith.constant 0 : index
      %swap3A_33 = tpu.vector_load %arg8[%swap3A, %swap3A_32] {strides = array<i32>} : memref<64x128xf32, #tpu.memory_space<vmem>>, vector<1x16xf32>,
      %swap3A_34 = vector.shape_cast %swap3A_33 : vector<1x16xf32> to vector<16xf32>
      %swap3A_35 = vector.shape_cast %broadcast_in_dim3A_1 : vector<16xf32> to vector<1x16xf32>
      tpu.vector_store %arg8[%swap3A, %swap3A_32], %swap3A_35 {strides = array<i32>} : memref<64x128xf32, #tpu.memory_space<vmem>>, vector<1x16xf32>,
      %swap3A_36 = arith.index_cast %scan3A_30 : i32 to index
      %swap3A_37 = arith.constant 16 : index
      %swap3A_38 = tpu.vector_load %arg8[%swap3A_36, %swap3A_37] {strides = array<i32>} : memref<64x128xf32, #tpu.memory_space<vmem>>, vector<1x16xf32>,
      %swap3A_39 = vector.shape_cast %swap3A_38 : vector<1x16xf32> to vector<16xf32>
      %swap3A_40 = vector.shape_cast %broadcast_in_dim3A_1 : vector<16xf32> to vector<1x16xf32>
      tpu.vector_store %arg8[%swap3A_36, %swap3A_37], %swap3A_40 {strides = array<i32>} : memref<64x128xf32, #tpu.memory_space<vmem>>, vector<1x16xf32>,
      %swap3A_41 = arith.index_cast %scan3A_30 : i32 to index
      %swap3A_42 = arith.constant 32 : index
      %swap3A_43 = tpu.vector_load %arg8[%swap3A_41, %swap3A_42] {strides = array<i32>} : memref<64x128xf32, #tpu.memory_space<vmem>>, vector<1x16xf32>,
      %swap3A_44 = vector.shape_cast %swap3A_43 : vector<1x16xf32> to vector<16xf32>
      %swap3A_45 = vector.shape_cast %broadcast_in_dim3A_1 : vector<16xf32> to vector<1x16xf32>
      tpu.vector_store %arg8[%swap3A_41, %swap3A_42], %swap3A_45 {strides = array<i32>} : memref<64x128xf32, #tpu.memory_space<vmem>>, vector<1x16xf32>,
      %swap3A_46 = arith.index_cast %scan3A_30 : i32 to index
      %swap3A_47 = arith.constant 48 : index
      %swap3A_48 = tpu.vector_load %arg8[%swap3A_46, %swap3A_47] {strides = array<i32>} : memref<64x128xf32, #tpu.memory_space<vmem>>, vector<1x16xf32>,
      %swap3A_49 = vector.shape_cast %swap3A_48 : vector<1x16xf32> to vector<16xf32>
      %swap3A_50 = vector.shape_cast %broadcast_in_dim3A_1 : vector<16xf32> to vector<1x16xf32>
      tpu.vector_store %arg8[%swap3A_46, %swap3A_47], %swap3A_50 {strides = array<i32>} : memref<64x128xf32, #tpu.memory_space<vmem>>, vector<1x16xf32>,
      %swap3A_51 = arith.index_cast %scan3A_30 : i32 to index
      %swap3A_52 = arith.constant 64 : index
      %swap3A_53 = tpu.vector_load %arg8[%swap3A_51, %swap3A_52] {strides = array<i32>} : memref<64x128xf32, #tpu.memory_space<vmem>>, vector<1x16xf32>,
      %swap3A_54 = vector.shape_cast %swap3A_53 : vector<1x16xf32> to vector<16xf32>
      %swap3A_55 = vector.shape_cast %broadcast_in_dim3A_1 : vector<16xf32> to vector<1x16xf32>
      tpu.vector_store %arg8[%swap3A_51, %swap3A_52], %swap3A_55 {strides = array<i32>} : memref<64x128xf32, #tpu.memory_space<vmem>>, vector<1x16xf32>,
      %swap3A_56 = arith.index_cast %scan3A_30 : i32 to index
      %swap3A_57 = arith.constant 80 : index
      %swap3A_58 = tpu.vector_load %arg8[%swap3A_56, %swap3A_57] {strides = array<i32>} : memref<64x128xf32, #tpu.memory_space<vmem>>, vector<1x16xf32>,
      %swap3A_59 = vector.shape_cast %swap3A_58 : vector<1x16xf32> to vector<16xf32>
      %swap3A_60 = vector.shape_cast %broadcast_in_dim3A_1 : vector<16xf32> to vector<1x16xf32>
      tpu.vector_store %arg8[%swap3A_56, %swap3A_57], %swap3A_60 {strides = array<i32>} : memref<64x128xf32, #tpu.memory_space<vmem>>, vector<1x16xf32>,
      %swap3A_61 = arith.index_cast %scan3A_30 : i32 to index
      %swap3A_62 = arith.constant 96 : index
      %swap3A_63 = tpu.vector_load %arg8[%swap3A_61, %swap3A_62] {strides = array<i32>} : memref<64x128xf32, #tpu.memory_space<vmem>>, vector<1x16xf32>,
      %swap3A_64 = vector.shape_cast %swap3A_63 : vector<1x16xf32> to vector<16xf32>
      %swap3A_65 = vector.shape_cast %broadcast_in_dim3A_1 : vector<16xf32> to vector<1x16xf32>
      tpu.vector_store %arg8[%swap3A_61, %swap3A_62], %swap3A_65 {strides = array<i32>} : memref<64x128xf32, #tpu.memory_space<vmem>>, vector<1x16xf32>,
      %swap3A_66 = arith.index_cast %scan3A_30 : i32 to index
      %swap3A_67 = arith.constant 112 : index
      %swap3A_68 = tpu.vector_load %arg8[%swap3A_66, %swap3A_67] {strides = array<i32>} : memref<64x128xf32, #tpu.memory_space<vmem>>, vector<1x16xf32>,
      %swap3A_69 = vector.shape_cast %swap3A_68 : vector<1x16xf32> to vector<16xf32>
      %swap3A_70 = vector.shape_cast %broadcast_in_dim3A_1 : vector<16xf32> to vector<1x16xf32>
      tpu.vector_store %arg8[%swap3A_66, %swap3A_67], %swap3A_70 {strides = array<i32>} : memref<64x128xf32, #tpu.memory_space<vmem>>, vector<1x16xf32>,
      %scan3A_71 = arith.constant 0 : i32
      scf.yield %scan3A_71 : i32
    }
    %scan3A_7 = arith.constant 16 : i32
    %scan3A_8 = arith.constant 0 : i32
    %scan3A_9 = arith.constant 0 : i32
    %scan3A_10 = arith.constant 40 : i32
    %scan3A_11 = arith.addi %scan3A_9, %scan3A_10 : i32
    %scan3A_12 = arith.constant 1 : i32
    %scan3A_13 = scf.for %scan3A_30 = %scan3A_9 to %scan3A_11 step %scan3A_12 iter_args(%scan3A_31 = %scan3A_8) -> (i32)  : i32 {
      %mul3A_32 = arith.constant 640 : i32
      %mul3A_33 = arith.muli %arg1, %mul3A_32 : i32
      %mul3A_34 = arith.constant 16 : i32
      %mul3A_35 = arith.muli %scan3A_30, %mul3A_34 : i32
      %add3A_36 = arith.addi %mul3A_33, %mul3A_35 : i32
      "tpu.region"() ({
        %run_scoped3A = tpu.sem_alloc : memref<!tpu.dma_semaphore, #tpu.memory_space<semaphore_mem>>
        %dma_start3A = arith.constant 0 : i32
        %dma_start3A_38 = arith.constant 0 : i32
        %dma_start3A_39 = tpu.memref_slice %arg8[%dma_start3A, %dma_start3A_38] : memref<64x128xf32, #tpu.memory_space<vmem>> -> memref<16x128xf32, #tpu.memory_space<vmem>>
        %dma_start3A_40 = arith.constant 0 : i32
        %dma_start3A_41 = tpu.memref_slice %arg12[%add3A_36, %dma_start3A_40] : memref<10240x128xf32, #tpu.memory_space<vmem_shared>> -> memref<16x128xf32, #tpu.memory_space<vmem_shared>>
        %dma_start3A_42 = arith.constant 0 : i32
        %dma_start3A_43 = tpu.memref_slice %arg12[%add3A_36, %dma_start3A_42] : memref<10240x128xf32, #tpu.memory_space<vmem_shared>> -> memref<16x128xf32, #tpu.memory_space<vmem_shared>>
        %dma_start3A_44 = arith.constant 0 : i32
        %dma_start3A_45 = arith.constant 0 : i32
        %dma_start3A_46 = tpu.memref_slice %arg8[%dma_start3A_44, %dma_start3A_45] : memref<64x128xf32, #tpu.memory_space<vmem>> -> memref<16x128xf32, #tpu.memory_space<vmem>>
        tpu.enqueue_dma source(%dma_start3A_46 : memref<16x128xf32, #tpu.memory_space<vmem>>) target(%dma_start3A_43 : memref<16x128xf32, #tpu.memory_space<vmem_shared>>) target_semaphore(%run_scoped3A : memref<!tpu.dma_semaphore, #tpu.memory_space<semaphore_mem>>)
        %dma_wait3A = arith.constant 0 : i32
        %dma_wait3A_47 = arith.constant 0 : i32
        %dma_wait3A_48 = tpu.memref_slice %arg8[%dma_wait3A, %dma_wait3A_47] : memref<64x128xf32, #tpu.memory_space<vmem>> -> memref<16x128xf32, #tpu.memory_space<vmem>>
        %dma_wait3A_49 = arith.constant 0 : i32
        %dma_wait3A_50 = tpu.memref_slice %arg12[%add3A_36, %dma_wait3A_49] : memref<10240x128xf32, #tpu.memory_space<vmem_shared>> -> memref<16x128xf32, #tpu.memory_space<vmem_shared>>
        %dma_wait3A_51 = arith.constant 0 : i32
        %dma_wait3A_52 = tpu.memref_slice %arg12[%add3A_36, %dma_wait3A_51] : memref<10240x128xf32, #tpu.memory_space<vmem_shared>> -> memref<16x128xf32, #tpu.memory_space<vmem_shared>>
        %dma_wait3A_53 = arith.constant 0 : i32
        %dma_wait3A_54 = arith.constant 0 : i32
        %dma_wait3A_55 = tpu.memref_slice %arg8[%dma_wait3A_53, %dma_wait3A_54] : memref<64x128xf32, #tpu.memory_space<vmem>> -> memref<16x128xf32, #tpu.memory_space<vmem>>
        tpu.wait_dma2 semaphore(%run_scoped3A : memref<!tpu.dma_semaphore, #tpu.memory_space<semaphore_mem>>) src(%dma_wait3A_55 : memref<16x128xf32, #tpu.memory_space<vmem>>) dst(%dma_wait3A_52 : memref<16x128xf32, #tpu.memory_space<vmem_shared>>)
        tpu.yield
      }) : () -> ()
      %scan3A_37 = arith.constant 0 : i32
      scf.yield %scan3A_37 : i32
    }
    %scan3A_14 = arith.constant 40 : i32
    %barrier3A = arith.constant 0 : index
    tpu.barrier barrier_id(%barrier3A)
    %scan3A_15 = arith.constant 0 : i32
    %scan3A_16 = arith.constant 0 : i32
    %scan3A_17 = arith.constant 4 : i32
    %scan3A_18 = arith.addi %scan3A_16, %scan3A_17 : i32
    %scan3A_19 = arith.constant 1 : i32
    %scan3A_20 = scf.for %scan3A_30 = %scan3A_16 to %scan3A_18 step %scan3A_19 iter_args(%scan3A_31 = %scan3A_15) -> (i32)  : i32 {
      %mul3A_32 = arith.constant 40 : i32
      %mul3A_33 = arith.muli %scan3A_30, %mul3A_32 : i32
      "tpu.region"() ({
        %run_scoped3A = tpu.sem_alloc : memref<!tpu.dma_semaphore, #tpu.memory_space<semaphore_mem>>
        %dma_start3A_80 = arith.constant 0 : i32
        %dma_start3A_81 = tpu.memref_slice %arg3[%add3A, %mul3A_33, %dma_start3A_80] : memref<32x160x64xi32, #tpu.memory_space<hbm>> -> memref<1x40x64xi32, #tpu.memory_space<hbm>>
        %dma_start3A_82 = tpu.memref_squeeze %dma_start3A_81 : memref<1x40x64xi32, #tpu.memory_space<hbm>> -> memref<40x64xi32, #tpu.memory_space<hbm>>
        %dma_start3A_83 = arith.constant 0 : i32
        %dma_start3A_84 = tpu.memref_slice %arg3[%add3A, %mul3A_33, %dma_start3A_83] : memref<32x160x64xi32, #tpu.memory_space<hbm>> -> memref<1x40x64xi32, #tpu.memory_space<hbm>>
        %dma_start3A_85 = tpu.memref_squeeze %dma_start3A_84 : memref<1x40x64xi32, #tpu.memory_space<hbm>> -> memref<40x64xi32, #tpu.memory_space<hbm>>
        tpu.enqueue_dma source(%dma_start3A_85 : memref<40x64xi32, #tpu.memory_space<hbm>>) target(%arg6 : memref<40x64xi32, #tpu.memory_space<vmem>>) target_semaphore(%run_scoped3A : memref<!tpu.dma_semaphore, #tpu.memory_space<semaphore_mem>>)
        %dma_wait3A_86 = arith.constant 0 : i32
        %dma_wait3A_87 = tpu.memref_slice %arg3[%add3A, %mul3A_33, %dma_wait3A_86] : memref<32x160x64xi32, #tpu.memory_space<hbm>> -> memref<1x40x64xi32, #tpu.memory_space<hbm>>
        %dma_wait3A_88 = tpu.memref_squeeze %dma_wait3A_87 : memref<1x40x64xi32, #tpu.memory_space<hbm>> -> memref<40x64xi32, #tpu.memory_space<hbm>>
        %dma_wait3A_89 = arith.constant 0 : i32
        %dma_wait3A_90 = tpu.memref_slice %arg3[%add3A, %mul3A_33, %dma_wait3A_89] : memref<32x160x64xi32, #tpu.memory_space<hbm>> -> memref<1x40x64xi32, #tpu.memory_space<hbm>>
        %dma_wait3A_91 = tpu.memref_squeeze %dma_wait3A_90 : memref<1x40x64xi32, #tpu.memory_space<hbm>> -> memref<40x64xi32, #tpu.memory_space<hbm>>
        tpu.wait_dma2 semaphore(%run_scoped3A : memref<!tpu.dma_semaphore, #tpu.memory_space<semaphore_mem>>) src(%dma_wait3A_91 : memref<40x64xi32, #tpu.memory_space<hbm>>) dst(%arg6 : memref<40x64xi32, #tpu.memory_space<vmem>>)
        tpu.yield
      }) : () -> ()
      %mul3A_34 = arith.constant 40 : i32
      %mul3A_35 = arith.muli %scan3A_30, %mul3A_34 : i32
      "tpu.region"() ({
        %run_scoped3A = tpu.sem_alloc : memref<!tpu.dma_semaphore, #tpu.memory_space<semaphore_mem>>
        %dma_start3A_80 = arith.constant 0 : i32
        %dma_start3A_81 = tpu.memref_slice %arg4[%add3A, %mul3A_35, %dma_start3A_80] : memref<32x160x64xi32, #tpu.memory_space<hbm>> -> memref<1x40x64xi32, #tpu.memory_space<hbm>>
        %dma_start3A_82 = tpu.memref_squeeze %dma_start3A_81 : memref<1x40x64xi32, #tpu.memory_space<hbm>> -> memref<40x64xi32, #tpu.memory_space<hbm>>
        %dma_start3A_83 = arith.constant 0 : i32
        %dma_start3A_84 = tpu.memref_slice %arg4[%add3A, %mul3A_35, %dma_start3A_83] : memref<32x160x64xi32, #tpu.memory_space<hbm>> -> memref<1x40x64xi32, #tpu.memory_space<hbm>>
        %dma_start3A_85 = tpu.memref_squeeze %dma_start3A_84 : memref<1x40x64xi32, #tpu.memory_space<hbm>> -> memref<40x64xi32, #tpu.memory_space<hbm>>
        tpu.enqueue_dma source(%dma_start3A_85 : memref<40x64xi32, #tpu.memory_space<hbm>>) target(%arg7 : memref<40x64xi32, #tpu.memory_space<vmem>>) target_semaphore(%run_scoped3A : memref<!tpu.dma_semaphore, #tpu.memory_space<semaphore_mem>>)
        %dma_wait3A_86 = arith.constant 0 : i32
        %dma_wait3A_87 = tpu.memref_slice %arg4[%add3A, %mul3A_35, %dma_wait3A_86] : memref<32x160x64xi32, #tpu.memory_space<hbm>> -> memref<1x40x64xi32, #tpu.memory_space<hbm>>
        %dma_wait3A_88 = tpu.memref_squeeze %dma_wait3A_87 : memref<1x40x64xi32, #tpu.memory_space<hbm>> -> memref<40x64xi32, #tpu.memory_space<hbm>>
        %dma_wait3A_89 = arith.constant 0 : i32
        %dma_wait3A_90 = tpu.memref_slice %arg4[%add3A, %mul3A_35, %dma_wait3A_89] : memref<32x160x64xi32, #tpu.memory_space<hbm>> -> memref<1x40x64xi32, #tpu.memory_space<hbm>>
        %dma_wait3A_91 = tpu.memref_squeeze %dma_wait3A_90 : memref<1x40x64xi32, #tpu.memory_space<hbm>> -> memref<40x64xi32, #tpu.memory_space<hbm>>
        tpu.wait_dma2 semaphore(%run_scoped3A : memref<!tpu.dma_semaphore, #tpu.memory_space<semaphore_mem>>) src(%dma_wait3A_91 : memref<40x64xi32, #tpu.memory_space<hbm>>) dst(%arg7 : memref<40x64xi32, #tpu.memory_space<vmem>>)
        tpu.yield
      }) : () -> ()
      %dma_start3A = arith.constant 0 : i32
      %dma_start3A_36 = arith.constant 0 : i32
      %dma_start3A_37 = tpu.memref_slice %arg6[%dma_start3A, %dma_start3A_36] : memref<40x64xi32, #tpu.memory_space<vmem>> -> memref<1x64xi32, #tpu.memory_space<vmem>>
      %dma_start3A_38 = tpu.memref_squeeze %dma_start3A_37 : memref<1x64xi32, #tpu.memory_space<vmem>> -> memref<64xi32, #tpu.memory_space<vmem>>
      %dma_start3A_39 = arith.constant 0 : i32
      %dma_start3A_40 = arith.constant 0 : i32
      %dma_start3A_41 = tpu.memref_slice %arg2[%dma_start3A_39, %dma_start3A_40] : memref<10240x128xf32, #tpu.memory_space<hbm>> -> memref<10240x128xf32, #tpu.memory_space<hbm>>
      tpu.enqueue_indirect_dma source(%dma_start3A_41 : memref<10240x128xf32, #tpu.memory_space<hbm>>) target(%arg8 : memref<64x128xf32, #tpu.memory_space<vmem>>) offsets(%dma_start3A_38 : memref<64xi32, #tpu.memory_space<vmem>>) semaphore(%arg13 : memref<!tpu.dma_semaphore, #tpu.memory_space<semaphore_mem>>)
      %dma_start3A_42 = arith.constant 1 : i32
      %dma_start3A_43 = arith.constant 0 : i32
      %dma_start3A_44 = tpu.memref_slice %arg6[%dma_start3A_42, %dma_start3A_43] : memref<40x64xi32, #tpu.memory_space<vmem>> -> memref<1x64xi32, #tpu.memory_space<vmem>>
      %dma_start3A_45 = tpu.memref_squeeze %dma_start3A_44 : memref<1x64xi32, #tpu.memory_space<vmem>> -> memref<64xi32, #tpu.memory_space<vmem>>
      %dma_start3A_46 = arith.constant 0 : i32
      %dma_start3A_47 = arith.constant 0 : i32
      %dma_start3A_48 = tpu.memref_slice %arg2[%dma_start3A_46, %dma_start3A_47] : memref<10240x128xf32, #tpu.memory_space<hbm>> -> memref<10240x128xf32, #tpu.memory_space<hbm>>
      tpu.enqueue_indirect_dma source(%dma_start3A_48 : memref<10240x128xf32, #tpu.memory_space<hbm>>) target(%arg9 : memref<64x128xf32, #tpu.memory_space<vmem>>) offsets(%dma_start3A_45 : memref<64xi32, #tpu.memory_space<vmem>>) semaphore(%arg14 : memref<!tpu.dma_semaphore, #tpu.memory_space<semaphore_mem>>)
      %scan3A_49 = arith.constant 0 : i32
      %scan3A_50 = arith.constant 0 : i32
      %scan3A_51 = arith.constant 10 : i32
      %scan3A_52 = arith.addi %scan3A_50, %scan3A_51 : i32
      %scan3A_53 = arith.constant 1 : i32
      %scan3A_54 = scf.for %scan3A_80 = %scan3A_50 to %scan3A_52 step %scan3A_53 iter_args(%scan3A_81 = %scan3A_49) -> (i32)  : i32 {
        %mul3A_82 = arith.constant 4 : i32
        %mul3A_83 = arith.muli %mul3A_82, %scan3A_80 : i32
        %add3A_84 = arith.constant 0 : i32
        %add3A_85 = arith.addi %mul3A_83, %add3A_84 : i32
        %dma_wait3A_86 = arith.constant 0 : i32
        %dma_wait3A_87 = arith.constant 0 : i32
        %dma_wait3A_88 = tpu.memref_slice %arg2[%dma_wait3A_86, %dma_wait3A_87] : memref<10240x128xf32, #tpu.memory_space<hbm>> -> memref<64x128xf32, #tpu.memory_space<hbm>>
        %dma_wait3A_89 = arith.constant 0 : i32
        %dma_wait3A_90 = arith.constant 0 : i32
        %dma_wait3A_91 = tpu.memref_slice %arg2[%dma_wait3A_89, %dma_wait3A_90] : memref<10240x128xf32, #tpu.memory_space<hbm>> -> memref<64x128xf32, #tpu.memory_space<hbm>>
        tpu.wait_dma2 semaphore(%arg13 : memref<!tpu.dma_semaphore, #tpu.memory_space<semaphore_mem>>) src(%dma_wait3A_91 : memref<64x128xf32, #tpu.memory_space<hbm>>) dst(%arg8 : memref<64x128xf32, #tpu.memory_space<vmem>>)
        %dma_start3A_92 = arith.constant 0 : i32
        %dma_start3A_93 = tpu.memref_slice %arg7[%add3A_85, %dma_start3A_92] : memref<40x64xi32, #tpu.memory_space<vmem>> -> memref<1x64xi32, #tpu.memory_space<vmem>>
        %dma_start3A_94 = tpu.memref_squeeze %dma_start3A_93 : memref<1x64xi32, #tpu.memory_space<vmem>> -> memref<64xi32, #tpu.memory_space<vmem>>
        %dma_start3A_95 = arith.constant 0 : i32
        %dma_start3A_96 = arith.constant 0 : i32
        %dma_start3A_97 = tpu.memref_slice %arg12[%dma_start3A_95, %dma_start3A_96] : memref<10240x128xf32, #tpu.memory_space<vmem_shared>> -> memref<10240x128xf32, #tpu.memory_space<vmem_shared>>
        tpu.enqueue_indirect_dma source(%arg8 : memref<64x128xf32, #tpu.memory_space<vmem>>) target(%dma_start3A_97 : memref<10240x128xf32, #tpu.memory_space<vmem_shared>>) offsets(%dma_start3A_94 : memref<64xi32, #tpu.memory_space<vmem>>) semaphore(%arg17 : memref<!tpu.dma_semaphore, #tpu.memory_space<semaphore_mem>>) {add = true}
        %add3A_98 = arith.constant 2 : i32
        %add3A_99 = arith.addi %add3A_85, %add3A_98 : i32
        %lt3A = arith.constant 40 : i32
        %lt3A_100 = arith.cmpi slt, %add3A_99, %lt3A : i32
        %convert_element_type3A = arith.extui %lt3A_100 : i1 to i32
        %cond3A = arith.constant 0 : i32
        %cond3A_101 = arith.cmpi ne, %convert_element_type3A, %cond3A : i32
        scf.if %cond3A_101 {
          %ge3A = arith.constant 2 : i32
          %ge3A_172 = arith.cmpi sge, %add3A_85, %ge3A : i32
          %convert_element_type3A_173 = arith.extui %ge3A_172 : i1 to i32
          %cond3A_174 = arith.constant 0 : i32
          %cond3A_175 = arith.cmpi ne, %convert_element_type3A_173, %cond3A_174 : i32
          scf.if %cond3A_175 {
            %dma_wait3A_184 = arith.constant 0 : i32
            %dma_wait3A_185 = arith.constant 0 : i32
            %dma_wait3A_186 = tpu.memref_slice %arg2[%dma_wait3A_184, %dma_wait3A_185] : memref<10240x128xf32, #tpu.memory_space<hbm>> -> memref<64x128xf32, #tpu.memory_space<hbm>>
            %dma_wait3A_187 = arith.constant 0 : i32
            %dma_wait3A_188 = arith.constant 0 : i32
            %dma_wait3A_189 = tpu.memref_slice %arg2[%dma_wait3A_187, %dma_wait3A_188] : memref<10240x128xf32, #tpu.memory_space<hbm>> -> memref<64x128xf32, #tpu.memory_space<hbm>>
            tpu.wait_dma2 semaphore(%arg19 : memref<!tpu.dma_semaphore, #tpu.memory_space<semaphore_mem>>) src(%dma_wait3A_189 : memref<64x128xf32, #tpu.memory_space<hbm>>) dst(%arg10 : memref<64x128xf32, #tpu.memory_space<vmem>>)
          } else {
          }
          %add3A_176 = arith.constant 2 : i32
          %add3A_177 = arith.addi %add3A_85, %add3A_176 : i32
          %dma_start3A_178 = arith.constant 0 : i32
          %dma_start3A_179 = tpu.memref_slice %arg6[%add3A_177, %dma_start3A_178] : memref<40x64xi32, #tpu.memory_space<vmem>> -> memref<1x64xi32, #tpu.memory_space<vmem>>
          %dma_start3A_180 = tpu.memref_squeeze %dma_start3A_179 : memref<1x64xi32, #tpu.memory_space<vmem>> -> memref<64xi32, #tpu.memory_space<vmem>>
          %dma_start3A_181 = arith.constant 0 : i32
          %dma_start3A_182 = arith.constant 0 : i32
          %dma_start3A_183 = tpu.memref_slice %arg2[%dma_start3A_181, %dma_start3A_182] : memref<10240x128xf32, #tpu.memory_space<hbm>> -> memref<10240x128xf32, #tpu.memory_space<hbm>>
          tpu.enqueue_indirect_dma source(%dma_start3A_183 : memref<10240x128xf32, #tpu.memory_space<hbm>>) target(%arg10 : memref<64x128xf32, #tpu.memory_space<vmem>>) offsets(%dma_start3A_180 : memref<64xi32, #tpu.memory_space<vmem>>) semaphore(%arg15 : memref<!tpu.dma_semaphore, #tpu.memory_space<semaphore_mem>>)
        } else {
        }
        %mul3A_102 = arith.constant 4 : i32
        %mul3A_103 = arith.muli %mul3A_102, %scan3A_80 : i32
        %add3A_104 = arith.constant 1 : i32
        %add3A_105 = arith.addi %mul3A_103, %add3A_104 : i32
        %dma_wait3A_106 = arith.constant 0 : i32
        %dma_wait3A_107 = arith.constant 0 : i32
        %dma_wait3A_108 = tpu.memref_slice %arg2[%dma_wait3A_106, %dma_wait3A_107] : memref<10240x128xf32, #tpu.memory_space<hbm>> -> memref<64x128xf32, #tpu.memory_space<hbm>>
        %dma_wait3A_109 = arith.constant 0 : i32
        %dma_wait3A_110 = arith.constant 0 : i32
        %dma_wait3A_111 = tpu.memref_slice %arg2[%dma_wait3A_109, %dma_wait3A_110] : memref<10240x128xf32, #tpu.memory_space<hbm>> -> memref<64x128xf32, #tpu.memory_space<hbm>>
        tpu.wait_dma2 semaphore(%arg14 : memref<!tpu.dma_semaphore, #tpu.memory_space<semaphore_mem>>) src(%dma_wait3A_111 : memref<64x128xf32, #tpu.memory_space<hbm>>) dst(%arg9 : memref<64x128xf32, #tpu.memory_space<vmem>>)
        %dma_start3A_112 = arith.constant 0 : i32
        %dma_start3A_113 = tpu.memref_slice %arg7[%add3A_105, %dma_start3A_112] : memref<40x64xi32, #tpu.memory_space<vmem>> -> memref<1x64xi32, #tpu.memory_space<vmem>>
        %dma_start3A_114 = tpu.memref_squeeze %dma_start3A_113 : memref<1x64xi32, #tpu.memory_space<vmem>> -> memref<64xi32, #tpu.memory_space<vmem>>
        %dma_start3A_115 = arith.constant 0 : i32
        %dma_start3A_116 = arith.constant 0 : i32
        %dma_start3A_117 = tpu.memref_slice %arg12[%dma_start3A_115, %dma_start3A_116] : memref<10240x128xf32, #tpu.memory_space<vmem_shared>> -> memref<10240x128xf32, #tpu.memory_space<vmem_shared>>
        tpu.enqueue_indirect_dma source(%arg9 : memref<64x128xf32, #tpu.memory_space<vmem>>) target(%dma_start3A_117 : memref<10240x128xf32, #tpu.memory_space<vmem_shared>>) offsets(%dma_start3A_114 : memref<64xi32, #tpu.memory_space<vmem>>) semaphore(%arg18 : memref<!tpu.dma_semaphore, #tpu.memory_space<semaphore_mem>>) {add = true}
        %add3A_118 = arith.constant 2 : i32
        %add3A_119 = arith.addi %add3A_105, %add3A_118 : i32
        %lt3A_120 = arith.constant 40 : i32
        %lt3A_121 = arith.cmpi slt, %add3A_119, %lt3A_120 : i32
        %convert_element_type3A_122 = arith.extui %lt3A_121 : i1 to i32
        %cond3A_123 = arith.constant 0 : i32
        %cond3A_124 = arith.cmpi ne, %convert_element_type3A_122, %cond3A_123 : i32
        scf.if %cond3A_124 {
          %ge3A = arith.constant 2 : i32
          %ge3A_172 = arith.cmpi sge, %add3A_105, %ge3A : i32
          %convert_element_type3A_173 = arith.extui %ge3A_172 : i1 to i32
          %cond3A_174 = arith.constant 0 : i32
          %cond3A_175 = arith.cmpi ne, %convert_element_type3A_173, %cond3A_174 : i32
          scf.if %cond3A_175 {
            %dma_wait3A_184 = arith.constant 0 : i32
            %dma_wait3A_185 = arith.constant 0 : i32
            %dma_wait3A_186 = tpu.memref_slice %arg2[%dma_wait3A_184, %dma_wait3A_185] : memref<10240x128xf32, #tpu.memory_space<hbm>> -> memref<64x128xf32, #tpu.memory_space<hbm>>
            %dma_wait3A_187 = arith.constant 0 : i32
            %dma_wait3A_188 = arith.constant 0 : i32
            %dma_wait3A_189 = tpu.memref_slice %arg2[%dma_wait3A_187, %dma_wait3A_188] : memref<10240x128xf32, #tpu.memory_space<hbm>> -> memref<64x128xf32, #tpu.memory_space<hbm>>
            tpu.wait_dma2 semaphore(%arg20 : memref<!tpu.dma_semaphore, #tpu.memory_space<semaphore_mem>>) src(%dma_wait3A_189 : memref<64x128xf32, #tpu.memory_space<hbm>>) dst(%arg11 : memref<64x128xf32, #tpu.memory_space<vmem>>)
          } else {
          }
          %add3A_176 = arith.constant 2 : i32
          %add3A_177 = arith.addi %add3A_105, %add3A_176 : i32
          %dma_start3A_178 = arith.constant 0 : i32
          %dma_start3A_179 = tpu.memref_slice %arg6[%add3A_177, %dma_start3A_178] : memref<40x64xi32, #tpu.memory_space<vmem>> -> memref<1x64xi32, #tpu.memory_space<vmem>>
          %dma_start3A_180 = tpu.memref_squeeze %dma_start3A_179 : memref<1x64xi32, #tpu.memory_space<vmem>> -> memref<64xi32, #tpu.memory_space<vmem>>
          %dma_start3A_181 = arith.constant 0 : i32
          %dma_start3A_182 = arith.constant 0 : i32
          %dma_start3A_183 = tpu.memref_slice %arg2[%dma_start3A_181, %dma_start3A_182] : memref<10240x128xf32, #tpu.memory_space<hbm>> -> memref<10240x128xf32, #tpu.memory_space<hbm>>
          tpu.enqueue_indirect_dma source(%dma_start3A_183 : memref<10240x128xf32, #tpu.memory_space<hbm>>) target(%arg11 : memref<64x128xf32, #tpu.memory_space<vmem>>) offsets(%dma_start3A_180 : memref<64xi32, #tpu.memory_space<vmem>>) semaphore(%arg16 : memref<!tpu.dma_semaphore, #tpu.memory_space<semaphore_mem>>)
        } else {
        }
        %mul3A_125 = arith.constant 4 : i32
        %mul3A_126 = arith.muli %mul3A_125, %scan3A_80 : i32
        %add3A_127 = arith.constant 2 : i32
        %add3A_128 = arith.addi %mul3A_126, %add3A_127 : i32
        %dma_wait3A_129 = arith.constant 0 : i32
        %dma_wait3A_130 = arith.constant 0 : i32
        %dma_wait3A_131 = tpu.memref_slice %arg2[%dma_wait3A_129, %dma_wait3A_130] : memref<10240x128xf32, #tpu.memory_space<hbm>> -> memref<64x128xf32, #tpu.memory_space<hbm>>
        %dma_wait3A_132 = arith.constant 0 : i32
        %dma_wait3A_133 = arith.constant 0 : i32
        %dma_wait3A_134 = tpu.memref_slice %arg2[%dma_wait3A_132, %dma_wait3A_133] : memref<10240x128xf32, #tpu.memory_space<hbm>> -> memref<64x128xf32, #tpu.memory_space<hbm>>
        tpu.wait_dma2 semaphore(%arg15 : memref<!tpu.dma_semaphore, #tpu.memory_space<semaphore_mem>>) src(%dma_wait3A_134 : memref<64x128xf32, #tpu.memory_space<hbm>>) dst(%arg10 : memref<64x128xf32, #tpu.memory_space<vmem>>)
        %dma_start3A_135 = arith.constant 0 : i32
        %dma_start3A_136 = tpu.memref_slice %arg7[%add3A_128, %dma_start3A_135] : memref<40x64xi32, #tpu.memory_space<vmem>> -> memref<1x64xi32, #tpu.memory_space<vmem>>
        %dma_start3A_137 = tpu.memref_squeeze %dma_start3A_136 : memref<1x64xi32, #tpu.memory_space<vmem>> -> memref<64xi32, #tpu.memory_space<vmem>>
        %dma_start3A_138 = arith.constant 0 : i32
        %dma_start3A_139 = arith.constant 0 : i32
        %dma_start3A_140 = tpu.memref_slice %arg12[%dma_start3A_138, %dma_start3A_139] : memref<10240x128xf32, #tpu.memory_space<vmem_shared>> -> memref<10240x128xf32, #tpu.memory_space<vmem_shared>>
        tpu.enqueue_indirect_dma source(%arg10 : memref<64x128xf32, #tpu.memory_space<vmem>>) target(%dma_start3A_140 : memref<10240x128xf32, #tpu.memory_space<vmem_shared>>) offsets(%dma_start3A_137 : memref<64xi32, #tpu.memory_space<vmem>>) semaphore(%arg19 : memref<!tpu.dma_semaphore, #tpu.memory_space<semaphore_mem>>) {add = true}
        %add3A_141 = arith.constant 2 : i32
        %add3A_142 = arith.addi %add3A_128, %add3A_141 : i32
        %lt3A_143 = arith.constant 40 : i32
        %lt3A_144 = arith.cmpi slt, %add3A_142, %lt3A_143 : i32
        %convert_element_type3A_145 = arith.extui %lt3A_144 : i1 to i32
        %cond3A_146 = arith.constant 0 : i32
        %cond3A_147 = arith.cmpi ne, %convert_element_type3A_145, %cond3A_146 : i32
        scf.if %cond3A_147 {
          %ge3A = arith.constant 2 : i32
          %ge3A_172 = arith.cmpi sge, %add3A_128, %ge3A : i32
          %convert_element_type3A_173 = arith.extui %ge3A_172 : i1 to i32
          %cond3A_174 = arith.constant 0 : i32
          %cond3A_175 = arith.cmpi ne, %convert_element_type3A_173, %cond3A_174 : i32
          scf.if %cond3A_175 {
            %dma_wait3A_184 = arith.constant 0 : i32
            %dma_wait3A_185 = arith.constant 0 : i32
            %dma_wait3A_186 = tpu.memref_slice %arg2[%dma_wait3A_184, %dma_wait3A_185] : memref<10240x128xf32, #tpu.memory_space<hbm>> -> memref<64x128xf32, #tpu.memory_space<hbm>>
            %dma_wait3A_187 = arith.constant 0 : i32
            %dma_wait3A_188 = arith.constant 0 : i32
            %dma_wait3A_189 = tpu.memref_slice %arg2[%dma_wait3A_187, %dma_wait3A_188] : memref<10240x128xf32, #tpu.memory_space<hbm>> -> memref<64x128xf32, #tpu.memory_space<hbm>>
            tpu.wait_dma2 semaphore(%arg17 : memref<!tpu.dma_semaphore, #tpu.memory_space<semaphore_mem>>) src(%dma_wait3A_189 : memref<64x128xf32, #tpu.memory_space<hbm>>) dst(%arg8 : memref<64x128xf32, #tpu.memory_space<vmem>>)
          } else {
          }
          %add3A_176 = arith.constant 2 : i32
          %add3A_177 = arith.addi %add3A_128, %add3A_176 : i32
          %dma_start3A_178 = arith.constant 0 : i32
          %dma_start3A_179 = tpu.memref_slice %arg6[%add3A_177, %dma_start3A_178] : memref<40x64xi32, #tpu.memory_space<vmem>> -> memref<1x64xi32, #tpu.memory_space<vmem>>
          %dma_start3A_180 = tpu.memref_squeeze %dma_start3A_179 : memref<1x64xi32, #tpu.memory_space<vmem>> -> memref<64xi32, #tpu.memory_space<vmem>>
          %dma_start3A_181 = arith.constant 0 : i32
          %dma_start3A_182 = arith.constant 0 : i32
          %dma_start3A_183 = tpu.memref_slice %arg2[%dma_start3A_181, %dma_start3A_182] : memref<10240x128xf32, #tpu.memory_space<hbm>> -> memref<10240x128xf32, #tpu.memory_space<hbm>>
          tpu.enqueue_indirect_dma source(%dma_start3A_183 : memref<10240x128xf32, #tpu.memory_space<hbm>>) target(%arg8 : memref<64x128xf32, #tpu.memory_space<vmem>>) offsets(%dma_start3A_180 : memref<64xi32, #tpu.memory_space<vmem>>) semaphore(%arg13 : memref<!tpu.dma_semaphore, #tpu.memory_space<semaphore_mem>>)
        } else {
        }
        %mul3A_148 = arith.constant 4 : i32
        %mul3A_149 = arith.muli %mul3A_148, %scan3A_80 : i32
        %add3A_150 = arith.constant 3 : i32
        %add3A_151 = arith.addi %mul3A_149, %add3A_150 : i32
        %dma_wait3A_152 = arith.constant 0 : i32
        %dma_wait3A_153 = arith.constant 0 : i32
        %dma_wait3A_154 = tpu.memref_slice %arg2[%dma_wait3A_152, %dma_wait3A_153] : memref<10240x128xf32, #tpu.memory_space<hbm>> -> memref<64x128xf32, #tpu.memory_space<hbm>>
        %dma_wait3A_155 = arith.constant 0 : i32
        %dma_wait3A_156 = arith.constant 0 : i32
        %dma_wait3A_157 = tpu.memref_slice %arg2[%dma_wait3A_155, %dma_wait3A_156] : memref<10240x128xf32, #tpu.memory_space<hbm>> -> memref<64x128xf32, #tpu.memory_space<hbm>>
        tpu.wait_dma2 semaphore(%arg16 : memref<!tpu.dma_semaphore, #tpu.memory_space<semaphore_mem>>) src(%dma_wait3A_157 : memref<64x128xf32, #tpu.memory_space<hbm>>) dst(%arg11 : memref<64x128xf32, #tpu.memory_space<vmem>>)
        %dma_start3A_158 = arith.constant 0 : i32
        %dma_start3A_159 = tpu.memref_slice %arg7[%add3A_151, %dma_start3A_158] : memref<40x64xi32, #tpu.memory_space<vmem>> -> memref<1x64xi32, #tpu.memory_space<vmem>>
        %dma_start3A_160 = tpu.memref_squeeze %dma_start3A_159 : memref<1x64xi32, #tpu.memory_space<vmem>> -> memref<64xi32, #tpu.memory_space<vmem>>
        %dma_start3A_161 = arith.constant 0 : i32
        %dma_start3A_162 = arith.constant 0 : i32
        %dma_start3A_163 = tpu.memref_slice %arg12[%dma_start3A_161, %dma_start3A_162] : memref<10240x128xf32, #tpu.memory_space<vmem_shared>> -> memref<10240x128xf32, #tpu.memory_space<vmem_shared>>
        tpu.enqueue_indirect_dma source(%arg11 : memref<64x128xf32, #tpu.memory_space<vmem>>) target(%dma_start3A_163 : memref<10240x128xf32, #tpu.memory_space<vmem_shared>>) offsets(%dma_start3A_160 : memref<64xi32, #tpu.memory_space<vmem>>) semaphore(%arg20 : memref<!tpu.dma_semaphore, #tpu.memory_space<semaphore_mem>>) {add = true}
        %add3A_164 = arith.constant 2 : i32
        %add3A_165 = arith.addi %add3A_151, %add3A_164 : i32
        %lt3A_166 = arith.constant 40 : i32
        %lt3A_167 = arith.cmpi slt, %add3A_165, %lt3A_166 : i32
        %convert_element_type3A_168 = arith.extui %lt3A_167 : i1 to i32
        %cond3A_169 = arith.constant 0 : i32
        %cond3A_170 = arith.cmpi ne, %convert_element_type3A_168, %cond3A_169 : i32
        scf.if %cond3A_170 {
          %ge3A = arith.constant 2 : i32
          %ge3A_172 = arith.cmpi sge, %add3A_151, %ge3A : i32
          %convert_element_type3A_173 = arith.extui %ge3A_172 : i1 to i32
          %cond3A_174 = arith.constant 0 : i32
          %cond3A_175 = arith.cmpi ne, %convert_element_type3A_173, %cond3A_174 : i32
          scf.if %cond3A_175 {
            %dma_wait3A_184 = arith.constant 0 : i32
            %dma_wait3A_185 = arith.constant 0 : i32
            %dma_wait3A_186 = tpu.memref_slice %arg2[%dma_wait3A_184, %dma_wait3A_185] : memref<10240x128xf32, #tpu.memory_space<hbm>> -> memref<64x128xf32, #tpu.memory_space<hbm>>
            %dma_wait3A_187 = arith.constant 0 : i32
            %dma_wait3A_188 = arith.constant 0 : i32
            %dma_wait3A_189 = tpu.memref_slice %arg2[%dma_wait3A_187, %dma_wait3A_188] : memref<10240x128xf32, #tpu.memory_space<hbm>> -> memref<64x128xf32, #tpu.memory_space<hbm>>
            tpu.wait_dma2 semaphore(%arg18 : memref<!tpu.dma_semaphore, #tpu.memory_space<semaphore_mem>>) src(%dma_wait3A_189 : memref<64x128xf32, #tpu.memory_space<hbm>>) dst(%arg9 : memref<64x128xf32, #tpu.memory_space<vmem>>)
          } else {
          }
          %add3A_176 = arith.constant 2 : i32
          %add3A_177 = arith.addi %add3A_151, %add3A_176 : i32
          %dma_start3A_178 = arith.constant 0 : i32
          %dma_start3A_179 = tpu.memref_slice %arg6[%add3A_177, %dma_start3A_178] : memref<40x64xi32, #tpu.memory_space<vmem>> -> memref<1x64xi32, #tpu.memory_space<vmem>>
          %dma_start3A_180 = tpu.memref_squeeze %dma_start3A_179 : memref<1x64xi32, #tpu.memory_space<vmem>> -> memref<64xi32, #tpu.memory_space<vmem>>
          %dma_start3A_181 = arith.constant 0 : i32
          %dma_start3A_182 = arith.constant 0 : i32
          %dma_start3A_183 = tpu.memref_slice %arg2[%dma_start3A_181, %dma_start3A_182] : memref<10240x128xf32, #tpu.memory_space<hbm>> -> memref<10240x128xf32, #tpu.memory_space<hbm>>
          tpu.enqueue_indirect_dma source(%dma_start3A_183 : memref<10240x128xf32, #tpu.memory_space<hbm>>) target(%arg9 : memref<64x128xf32, #tpu.memory_space<vmem>>) offsets(%dma_start3A_180 : memref<64xi32, #tpu.memory_space<vmem>>) semaphore(%arg14 : memref<!tpu.dma_semaphore, #tpu.memory_space<semaphore_mem>>)
        } else {
        }
        %scan3A_171 = arith.constant 0 : i32
        scf.yield %scan3A_171 : i32
      }
      %scan3A_55 = arith.constant 10 : i32
      %dma_wait3A = arith.constant 0 : i32
      %dma_wait3A_56 = arith.constant 0 : i32
      %dma_wait3A_57 = tpu.memref_slice %arg2[%dma_wait3A, %dma_wait3A_56] : memref<10240x128xf32, #tpu.memory_space<hbm>> -> memref<64x128xf32, #tpu.memory_space<hbm>>
      %dma_wait3A_58 = arith.constant 0 : i32
      %dma_wait3A_59 = arith.constant 0 : i32
      %dma_wait3A_60 = tpu.memref_slice %arg2[%dma_wait3A_58, %dma_wait3A_59] : memref<10240x128xf32, #tpu.memory_space<hbm>> -> memref<64x128xf32, #tpu.memory_space<hbm>>
      tpu.wait_dma2 semaphore(%arg17 : memref<!tpu.dma_semaphore, #tpu.memory_space<semaphore_mem>>) src(%dma_wait3A_60 : memref<64x128xf32, #tpu.memory_space<hbm>>) dst(%arg8 : memref<64x128xf32, #tpu.memory_space<vmem>>)
      %dma_wait3A_61 = arith.constant 0 : i32
      %dma_wait3A_62 = arith.constant 0 : i32
      %dma_wait3A_63 = tpu.memref_slice %arg2[%dma_wait3A_61, %dma_wait3A_62] : memref<10240x128xf32, #tpu.memory_space<hbm>> -> memref<64x128xf32, #tpu.memory_space<hbm>>
      %dma_wait3A_64 = arith.constant 0 : i32
      %dma_wait3A_65 = arith.constant 0 : i32
      %dma_wait3A_66 = tpu.memref_slice %arg2[%dma_wait3A_64, %dma_wait3A_65] : memref<10240x128xf32, #tpu.memory_space<hbm>> -> memref<64x128xf32, #tpu.memory_space<hbm>>
      tpu.wait_dma2 semaphore(%arg18 : memref<!tpu.dma_semaphore, #tpu.memory_space<semaphore_mem>>) src(%dma_wait3A_66 : memref<64x128xf32, #tpu.memory_space<hbm>>) dst(%arg9 : memref<64x128xf32, #tpu.memory_space<vmem>>)
      %dma_wait3A_67 = arith.constant 0 : i32
      %dma_wait3A_68 = arith.constant 0 : i32
      %dma_wait3A_69 = tpu.memref_slice %arg2[%dma_wait3A_67, %dma_wait3A_68] : memref<10240x128xf32, #tpu.memory_space<hbm>> -> memref<64x128xf32, #tpu.memory_space<hbm>>
      %dma_wait3A_70 = arith.constant 0 : i32
      %dma_wait3A_71 = arith.constant 0 : i32
      %dma_wait3A_72 = tpu.memref_slice %arg2[%dma_wait3A_70, %dma_wait3A_71] : memref<10240x128xf32, #tpu.memory_space<hbm>> -> memref<64x128xf32, #tpu.memory_space<hbm>>
      tpu.wait_dma2 semaphore(%arg19 : memref<!tpu.dma_semaphore, #tpu.memory_space<semaphore_mem>>) src(%dma_wait3A_72 : memref<64x128xf32, #tpu.memory_space<hbm>>) dst(%arg10 : memref<64x128xf32, #tpu.memory_space<vmem>>)
      %dma_wait3A_73 = arith.constant 0 : i32
      %dma_wait3A_74 = arith.constant 0 : i32
      %dma_wait3A_75 = tpu.memref_slice %arg2[%dma_wait3A_73, %dma_wait3A_74] : memref<10240x128xf32, #tpu.memory_space<hbm>> -> memref<64x128xf32, #tpu.memory_space<hbm>>
      %dma_wait3A_76 = arith.constant 0 : i32
      %dma_wait3A_77 = arith.constant 0 : i32
      %dma_wait3A_78 = tpu.memref_slice %arg2[%dma_wait3A_76, %dma_wait3A_77] : memref<10240x128xf32, #tpu.memory_space<hbm>> -> memref<64x128xf32, #tpu.memory_space<hbm>>
      tpu.wait_dma2 semaphore(%arg20 : memref<!tpu.dma_semaphore, #tpu.memory_space<semaphore_mem>>) src(%dma_wait3A_78 : memref<64x128xf32, #tpu.memory_space<hbm>>) dst(%arg11 : memref<64x128xf32, #tpu.memory_space<vmem>>)
      %scan3A_79 = arith.constant 0 : i32
      scf.yield %scan3A_79 : i32
    }
    %scan3A_21 = arith.constant 4 : i32
    %barrier3A_22 = arith.constant 0 : index
    tpu.barrier barrier_id(%barrier3A_22)
    %scan3A_23 = arith.constant 0 : i32
    %scan3A_24 = arith.constant 0 : i32
    %scan3A_25 = arith.constant 10 : i32
    %scan3A_26 = arith.addi %scan3A_24, %scan3A_25 : i32
    %scan3A_27 = arith.constant 1 : i32
    %scan3A_28 = scf.for %scan3A_30 = %scan3A_24 to %scan3A_26 step %scan3A_27 iter_args(%scan3A_31 = %scan3A_23) -> (i32)  : i32 {
      %mul3A_32 = arith.constant 640 : i32
      %mul3A_33 = arith.muli %arg1, %mul3A_32 : i32
      %mul3A_34 = arith.constant 64 : i32
      %mul3A_35 = arith.muli %scan3A_30, %mul3A_34 : i32
      %add3A_36 = arith.addi %mul3A_33, %mul3A_35 : i32
      "tpu.region"() ({
        %run_scoped3A = tpu.sem_alloc : memref<!tpu.dma_semaphore, #tpu.memory_space<semaphore_mem>>
        %dma_start3A = arith.constant 0 : i32
        %dma_start3A_46 = tpu.memref_slice %arg12[%add3A_36, %dma_start3A] : memref<10240x128xf32, #tpu.memory_space<vmem_shared>> -> memref<64x128xf32, #tpu.memory_space<vmem_shared>>
        %dma_start3A_47 = arith.constant 0 : i32
        %dma_start3A_48 = tpu.memref_slice %arg12[%add3A_36, %dma_start3A_47] : memref<10240x128xf32, #tpu.memory_space<vmem_shared>> -> memref<64x128xf32, #tpu.memory_space<vmem_shared>>
        tpu.enqueue_dma source(%dma_start3A_48 : memref<64x128xf32, #tpu.memory_space<vmem_shared>>) target(%arg8 : memref<64x128xf32, #tpu.memory_space<vmem>>) target_semaphore(%run_scoped3A : memref<!tpu.dma_semaphore, #tpu.memory_space<semaphore_mem>>)
        %dma_wait3A = arith.constant 0 : i32
        %dma_wait3A_49 = tpu.memref_slice %arg12[%add3A_36, %dma_wait3A] : memref<10240x128xf32, #tpu.memory_space<vmem_shared>> -> memref<64x128xf32, #tpu.memory_space<vmem_shared>>
        %dma_wait3A_50 = arith.constant 0 : i32
        %dma_wait3A_51 = tpu.memref_slice %arg12[%add3A_36, %dma_wait3A_50] : memref<10240x128xf32, #tpu.memory_space<vmem_shared>> -> memref<64x128xf32, #tpu.memory_space<vmem_shared>>
        tpu.wait_dma2 semaphore(%run_scoped3A : memref<!tpu.dma_semaphore, #tpu.memory_space<semaphore_mem>>) src(%dma_wait3A_51 : memref<64x128xf32, #tpu.memory_space<vmem_shared>>) dst(%arg8 : memref<64x128xf32, #tpu.memory_space<vmem>>)
        tpu.yield
      }) : () -> ()
      %mul3A_37 = arith.constant 10240 : i32
      %mul3A_38 = arith.muli %arg0, %mul3A_37 : i32
      %mul3A_39 = arith.constant 640 : i32
      %mul3A_40 = arith.muli %arg1, %mul3A_39 : i32
      %add3A_41 = arith.addi %mul3A_38, %mul3A_40 : i32
      %mul3A_42 = arith.constant 64 : i32
      %mul3A_43 = arith.muli %scan3A_30, %mul3A_42 : i32
      %add3A_44 = arith.addi %add3A_41, %mul3A_43 : i32
      "tpu.region"() ({
        %run_scoped3A = tpu.sem_alloc : memref<!tpu.dma_semaphore, #tpu.memory_space<semaphore_mem>>
        %dma_start3A = arith.constant 0 : i32
        %dma_start3A_46 = tpu.memref_slice %arg5[%add3A_44, %dma_start3A] : memref<20480x128xf32, #tpu.memory_space<hbm>> -> memref<64x128xf32, #tpu.memory_space<hbm>>
        %dma_start3A_47 = arith.constant 0 : i32
        %dma_start3A_48 = tpu.memref_slice %arg5[%add3A_44, %dma_start3A_47] : memref<20480x128xf32, #tpu.memory_space<hbm>> -> memref<64x128xf32, #tpu.memory_space<hbm>>
        tpu.enqueue_dma source(%arg8 : memref<64x128xf32, #tpu.memory_space<vmem>>) target(%dma_start3A_48 : memref<64x128xf32, #tpu.memory_space<hbm>>) target_semaphore(%run_scoped3A : memref<!tpu.dma_semaphore, #tpu.memory_space<semaphore_mem>>)
        %dma_wait3A = arith.constant 0 : i32
        %dma_wait3A_49 = tpu.memref_slice %arg5[%add3A_44, %dma_wait3A] : memref<20480x128xf32, #tpu.memory_space<hbm>> -> memref<64x128xf32, #tpu.memory_space<hbm>>
        %dma_wait3A_50 = arith.constant 0 : i32
        %dma_wait3A_51 = tpu.memref_slice %arg5[%add3A_44, %dma_wait3A_50] : memref<20480x128xf32, #tpu.memory_space<hbm>> -> memref<64x128xf32, #tpu.memory_space<hbm>>
        tpu.wait_dma2 semaphore(%run_scoped3A : memref<!tpu.dma_semaphore, #tpu.memory_space<semaphore_mem>>) src(%arg8 : memref<64x128xf32, #tpu.memory_space<vmem>>) dst(%dma_wait3A_51 : memref<64x128xf32, #tpu.memory_space<hbm>>)
        tpu.yield
      }) : () -> ()
      %scan3A_45 = arith.constant 0 : i32
      scf.yield %scan3A_45 : i32
    }
    %scan3A_29 = arith.constant 10 : i32
    return
  }
}

#map = affine_map<(d0, d1) -> (0, 0)>
#map1 = affine_map<(d0, d1) -> (0, 0, 0)>
#map2 = affine_map<(d0, d1) -> (0)>
module attributes {stable_mosaic.version = 14 : i64} {
  func.func @_hist_body(%arg0: i32, %arg1: i32, %arg2: memref<2560x128xi32, #tpu.memory_space<hbm>>, %arg3: memref<32x5x64xi32, #tpu.memory_space<hbm>>, %arg4: memref<20480xf32, #tpu.memory_space<hbm>>, %arg5: memref<1024xf32, #tpu.memory_space<hbm>>, %arg6: memref<80x128xi32, #tpu.memory_space<vmem>>, %arg7: memref<5x64xi32, #tpu.memory_space<vmem>>, %arg8: memref<128xf32, #tpu.memory_space<vmem>>, %arg9: memref<640xf32, #tpu.memory_space<vmem>>, %arg10: memref<10240xf32, #tpu.memory_space<vmem_shared>>, %arg11: memref<512xf32, #tpu.memory_space<vmem_shared>>) attributes {dimension_semantics = [#tpu.dimension_semantics<core_parallel>, #tpu.dimension_semantics<subcore_parallel>], iteration_bounds = array<i64: 2, 16>, scalar_prefetch = 0 : i64, scratch_operands = 6 : i64, tpu.core_type = #tpu.core_type<sc_vector_subcore>, window_params = [{transform_indices = #map}, {transform_indices = #map1}, {transform_indices = #map2}, {transform_indices = #map2}]} {
    %mul3A = arith.constant 16 : i32
    %mul3A_0 = arith.muli %arg0, %mul3A : i32
    %add3A = arith.addi %mul3A_0, %arg1 : i32
    %broadcast_in_dim3A = arith.constant 1.000000e+00 : f32
    %broadcast_in_dim3A_1 = vector.broadcast %broadcast_in_dim3A : f32 to vector<16xf32>
    %scan3A = arith.constant 0 : i32
    %scan3A_2 = arith.constant 0 : i32
    %scan3A_3 = arith.constant 8 : i32
    %scan3A_4 = arith.addi %scan3A_2, %scan3A_3 : i32
    %scan3A_5 = arith.constant 1 : i32
    %scan3A_6 = scf.for %scan3A_52 = %scan3A_2 to %scan3A_4 step %scan3A_5 iter_args(%scan3A_53 = %scan3A) -> (i32)  : i32 {
      %mul3A_54 = arith.constant 16 : i32
      %mul3A_55 = arith.muli %scan3A_52, %mul3A_54 : i32
      %swap3A = arith.index_cast %mul3A_55 : i32 to index
      %swap3A_56 = tpu.vector_load %arg8[%swap3A] {strides = array<i32>} : memref<128xf32, #tpu.memory_space<vmem>>, vector<16xf32>,
      %swap3A_57 = vector.shape_cast %swap3A_56 : vector<16xf32> to vector<16xf32>
      %swap3A_58 = vector.shape_cast %broadcast_in_dim3A_1 : vector<16xf32> to vector<16xf32>
      tpu.vector_store %arg8[%swap3A], %swap3A_58 {strides = array<i32>} : memref<128xf32, #tpu.memory_space<vmem>>, vector<16xf32>,
      %scan3A_59 = arith.constant 0 : i32
      scf.yield %scan3A_59 : i32
    }
    %scan3A_7 = arith.constant 8 : i32
    %broadcast_in_dim3A_8 = arith.constant 0.000000e+00 : f32
    %broadcast_in_dim3A_9 = vector.broadcast %broadcast_in_dim3A_8 : f32 to vector<16xf32>
    %scan3A_10 = arith.constant 0 : i32
    %scan3A_11 = arith.constant 0 : i32
    %scan3A_12 = arith.constant 40 : i32
    %scan3A_13 = arith.addi %scan3A_11, %scan3A_12 : i32
    %scan3A_14 = arith.constant 1 : i32
    %scan3A_15 = scf.for %scan3A_52 = %scan3A_11 to %scan3A_13 step %scan3A_14 iter_args(%scan3A_53 = %scan3A_10) -> (i32)  : i32 {
      %mul3A_54 = arith.constant 16 : i32
      %mul3A_55 = arith.muli %scan3A_52, %mul3A_54 : i32
      %swap3A = arith.index_cast %mul3A_55 : i32 to index
      %swap3A_56 = tpu.vector_load %arg9[%swap3A] {strides = array<i32>} : memref<640xf32, #tpu.memory_space<vmem>>, vector<16xf32>,
      %swap3A_57 = vector.shape_cast %swap3A_56 : vector<16xf32> to vector<16xf32>
      %swap3A_58 = vector.shape_cast %broadcast_in_dim3A_9 : vector<16xf32> to vector<16xf32>
      tpu.vector_store %arg9[%swap3A], %swap3A_58 {strides = array<i32>} : memref<640xf32, #tpu.memory_space<vmem>>, vector<16xf32>,
      %scan3A_59 = arith.constant 0 : i32
      scf.yield %scan3A_59 : i32
    }
    %scan3A_16 = arith.constant 40 : i32
    %mul3A_17 = arith.constant 640 : i32
    %mul3A_18 = arith.muli %arg1, %mul3A_17 : i32
    "tpu.region"() ({
      %run_scoped3A = tpu.sem_alloc : memref<!tpu.dma_semaphore, #tpu.memory_space<semaphore_mem>>
      %dma_start3A = tpu.memref_slice %arg10[%mul3A_18] : memref<10240xf32, #tpu.memory_space<vmem_shared>> -> memref<640xf32, #tpu.memory_space<vmem_shared>>
      %dma_start3A_52 = tpu.memref_slice %arg10[%mul3A_18] : memref<10240xf32, #tpu.memory_space<vmem_shared>> -> memref<640xf32, #tpu.memory_space<vmem_shared>>
      tpu.enqueue_dma source(%arg9 : memref<640xf32, #tpu.memory_space<vmem>>) target(%dma_start3A_52 : memref<640xf32, #tpu.memory_space<vmem_shared>>) target_semaphore(%run_scoped3A : memref<!tpu.dma_semaphore, #tpu.memory_space<semaphore_mem>>)
      %dma_wait3A = tpu.memref_slice %arg10[%mul3A_18] : memref<10240xf32, #tpu.memory_space<vmem_shared>> -> memref<640xf32, #tpu.memory_space<vmem_shared>>
      %dma_wait3A_53 = tpu.memref_slice %arg10[%mul3A_18] : memref<10240xf32, #tpu.memory_space<vmem_shared>> -> memref<640xf32, #tpu.memory_space<vmem_shared>>
      tpu.wait_dma2 semaphore(%run_scoped3A : memref<!tpu.dma_semaphore, #tpu.memory_space<semaphore_mem>>) src(%arg9 : memref<640xf32, #tpu.memory_space<vmem>>) dst(%dma_wait3A_53 : memref<640xf32, #tpu.memory_space<vmem_shared>>)
      tpu.yield
    }) : () -> ()
    %mul3A_19 = arith.constant 32 : i32
    %mul3A_20 = arith.muli %arg1, %mul3A_19 : i32
    "tpu.region"() ({
      %run_scoped3A = tpu.sem_alloc : memref<!tpu.dma_semaphore, #tpu.memory_space<semaphore_mem>>
      %dma_start3A = arith.constant 0 : i32
      %dma_start3A_52 = tpu.memref_slice %arg9[%dma_start3A] : memref<640xf32, #tpu.memory_space<vmem>> -> memref<32xf32, #tpu.memory_space<vmem>>
      %dma_start3A_53 = tpu.memref_slice %arg11[%mul3A_20] : memref<512xf32, #tpu.memory_space<vmem_shared>> -> memref<32xf32, #tpu.memory_space<vmem_shared>>
      %dma_start3A_54 = tpu.memref_slice %arg11[%mul3A_20] : memref<512xf32, #tpu.memory_space<vmem_shared>> -> memref<32xf32, #tpu.memory_space<vmem_shared>>
      %dma_start3A_55 = arith.constant 0 : i32
      %dma_start3A_56 = tpu.memref_slice %arg9[%dma_start3A_55] : memref<640xf32, #tpu.memory_space<vmem>> -> memref<32xf32, #tpu.memory_space<vmem>>
      tpu.enqueue_dma source(%dma_start3A_56 : memref<32xf32, #tpu.memory_space<vmem>>) target(%dma_start3A_54 : memref<32xf32, #tpu.memory_space<vmem_shared>>) target_semaphore(%run_scoped3A : memref<!tpu.dma_semaphore, #tpu.memory_space<semaphore_mem>>)
      %dma_wait3A = arith.constant 0 : i32
      %dma_wait3A_57 = tpu.memref_slice %arg9[%dma_wait3A] : memref<640xf32, #tpu.memory_space<vmem>> -> memref<32xf32, #tpu.memory_space<vmem>>
      %dma_wait3A_58 = tpu.memref_slice %arg11[%mul3A_20] : memref<512xf32, #tpu.memory_space<vmem_shared>> -> memref<32xf32, #tpu.memory_space<vmem_shared>>
      %dma_wait3A_59 = tpu.memref_slice %arg11[%mul3A_20] : memref<512xf32, #tpu.memory_space<vmem_shared>> -> memref<32xf32, #tpu.memory_space<vmem_shared>>
      %dma_wait3A_60 = arith.constant 0 : i32
      %dma_wait3A_61 = tpu.memref_slice %arg9[%dma_wait3A_60] : memref<640xf32, #tpu.memory_space<vmem>> -> memref<32xf32, #tpu.memory_space<vmem>>
      tpu.wait_dma2 semaphore(%run_scoped3A : memref<!tpu.dma_semaphore, #tpu.memory_space<semaphore_mem>>) src(%dma_wait3A_61 : memref<32xf32, #tpu.memory_space<vmem>>) dst(%dma_wait3A_59 : memref<32xf32, #tpu.memory_space<vmem_shared>>)
      tpu.yield
    }) : () -> ()
    %barrier3A = arith.constant 0 : index
    tpu.barrier barrier_id(%barrier3A)
    %mul3A_21 = arith.constant 80 : i32
    %mul3A_22 = arith.muli %add3A, %mul3A_21 : i32
    "tpu.region"() ({
      %run_scoped3A = tpu.sem_alloc : memref<!tpu.dma_semaphore, #tpu.memory_space<semaphore_mem>>
      %dma_start3A = arith.constant 0 : i32
      %dma_start3A_52 = tpu.memref_slice %arg2[%mul3A_22, %dma_start3A] : memref<2560x128xi32, #tpu.memory_space<hbm>> -> memref<80x128xi32, #tpu.memory_space<hbm>>
      %dma_start3A_53 = arith.constant 0 : i32
      %dma_start3A_54 = tpu.memref_slice %arg2[%mul3A_22, %dma_start3A_53] : memref<2560x128xi32, #tpu.memory_space<hbm>> -> memref<80x128xi32, #tpu.memory_space<hbm>>
      tpu.enqueue_dma source(%dma_start3A_54 : memref<80x128xi32, #tpu.memory_space<hbm>>) target(%arg6 : memref<80x128xi32, #tpu.memory_space<vmem>>) target_semaphore(%run_scoped3A : memref<!tpu.dma_semaphore, #tpu.memory_space<semaphore_mem>>)
      %dma_wait3A = arith.constant 0 : i32
      %dma_wait3A_55 = tpu.memref_slice %arg2[%mul3A_22, %dma_wait3A] : memref<2560x128xi32, #tpu.memory_space<hbm>> -> memref<80x128xi32, #tpu.memory_space<hbm>>
      %dma_wait3A_56 = arith.constant 0 : i32
      %dma_wait3A_57 = tpu.memref_slice %arg2[%mul3A_22, %dma_wait3A_56] : memref<2560x128xi32, #tpu.memory_space<hbm>> -> memref<80x128xi32, #tpu.memory_space<hbm>>
      tpu.wait_dma2 semaphore(%run_scoped3A : memref<!tpu.dma_semaphore, #tpu.memory_space<semaphore_mem>>) src(%dma_wait3A_57 : memref<80x128xi32, #tpu.memory_space<hbm>>) dst(%arg6 : memref<80x128xi32, #tpu.memory_space<vmem>>)
      tpu.yield
    }) : () -> ()
    %scan3A_23 = arith.constant 0 : i32
    %scan3A_24 = arith.constant 0 : i32
    %scan3A_25 = arith.constant 80 : i32
    %scan3A_26 = arith.addi %scan3A_24, %scan3A_25 : i32
    %scan3A_27 = arith.constant 1 : i32
    %scan3A_28 = scf.for %scan3A_52 = %scan3A_24 to %scan3A_26 step %scan3A_27 iter_args(%scan3A_53 = %scan3A_23) -> (i32)  : i32 {
      "tpu.region"() ({
        %run_scoped3A = tpu.sem_alloc : memref<!tpu.dma_semaphore, #tpu.memory_space<semaphore_mem>>
        %dma_start3A = arith.constant 0 : i32
        %dma_start3A_55 = tpu.memref_slice %arg6[%scan3A_52, %dma_start3A] : memref<80x128xi32, #tpu.memory_space<vmem>> -> memref<1x128xi32, #tpu.memory_space<vmem>>
        %dma_start3A_56 = tpu.memref_squeeze %dma_start3A_55 : memref<1x128xi32, #tpu.memory_space<vmem>> -> memref<128xi32, #tpu.memory_space<vmem>>
        %dma_start3A_57 = arith.constant 0 : i32
        %dma_start3A_58 = tpu.memref_slice %arg10[%dma_start3A_57] : memref<10240xf32, #tpu.memory_space<vmem_shared>> -> memref<10240xf32, #tpu.memory_space<vmem_shared>>
        tpu.enqueue_indirect_dma source(%arg8 : memref<128xf32, #tpu.memory_space<vmem>>) target(%dma_start3A_58 : memref<10240xf32, #tpu.memory_space<vmem_shared>>) offsets(%dma_start3A_56 : memref<128xi32, #tpu.memory_space<vmem>>) semaphore(%run_scoped3A : memref<!tpu.dma_semaphore, #tpu.memory_space<semaphore_mem>>) {add = true}
        %dma_wait3A = arith.constant 0 : i32
        %dma_wait3A_59 = tpu.memref_slice %arg6[%scan3A_52, %dma_wait3A] : memref<80x128xi32, #tpu.memory_space<vmem>> -> memref<1x128xi32, #tpu.memory_space<vmem>>
        %dma_wait3A_60 = tpu.memref_squeeze %dma_wait3A_59 : memref<1x128xi32, #tpu.memory_space<vmem>> -> memref<128xi32, #tpu.memory_space<vmem>>
        %dma_wait3A_61 = arith.constant 0 : i32
        %dma_wait3A_62 = tpu.memref_slice %arg10[%dma_wait3A_61] : memref<10240xf32, #tpu.memory_space<vmem_shared>> -> memref<10240xf32, #tpu.memory_space<vmem_shared>>
        tpu.wait_indirect_dma semaphore(%run_scoped3A : memref<!tpu.dma_semaphore, #tpu.memory_space<semaphore_mem>>) src(%arg8 : memref<128xf32, #tpu.memory_space<vmem>>) dst(%dma_wait3A_62 : memref<10240xf32, #tpu.memory_space<vmem_shared>>)
        tpu.yield
      }) : () -> ()
      %scan3A_54 = arith.constant 0 : i32
      scf.yield %scan3A_54 : i32
    }
    %scan3A_29 = arith.constant 80 : i32
    "tpu.region"() ({
      %run_scoped3A = tpu.sem_alloc : memref<!tpu.dma_semaphore, #tpu.memory_space<semaphore_mem>>
      %dma_start3A = arith.constant 0 : i32
      %dma_start3A_52 = arith.constant 0 : i32
      %dma_start3A_53 = tpu.memref_slice %arg3[%add3A, %dma_start3A, %dma_start3A_52] : memref<32x5x64xi32, #tpu.memory_space<hbm>> -> memref<1x5x64xi32, #tpu.memory_space<hbm>>
      %dma_start3A_54 = tpu.memref_squeeze %dma_start3A_53 : memref<1x5x64xi32, #tpu.memory_space<hbm>> -> memref<5x64xi32, #tpu.memory_space<hbm>>
      %dma_start3A_55 = arith.constant 0 : i32
      %dma_start3A_56 = arith.constant 0 : i32
      %dma_start3A_57 = tpu.memref_slice %arg3[%add3A, %dma_start3A_55, %dma_start3A_56] : memref<32x5x64xi32, #tpu.memory_space<hbm>> -> memref<1x5x64xi32, #tpu.memory_space<hbm>>
      %dma_start3A_58 = tpu.memref_squeeze %dma_start3A_57 : memref<1x5x64xi32, #tpu.memory_space<hbm>> -> memref<5x64xi32, #tpu.memory_space<hbm>>
      tpu.enqueue_dma source(%dma_start3A_58 : memref<5x64xi32, #tpu.memory_space<hbm>>) target(%arg7 : memref<5x64xi32, #tpu.memory_space<vmem>>) target_semaphore(%run_scoped3A : memref<!tpu.dma_semaphore, #tpu.memory_space<semaphore_mem>>)
      %dma_wait3A = arith.constant 0 : i32
      %dma_wait3A_59 = arith.constant 0 : i32
      %dma_wait3A_60 = tpu.memref_slice %arg3[%add3A, %dma_wait3A, %dma_wait3A_59] : memref<32x5x64xi32, #tpu.memory_space<hbm>> -> memref<1x5x64xi32, #tpu.memory_space<hbm>>
      %dma_wait3A_61 = tpu.memref_squeeze %dma_wait3A_60 : memref<1x5x64xi32, #tpu.memory_space<hbm>> -> memref<5x64xi32, #tpu.memory_space<hbm>>
      %dma_wait3A_62 = arith.constant 0 : i32
      %dma_wait3A_63 = arith.constant 0 : i32
      %dma_wait3A_64 = tpu.memref_slice %arg3[%add3A, %dma_wait3A_62, %dma_wait3A_63] : memref<32x5x64xi32, #tpu.memory_space<hbm>> -> memref<1x5x64xi32, #tpu.memory_space<hbm>>
      %dma_wait3A_65 = tpu.memref_squeeze %dma_wait3A_64 : memref<1x5x64xi32, #tpu.memory_space<hbm>> -> memref<5x64xi32, #tpu.memory_space<hbm>>
      tpu.wait_dma2 semaphore(%run_scoped3A : memref<!tpu.dma_semaphore, #tpu.memory_space<semaphore_mem>>) src(%dma_wait3A_65 : memref<5x64xi32, #tpu.memory_space<hbm>>) dst(%arg7 : memref<5x64xi32, #tpu.memory_space<vmem>>)
      tpu.yield
    }) : () -> ()
    %scan3A_30 = arith.constant 0 : i32
    %scan3A_31 = arith.constant 0 : i32
    %scan3A_32 = arith.constant 5 : i32
    %scan3A_33 = arith.addi %scan3A_31, %scan3A_32 : i32
    %scan3A_34 = arith.constant 1 : i32
    %scan3A_35 = scf.for %scan3A_52 = %scan3A_31 to %scan3A_33 step %scan3A_34 iter_args(%scan3A_53 = %scan3A_30) -> (i32)  : i32 {
      "tpu.region"() ({
        %run_scoped3A = tpu.sem_alloc : memref<!tpu.dma_semaphore, #tpu.memory_space<semaphore_mem>>
        %dma_start3A = arith.constant 0 : i32
        %dma_start3A_55 = tpu.memref_slice %arg8[%dma_start3A] : memref<128xf32, #tpu.memory_space<vmem>> -> memref<64xf32, #tpu.memory_space<vmem>>
        %dma_start3A_56 = arith.constant 0 : i32
        %dma_start3A_57 = tpu.memref_slice %arg7[%scan3A_52, %dma_start3A_56] : memref<5x64xi32, #tpu.memory_space<vmem>> -> memref<1x64xi32, #tpu.memory_space<vmem>>
        %dma_start3A_58 = tpu.memref_squeeze %dma_start3A_57 : memref<1x64xi32, #tpu.memory_space<vmem>> -> memref<64xi32, #tpu.memory_space<vmem>>
        %dma_start3A_59 = arith.constant 0 : i32
        %dma_start3A_60 = tpu.memref_slice %arg11[%dma_start3A_59] : memref<512xf32, #tpu.memory_space<vmem_shared>> -> memref<512xf32, #tpu.memory_space<vmem_shared>>
        tpu.enqueue_indirect_dma source(%dma_start3A_55 : memref<64xf32, #tpu.memory_space<vmem>>) target(%dma_start3A_60 : memref<512xf32, #tpu.memory_space<vmem_shared>>) offsets(%dma_start3A_58 : memref<64xi32, #tpu.memory_space<vmem>>) semaphore(%run_scoped3A : memref<!tpu.dma_semaphore, #tpu.memory_space<semaphore_mem>>) {add = true}
        %dma_wait3A = arith.constant 0 : i32
        %dma_wait3A_61 = tpu.memref_slice %arg8[%dma_wait3A] : memref<128xf32, #tpu.memory_space<vmem>> -> memref<64xf32, #tpu.memory_space<vmem>>
        %dma_wait3A_62 = arith.constant 0 : i32
        %dma_wait3A_63 = tpu.memref_slice %arg7[%scan3A_52, %dma_wait3A_62] : memref<5x64xi32, #tpu.memory_space<vmem>> -> memref<1x64xi32, #tpu.memory_space<vmem>>
        %dma_wait3A_64 = tpu.memref_squeeze %dma_wait3A_63 : memref<1x64xi32, #tpu.memory_space<vmem>> -> memref<64xi32, #tpu.memory_space<vmem>>
        %dma_wait3A_65 = arith.constant 0 : i32
        %dma_wait3A_66 = tpu.memref_slice %arg11[%dma_wait3A_65] : memref<512xf32, #tpu.memory_space<vmem_shared>> -> memref<512xf32, #tpu.memory_space<vmem_shared>>
        tpu.wait_indirect_dma semaphore(%run_scoped3A : memref<!tpu.dma_semaphore, #tpu.memory_space<semaphore_mem>>) src(%dma_wait3A_61 : memref<64xf32, #tpu.memory_space<vmem>>) dst(%dma_wait3A_66 : memref<512xf32, #tpu.memory_space<vmem_shared>>)
        tpu.yield
      }) : () -> ()
      %scan3A_54 = arith.constant 0 : i32
      scf.yield %scan3A_54 : i32
    }
    %scan3A_36 = arith.constant 5 : i32
    %barrier3A_37 = arith.constant 0 : index
    tpu.barrier barrier_id(%barrier3A_37)
    %mul3A_38 = arith.constant 640 : i32
    %mul3A_39 = arith.muli %arg1, %mul3A_38 : i32
    "tpu.region"() ({
      %run_scoped3A = tpu.sem_alloc : memref<!tpu.dma_semaphore, #tpu.memory_space<semaphore_mem>>
      %dma_start3A = tpu.memref_slice %arg10[%mul3A_39] : memref<10240xf32, #tpu.memory_space<vmem_shared>> -> memref<640xf32, #tpu.memory_space<vmem_shared>>
      %dma_start3A_52 = tpu.memref_slice %arg10[%mul3A_39] : memref<10240xf32, #tpu.memory_space<vmem_shared>> -> memref<640xf32, #tpu.memory_space<vmem_shared>>
      tpu.enqueue_dma source(%dma_start3A_52 : memref<640xf32, #tpu.memory_space<vmem_shared>>) target(%arg9 : memref<640xf32, #tpu.memory_space<vmem>>) target_semaphore(%run_scoped3A : memref<!tpu.dma_semaphore, #tpu.memory_space<semaphore_mem>>)
      %dma_wait3A = tpu.memref_slice %arg10[%mul3A_39] : memref<10240xf32, #tpu.memory_space<vmem_shared>> -> memref<640xf32, #tpu.memory_space<vmem_shared>>
      %dma_wait3A_53 = tpu.memref_slice %arg10[%mul3A_39] : memref<10240xf32, #tpu.memory_space<vmem_shared>> -> memref<640xf32, #tpu.memory_space<vmem_shared>>
      tpu.wait_dma2 semaphore(%run_scoped3A : memref<!tpu.dma_semaphore, #tpu.memory_space<semaphore_mem>>) src(%dma_wait3A_53 : memref<640xf32, #tpu.memory_space<vmem_shared>>) dst(%arg9 : memref<640xf32, #tpu.memory_space<vmem>>)
      tpu.yield
    }) : () -> ()
    %mul3A_40 = arith.constant 10240 : i32
    %mul3A_41 = arith.muli %arg0, %mul3A_40 : i32
    %mul3A_42 = arith.constant 640 : i32
    %mul3A_43 = arith.muli %arg1, %mul3A_42 : i32
    %add3A_44 = arith.addi %mul3A_41, %mul3A_43 : i32
    "tpu.region"() ({
      %run_scoped3A = tpu.sem_alloc : memref<!tpu.dma_semaphore, #tpu.memory_space<semaphore_mem>>
      %dma_start3A = tpu.memref_slice %arg4[%add3A_44] : memref<20480xf32, #tpu.memory_space<hbm>> -> memref<640xf32, #tpu.memory_space<hbm>>
      %dma_start3A_52 = tpu.memref_slice %arg4[%add3A_44] : memref<20480xf32, #tpu.memory_space<hbm>> -> memref<640xf32, #tpu.memory_space<hbm>>
      tpu.enqueue_dma source(%arg9 : memref<640xf32, #tpu.memory_space<vmem>>) target(%dma_start3A_52 : memref<640xf32, #tpu.memory_space<hbm>>) target_semaphore(%run_scoped3A : memref<!tpu.dma_semaphore, #tpu.memory_space<semaphore_mem>>)
      %dma_wait3A = tpu.memref_slice %arg4[%add3A_44] : memref<20480xf32, #tpu.memory_space<hbm>> -> memref<640xf32, #tpu.memory_space<hbm>>
      %dma_wait3A_53 = tpu.memref_slice %arg4[%add3A_44] : memref<20480xf32, #tpu.memory_space<hbm>> -> memref<640xf32, #tpu.memory_space<hbm>>
      tpu.wait_dma2 semaphore(%run_scoped3A : memref<!tpu.dma_semaphore, #tpu.memory_space<semaphore_mem>>) src(%arg9 : memref<640xf32, #tpu.memory_space<vmem>>) dst(%dma_wait3A_53 : memref<640xf32, #tpu.memory_space<hbm>>)
      tpu.yield
    }) : () -> ()
    %mul3A_45 = arith.constant 32 : i32
    %mul3A_46 = arith.muli %arg1, %mul3A_45 : i32
    "tpu.region"() ({
      %run_scoped3A = tpu.sem_alloc : memref<!tpu.dma_semaphore, #tpu.memory_space<semaphore_mem>>
      %dma_start3A = arith.constant 0 : i32
      %dma_start3A_52 = tpu.memref_slice %arg8[%dma_start3A] : memref<128xf32, #tpu.memory_space<vmem>> -> memref<32xf32, #tpu.memory_space<vmem>>
      %dma_start3A_53 = tpu.memref_slice %arg11[%mul3A_46] : memref<512xf32, #tpu.memory_space<vmem_shared>> -> memref<32xf32, #tpu.memory_space<vmem_shared>>
      %dma_start3A_54 = arith.constant 0 : i32
      %dma_start3A_55 = tpu.memref_slice %arg8[%dma_start3A_54] : memref<128xf32, #tpu.memory_space<vmem>> -> memref<32xf32, #tpu.memory_space<vmem>>
      %dma_start3A_56 = tpu.memref_slice %arg11[%mul3A_46] : memref<512xf32, #tpu.memory_space<vmem_shared>> -> memref<32xf32, #tpu.memory_space<vmem_shared>>
      tpu.enqueue_dma source(%dma_start3A_56 : memref<32xf32, #tpu.memory_space<vmem_shared>>) target(%dma_start3A_55 : memref<32xf32, #tpu.memory_space<vmem>>) target_semaphore(%run_scoped3A : memref<!tpu.dma_semaphore, #tpu.memory_space<semaphore_mem>>)
      %dma_wait3A = arith.constant 0 : i32
      %dma_wait3A_57 = tpu.memref_slice %arg8[%dma_wait3A] : memref<128xf32, #tpu.memory_space<vmem>> -> memref<32xf32, #tpu.memory_space<vmem>>
      %dma_wait3A_58 = tpu.memref_slice %arg11[%mul3A_46] : memref<512xf32, #tpu.memory_space<vmem_shared>> -> memref<32xf32, #tpu.memory_space<vmem_shared>>
      %dma_wait3A_59 = arith.constant 0 : i32
      %dma_wait3A_60 = tpu.memref_slice %arg8[%dma_wait3A_59] : memref<128xf32, #tpu.memory_space<vmem>> -> memref<32xf32, #tpu.memory_space<vmem>>
      %dma_wait3A_61 = tpu.memref_slice %arg11[%mul3A_46] : memref<512xf32, #tpu.memory_space<vmem_shared>> -> memref<32xf32, #tpu.memory_space<vmem_shared>>
      tpu.wait_dma2 semaphore(%run_scoped3A : memref<!tpu.dma_semaphore, #tpu.memory_space<semaphore_mem>>) src(%dma_wait3A_61 : memref<32xf32, #tpu.memory_space<vmem_shared>>) dst(%dma_wait3A_60 : memref<32xf32, #tpu.memory_space<vmem>>)
      tpu.yield
    }) : () -> ()
    %mul3A_47 = arith.constant 512 : i32
    %mul3A_48 = arith.muli %arg0, %mul3A_47 : i32
    %mul3A_49 = arith.constant 32 : i32
    %mul3A_50 = arith.muli %arg1, %mul3A_49 : i32
    %add3A_51 = arith.addi %mul3A_48, %mul3A_50 : i32
    "tpu.region"() ({
      %run_scoped3A = tpu.sem_alloc : memref<!tpu.dma_semaphore, #tpu.memory_space<semaphore_mem>>
      %dma_start3A = arith.constant 0 : i32
      %dma_start3A_52 = tpu.memref_slice %arg8[%dma_start3A] : memref<128xf32, #tpu.memory_space<vmem>> -> memref<32xf32, #tpu.memory_space<vmem>>
      %dma_start3A_53 = tpu.memref_slice %arg5[%add3A_51] : memref<1024xf32, #tpu.memory_space<hbm>> -> memref<32xf32, #tpu.memory_space<hbm>>
      %dma_start3A_54 = tpu.memref_slice %arg5[%add3A_51] : memref<1024xf32, #tpu.memory_space<hbm>> -> memref<32xf32, #tpu.memory_space<hbm>>
      %dma_start3A_55 = arith.constant 0 : i32
      %dma_start3A_56 = tpu.memref_slice %arg8[%dma_start3A_55] : memref<128xf32, #tpu.memory_space<vmem>> -> memref<32xf32, #tpu.memory_space<vmem>>
      tpu.enqueue_dma source(%dma_start3A_56 : memref<32xf32, #tpu.memory_space<vmem>>) target(%dma_start3A_54 : memref<32xf32, #tpu.memory_space<hbm>>) target_semaphore(%run_scoped3A : memref<!tpu.dma_semaphore, #tpu.memory_space<semaphore_mem>>)
      %dma_wait3A = arith.constant 0 : i32
      %dma_wait3A_57 = tpu.memref_slice %arg8[%dma_wait3A] : memref<128xf32, #tpu.memory_space<vmem>> -> memref<32xf32, #tpu.memory_space<vmem>>
      %dma_wait3A_58 = tpu.memref_slice %arg5[%add3A_51] : memref<1024xf32, #tpu.memory_space<hbm>> -> memref<32xf32, #tpu.memory_space<hbm>>
      %dma_wait3A_59 = tpu.memref_slice %arg5[%add3A_51] : memref<1024xf32, #tpu.memory_space<hbm>> -> memref<32xf32, #tpu.memory_space<hbm>>
      %dma_wait3A_60 = arith.constant 0 : i32
      %dma_wait3A_61 = tpu.memref_slice %arg8[%dma_wait3A_60] : memref<128xf32, #tpu.memory_space<vmem>> -> memref<32xf32, #tpu.memory_space<vmem>>
      tpu.wait_dma2 semaphore(%run_scoped3A : memref<!tpu.dma_semaphore, #tpu.memory_space<semaphore_mem>>) src(%dma_wait3A_61 : memref<32xf32, #tpu.memory_space<vmem>>) dst(%dma_wait3A_59 : memref<32xf32, #tpu.memory_space<hbm>>)
      tpu.yield
    }) : () -> ()
    return
  }
}

#map = affine_map<(d0, d1) -> (0, 0)>
#map1 = affine_map<(d0, d1) -> (0, 0, 0)>
module attributes {stable_mosaic.version = 14 : i64} {
  func.func @_pool_body(%arg0: i32, %arg1: i32, %arg2: memref<10240x128xf32, #tpu.memory_space<hbm>>, %arg3: memref<32x5x64xi32, #tpu.memory_space<hbm>>, %arg4: memref<1024x128xf32, #tpu.memory_space<hbm>>, %arg5: memref<5x64xi32, #tpu.memory_space<vmem>>, %arg6: memref<64x128xf32, #tpu.memory_space<vmem>>, %arg7: memref<16x128xf32, #tpu.memory_space<vmem>>, %arg8: memref<512x128xf32, #tpu.memory_space<vmem_shared>>) attributes {dimension_semantics = [#tpu.dimension_semantics<core_parallel>, #tpu.dimension_semantics<subcore_parallel>], iteration_bounds = array<i64: 2, 16>, scalar_prefetch = 0 : i64, scratch_operands = 4 : i64, tpu.core_type = #tpu.core_type<sc_vector_subcore>, window_params = [{transform_indices = #map}, {transform_indices = #map1}, {transform_indices = #map}]} {
    %mul3A = arith.constant 16 : i32
    %mul3A_0 = arith.muli %arg0, %mul3A : i32
    %add3A = arith.addi %mul3A_0, %arg1 : i32
    %broadcast_in_dim3A = arith.constant 0.000000e+00 : f32
    %broadcast_in_dim3A_1 = vector.broadcast %broadcast_in_dim3A : f32 to vector<16xf32>
    %scan3A = arith.constant 0 : i32
    %scan3A_2 = arith.constant 0 : i32
    %scan3A_3 = arith.constant 16 : i32
    %scan3A_4 = arith.addi %scan3A_2, %scan3A_3 : i32
    %scan3A_5 = arith.constant 1 : i32
    %scan3A_6 = scf.for %scan3A_30 = %scan3A_2 to %scan3A_4 step %scan3A_5 iter_args(%scan3A_31 = %scan3A) -> (i32)  : i32 {
      %swap3A = arith.index_cast %scan3A_30 : i32 to index
      %swap3A_32 = arith.constant 0 : index
      %swap3A_33 = tpu.vector_load %arg7[%swap3A, %swap3A_32] {strides = array<i32>} : memref<16x128xf32, #tpu.memory_space<vmem>>, vector<1x16xf32>,
      %swap3A_34 = vector.shape_cast %swap3A_33 : vector<1x16xf32> to vector<16xf32>
      %swap3A_35 = vector.shape_cast %broadcast_in_dim3A_1 : vector<16xf32> to vector<1x16xf32>
      tpu.vector_store %arg7[%swap3A, %swap3A_32], %swap3A_35 {strides = array<i32>} : memref<16x128xf32, #tpu.memory_space<vmem>>, vector<1x16xf32>,
      %swap3A_36 = arith.index_cast %scan3A_30 : i32 to index
      %swap3A_37 = arith.constant 16 : index
      %swap3A_38 = tpu.vector_load %arg7[%swap3A_36, %swap3A_37] {strides = array<i32>} : memref<16x128xf32, #tpu.memory_space<vmem>>, vector<1x16xf32>,
      %swap3A_39 = vector.shape_cast %swap3A_38 : vector<1x16xf32> to vector<16xf32>
      %swap3A_40 = vector.shape_cast %broadcast_in_dim3A_1 : vector<16xf32> to vector<1x16xf32>
      tpu.vector_store %arg7[%swap3A_36, %swap3A_37], %swap3A_40 {strides = array<i32>} : memref<16x128xf32, #tpu.memory_space<vmem>>, vector<1x16xf32>,
      %swap3A_41 = arith.index_cast %scan3A_30 : i32 to index
      %swap3A_42 = arith.constant 32 : index
      %swap3A_43 = tpu.vector_load %arg7[%swap3A_41, %swap3A_42] {strides = array<i32>} : memref<16x128xf32, #tpu.memory_space<vmem>>, vector<1x16xf32>,
      %swap3A_44 = vector.shape_cast %swap3A_43 : vector<1x16xf32> to vector<16xf32>
      %swap3A_45 = vector.shape_cast %broadcast_in_dim3A_1 : vector<16xf32> to vector<1x16xf32>
      tpu.vector_store %arg7[%swap3A_41, %swap3A_42], %swap3A_45 {strides = array<i32>} : memref<16x128xf32, #tpu.memory_space<vmem>>, vector<1x16xf32>,
      %swap3A_46 = arith.index_cast %scan3A_30 : i32 to index
      %swap3A_47 = arith.constant 48 : index
      %swap3A_48 = tpu.vector_load %arg7[%swap3A_46, %swap3A_47] {strides = array<i32>} : memref<16x128xf32, #tpu.memory_space<vmem>>, vector<1x16xf32>,
      %swap3A_49 = vector.shape_cast %swap3A_48 : vector<1x16xf32> to vector<16xf32>
      %swap3A_50 = vector.shape_cast %broadcast_in_dim3A_1 : vector<16xf32> to vector<1x16xf32>
      tpu.vector_store %arg7[%swap3A_46, %swap3A_47], %swap3A_50 {strides = array<i32>} : memref<16x128xf32, #tpu.memory_space<vmem>>, vector<1x16xf32>,
      %swap3A_51 = arith.index_cast %scan3A_30 : i32 to index
      %swap3A_52 = arith.constant 64 : index
      %swap3A_53 = tpu.vector_load %arg7[%swap3A_51, %swap3A_52] {strides = array<i32>} : memref<16x128xf32, #tpu.memory_space<vmem>>, vector<1x16xf32>,
      %swap3A_54 = vector.shape_cast %swap3A_53 : vector<1x16xf32> to vector<16xf32>
      %swap3A_55 = vector.shape_cast %broadcast_in_dim3A_1 : vector<16xf32> to vector<1x16xf32>
      tpu.vector_store %arg7[%swap3A_51, %swap3A_52], %swap3A_55 {strides = array<i32>} : memref<16x128xf32, #tpu.memory_space<vmem>>, vector<1x16xf32>,
      %swap3A_56 = arith.index_cast %scan3A_30 : i32 to index
      %swap3A_57 = arith.constant 80 : index
      %swap3A_58 = tpu.vector_load %arg7[%swap3A_56, %swap3A_57] {strides = array<i32>} : memref<16x128xf32, #tpu.memory_space<vmem>>, vector<1x16xf32>,
      %swap3A_59 = vector.shape_cast %swap3A_58 : vector<1x16xf32> to vector<16xf32>
      %swap3A_60 = vector.shape_cast %broadcast_in_dim3A_1 : vector<16xf32> to vector<1x16xf32>
      tpu.vector_store %arg7[%swap3A_56, %swap3A_57], %swap3A_60 {strides = array<i32>} : memref<16x128xf32, #tpu.memory_space<vmem>>, vector<1x16xf32>,
      %swap3A_61 = arith.index_cast %scan3A_30 : i32 to index
      %swap3A_62 = arith.constant 96 : index
      %swap3A_63 = tpu.vector_load %arg7[%swap3A_61, %swap3A_62] {strides = array<i32>} : memref<16x128xf32, #tpu.memory_space<vmem>>, vector<1x16xf32>,
      %swap3A_64 = vector.shape_cast %swap3A_63 : vector<1x16xf32> to vector<16xf32>
      %swap3A_65 = vector.shape_cast %broadcast_in_dim3A_1 : vector<16xf32> to vector<1x16xf32>
      tpu.vector_store %arg7[%swap3A_61, %swap3A_62], %swap3A_65 {strides = array<i32>} : memref<16x128xf32, #tpu.memory_space<vmem>>, vector<1x16xf32>,
      %swap3A_66 = arith.index_cast %scan3A_30 : i32 to index
      %swap3A_67 = arith.constant 112 : index
      %swap3A_68 = tpu.vector_load %arg7[%swap3A_66, %swap3A_67] {strides = array<i32>} : memref<16x128xf32, #tpu.memory_space<vmem>>, vector<1x16xf32>,
      %swap3A_69 = vector.shape_cast %swap3A_68 : vector<1x16xf32> to vector<16xf32>
      %swap3A_70 = vector.shape_cast %broadcast_in_dim3A_1 : vector<16xf32> to vector<1x16xf32>
      tpu.vector_store %arg7[%swap3A_66, %swap3A_67], %swap3A_70 {strides = array<i32>} : memref<16x128xf32, #tpu.memory_space<vmem>>, vector<1x16xf32>,
      %scan3A_71 = arith.constant 0 : i32
      scf.yield %scan3A_71 : i32
    }
    %scan3A_7 = arith.constant 16 : i32
    %scan3A_8 = arith.constant 0 : i32
    %scan3A_9 = arith.constant 0 : i32
    %scan3A_10 = arith.constant 2 : i32
    %scan3A_11 = arith.addi %scan3A_9, %scan3A_10 : i32
    %scan3A_12 = arith.constant 1 : i32
    %scan3A_13 = scf.for %scan3A_30 = %scan3A_9 to %scan3A_11 step %scan3A_12 iter_args(%scan3A_31 = %scan3A_8) -> (i32)  : i32 {
      %mul3A_32 = arith.constant 32 : i32
      %mul3A_33 = arith.muli %arg1, %mul3A_32 : i32
      %mul3A_34 = arith.constant 16 : i32
      %mul3A_35 = arith.muli %scan3A_30, %mul3A_34 : i32
      %add3A_36 = arith.addi %mul3A_33, %mul3A_35 : i32
      "tpu.region"() ({
        %run_scoped3A = tpu.sem_alloc : memref<!tpu.dma_semaphore, #tpu.memory_space<semaphore_mem>>
        %dma_start3A = arith.constant 0 : i32
        %dma_start3A_38 = tpu.memref_slice %arg8[%add3A_36, %dma_start3A] : memref<512x128xf32, #tpu.memory_space<vmem_shared>> -> memref<16x128xf32, #tpu.memory_space<vmem_shared>>
        %dma_start3A_39 = arith.constant 0 : i32
        %dma_start3A_40 = tpu.memref_slice %arg8[%add3A_36, %dma_start3A_39] : memref<512x128xf32, #tpu.memory_space<vmem_shared>> -> memref<16x128xf32, #tpu.memory_space<vmem_shared>>
        tpu.enqueue_dma source(%arg7 : memref<16x128xf32, #tpu.memory_space<vmem>>) target(%dma_start3A_40 : memref<16x128xf32, #tpu.memory_space<vmem_shared>>) target_semaphore(%run_scoped3A : memref<!tpu.dma_semaphore, #tpu.memory_space<semaphore_mem>>)
        %dma_wait3A = arith.constant 0 : i32
        %dma_wait3A_41 = tpu.memref_slice %arg8[%add3A_36, %dma_wait3A] : memref<512x128xf32, #tpu.memory_space<vmem_shared>> -> memref<16x128xf32, #tpu.memory_space<vmem_shared>>
        %dma_wait3A_42 = arith.constant 0 : i32
        %dma_wait3A_43 = tpu.memref_slice %arg8[%add3A_36, %dma_wait3A_42] : memref<512x128xf32, #tpu.memory_space<vmem_shared>> -> memref<16x128xf32, #tpu.memory_space<vmem_shared>>
        tpu.wait_dma2 semaphore(%run_scoped3A : memref<!tpu.dma_semaphore, #tpu.memory_space<semaphore_mem>>) src(%arg7 : memref<16x128xf32, #tpu.memory_space<vmem>>) dst(%dma_wait3A_43 : memref<16x128xf32, #tpu.memory_space<vmem_shared>>)
        tpu.yield
      }) : () -> ()
      %scan3A_37 = arith.constant 0 : i32
      scf.yield %scan3A_37 : i32
    }
    %scan3A_14 = arith.constant 2 : i32
    %barrier3A = arith.constant 0 : index
    tpu.barrier barrier_id(%barrier3A)
    "tpu.region"() ({
      %run_scoped3A = tpu.sem_alloc : memref<!tpu.dma_semaphore, #tpu.memory_space<semaphore_mem>>
      %dma_start3A = arith.constant 0 : i32
      %dma_start3A_30 = arith.constant 0 : i32
      %dma_start3A_31 = tpu.memref_slice %arg3[%add3A, %dma_start3A, %dma_start3A_30] : memref<32x5x64xi32, #tpu.memory_space<hbm>> -> memref<1x5x64xi32, #tpu.memory_space<hbm>>
      %dma_start3A_32 = tpu.memref_squeeze %dma_start3A_31 : memref<1x5x64xi32, #tpu.memory_space<hbm>> -> memref<5x64xi32, #tpu.memory_space<hbm>>
      %dma_start3A_33 = arith.constant 0 : i32
      %dma_start3A_34 = arith.constant 0 : i32
      %dma_start3A_35 = tpu.memref_slice %arg3[%add3A, %dma_start3A_33, %dma_start3A_34] : memref<32x5x64xi32, #tpu.memory_space<hbm>> -> memref<1x5x64xi32, #tpu.memory_space<hbm>>
      %dma_start3A_36 = tpu.memref_squeeze %dma_start3A_35 : memref<1x5x64xi32, #tpu.memory_space<hbm>> -> memref<5x64xi32, #tpu.memory_space<hbm>>
      tpu.enqueue_dma source(%dma_start3A_36 : memref<5x64xi32, #tpu.memory_space<hbm>>) target(%arg5 : memref<5x64xi32, #tpu.memory_space<vmem>>) target_semaphore(%run_scoped3A : memref<!tpu.dma_semaphore, #tpu.memory_space<semaphore_mem>>)
      %dma_wait3A = arith.constant 0 : i32
      %dma_wait3A_37 = arith.constant 0 : i32
      %dma_wait3A_38 = tpu.memref_slice %arg3[%add3A, %dma_wait3A, %dma_wait3A_37] : memref<32x5x64xi32, #tpu.memory_space<hbm>> -> memref<1x5x64xi32, #tpu.memory_space<hbm>>
      %dma_wait3A_39 = tpu.memref_squeeze %dma_wait3A_38 : memref<1x5x64xi32, #tpu.memory_space<hbm>> -> memref<5x64xi32, #tpu.memory_space<hbm>>
      %dma_wait3A_40 = arith.constant 0 : i32
      %dma_wait3A_41 = arith.constant 0 : i32
      %dma_wait3A_42 = tpu.memref_slice %arg3[%add3A, %dma_wait3A_40, %dma_wait3A_41] : memref<32x5x64xi32, #tpu.memory_space<hbm>> -> memref<1x5x64xi32, #tpu.memory_space<hbm>>
      %dma_wait3A_43 = tpu.memref_squeeze %dma_wait3A_42 : memref<1x5x64xi32, #tpu.memory_space<hbm>> -> memref<5x64xi32, #tpu.memory_space<hbm>>
      tpu.wait_dma2 semaphore(%run_scoped3A : memref<!tpu.dma_semaphore, #tpu.memory_space<semaphore_mem>>) src(%dma_wait3A_43 : memref<5x64xi32, #tpu.memory_space<hbm>>) dst(%arg5 : memref<5x64xi32, #tpu.memory_space<vmem>>)
      tpu.yield
    }) : () -> ()
    %scan3A_15 = arith.constant 0 : i32
    %scan3A_16 = arith.constant 0 : i32
    %scan3A_17 = arith.constant 5 : i32
    %scan3A_18 = arith.addi %scan3A_16, %scan3A_17 : i32
    %scan3A_19 = arith.constant 1 : i32
    %scan3A_20 = scf.for %scan3A_30 = %scan3A_16 to %scan3A_18 step %scan3A_19 iter_args(%scan3A_31 = %scan3A_15) -> (i32)  : i32 {
      %mul3A_32 = arith.constant 320 : i32
      %mul3A_33 = arith.muli %add3A, %mul3A_32 : i32
      %mul3A_34 = arith.constant 64 : i32
      %mul3A_35 = arith.muli %scan3A_30, %mul3A_34 : i32
      %add3A_36 = arith.addi %mul3A_33, %mul3A_35 : i32
      "tpu.region"() ({
        %run_scoped3A = tpu.sem_alloc : memref<!tpu.dma_semaphore, #tpu.memory_space<semaphore_mem>>
        %dma_start3A = arith.constant 0 : i32
        %dma_start3A_38 = tpu.memref_slice %arg2[%add3A_36, %dma_start3A] : memref<10240x128xf32, #tpu.memory_space<hbm>> -> memref<64x128xf32, #tpu.memory_space<hbm>>
        %dma_start3A_39 = arith.constant 0 : i32
        %dma_start3A_40 = tpu.memref_slice %arg2[%add3A_36, %dma_start3A_39] : memref<10240x128xf32, #tpu.memory_space<hbm>> -> memref<64x128xf32, #tpu.memory_space<hbm>>
        tpu.enqueue_dma source(%dma_start3A_40 : memref<64x128xf32, #tpu.memory_space<hbm>>) target(%arg6 : memref<64x128xf32, #tpu.memory_space<vmem>>) target_semaphore(%run_scoped3A : memref<!tpu.dma_semaphore, #tpu.memory_space<semaphore_mem>>)
        %dma_wait3A = arith.constant 0 : i32
        %dma_wait3A_41 = tpu.memref_slice %arg2[%add3A_36, %dma_wait3A] : memref<10240x128xf32, #tpu.memory_space<hbm>> -> memref<64x128xf32, #tpu.memory_space<hbm>>
        %dma_wait3A_42 = arith.constant 0 : i32
        %dma_wait3A_43 = tpu.memref_slice %arg2[%add3A_36, %dma_wait3A_42] : memref<10240x128xf32, #tpu.memory_space<hbm>> -> memref<64x128xf32, #tpu.memory_space<hbm>>
        tpu.wait_dma2 semaphore(%run_scoped3A : memref<!tpu.dma_semaphore, #tpu.memory_space<semaphore_mem>>) src(%dma_wait3A_43 : memref<64x128xf32, #tpu.memory_space<hbm>>) dst(%arg6 : memref<64x128xf32, #tpu.memory_space<vmem>>)
        tpu.yield
      }) : () -> ()
      "tpu.region"() ({
        %run_scoped3A = tpu.sem_alloc : memref<!tpu.dma_semaphore, #tpu.memory_space<semaphore_mem>>
        %dma_start3A = arith.constant 0 : i32
        %dma_start3A_38 = tpu.memref_slice %arg5[%scan3A_30, %dma_start3A] : memref<5x64xi32, #tpu.memory_space<vmem>> -> memref<1x64xi32, #tpu.memory_space<vmem>>
        %dma_start3A_39 = tpu.memref_squeeze %dma_start3A_38 : memref<1x64xi32, #tpu.memory_space<vmem>> -> memref<64xi32, #tpu.memory_space<vmem>>
        %dma_start3A_40 = arith.constant 0 : i32
        %dma_start3A_41 = arith.constant 0 : i32
        %dma_start3A_42 = tpu.memref_slice %arg8[%dma_start3A_40, %dma_start3A_41] : memref<512x128xf32, #tpu.memory_space<vmem_shared>> -> memref<512x128xf32, #tpu.memory_space<vmem_shared>>
        tpu.enqueue_indirect_dma source(%arg6 : memref<64x128xf32, #tpu.memory_space<vmem>>) target(%dma_start3A_42 : memref<512x128xf32, #tpu.memory_space<vmem_shared>>) offsets(%dma_start3A_39 : memref<64xi32, #tpu.memory_space<vmem>>) semaphore(%run_scoped3A : memref<!tpu.dma_semaphore, #tpu.memory_space<semaphore_mem>>) {add = true}
        %dma_wait3A = arith.constant 0 : i32
        %dma_wait3A_43 = tpu.memref_slice %arg5[%scan3A_30, %dma_wait3A] : memref<5x64xi32, #tpu.memory_space<vmem>> -> memref<1x64xi32, #tpu.memory_space<vmem>>
        %dma_wait3A_44 = tpu.memref_squeeze %dma_wait3A_43 : memref<1x64xi32, #tpu.memory_space<vmem>> -> memref<64xi32, #tpu.memory_space<vmem>>
        %dma_wait3A_45 = arith.constant 0 : i32
        %dma_wait3A_46 = arith.constant 0 : i32
        %dma_wait3A_47 = tpu.memref_slice %arg8[%dma_wait3A_45, %dma_wait3A_46] : memref<512x128xf32, #tpu.memory_space<vmem_shared>> -> memref<512x128xf32, #tpu.memory_space<vmem_shared>>
        tpu.wait_indirect_dma semaphore(%run_scoped3A : memref<!tpu.dma_semaphore, #tpu.memory_space<semaphore_mem>>) src(%arg6 : memref<64x128xf32, #tpu.memory_space<vmem>>) dst(%dma_wait3A_47 : memref<512x128xf32, #tpu.memory_space<vmem_shared>>)
        tpu.yield
      }) : () -> ()
      %scan3A_37 = arith.constant 0 : i32
      scf.yield %scan3A_37 : i32
    }
    %scan3A_21 = arith.constant 5 : i32
    %barrier3A_22 = arith.constant 0 : index
    tpu.barrier barrier_id(%barrier3A_22)
    %mul3A_23 = arith.constant 32 : i32
    %mul3A_24 = arith.muli %arg1, %mul3A_23 : i32
    "tpu.region"() ({
      %run_scoped3A = tpu.sem_alloc : memref<!tpu.dma_semaphore, #tpu.memory_space<semaphore_mem>>
      %dma_start3A = arith.constant 0 : i32
      %dma_start3A_30 = arith.constant 0 : i32
      %dma_start3A_31 = tpu.memref_slice %arg6[%dma_start3A, %dma_start3A_30] : memref<64x128xf32, #tpu.memory_space<vmem>> -> memref<32x128xf32, #tpu.memory_space<vmem>>
      %dma_start3A_32 = arith.constant 0 : i32
      %dma_start3A_33 = tpu.memref_slice %arg8[%mul3A_24, %dma_start3A_32] : memref<512x128xf32, #tpu.memory_space<vmem_shared>> -> memref<32x128xf32, #tpu.memory_space<vmem_shared>>
      %dma_start3A_34 = arith.constant 0 : i32
      %dma_start3A_35 = arith.constant 0 : i32
      %dma_start3A_36 = tpu.memref_slice %arg6[%dma_start3A_34, %dma_start3A_35] : memref<64x128xf32, #tpu.memory_space<vmem>> -> memref<32x128xf32, #tpu.memory_space<vmem>>
      %dma_start3A_37 = arith.constant 0 : i32
      %dma_start3A_38 = tpu.memref_slice %arg8[%mul3A_24, %dma_start3A_37] : memref<512x128xf32, #tpu.memory_space<vmem_shared>> -> memref<32x128xf32, #tpu.memory_space<vmem_shared>>
      tpu.enqueue_dma source(%dma_start3A_38 : memref<32x128xf32, #tpu.memory_space<vmem_shared>>) target(%dma_start3A_36 : memref<32x128xf32, #tpu.memory_space<vmem>>) target_semaphore(%run_scoped3A : memref<!tpu.dma_semaphore, #tpu.memory_space<semaphore_mem>>)
      %dma_wait3A = arith.constant 0 : i32
      %dma_wait3A_39 = arith.constant 0 : i32
      %dma_wait3A_40 = tpu.memref_slice %arg6[%dma_wait3A, %dma_wait3A_39] : memref<64x128xf32, #tpu.memory_space<vmem>> -> memref<32x128xf32, #tpu.memory_space<vmem>>
      %dma_wait3A_41 = arith.constant 0 : i32
      %dma_wait3A_42 = tpu.memref_slice %arg8[%mul3A_24, %dma_wait3A_41] : memref<512x128xf32, #tpu.memory_space<vmem_shared>> -> memref<32x128xf32, #tpu.memory_space<vmem_shared>>
      %dma_wait3A_43 = arith.constant 0 : i32
      %dma_wait3A_44 = arith.constant 0 : i32
      %dma_wait3A_45 = tpu.memref_slice %arg6[%dma_wait3A_43, %dma_wait3A_44] : memref<64x128xf32, #tpu.memory_space<vmem>> -> memref<32x128xf32, #tpu.memory_space<vmem>>
      %dma_wait3A_46 = arith.constant 0 : i32
      %dma_wait3A_47 = tpu.memref_slice %arg8[%mul3A_24, %dma_wait3A_46] : memref<512x128xf32, #tpu.memory_space<vmem_shared>> -> memref<32x128xf32, #tpu.memory_space<vmem_shared>>
      tpu.wait_dma2 semaphore(%run_scoped3A : memref<!tpu.dma_semaphore, #tpu.memory_space<semaphore_mem>>) src(%dma_wait3A_47 : memref<32x128xf32, #tpu.memory_space<vmem_shared>>) dst(%dma_wait3A_45 : memref<32x128xf32, #tpu.memory_space<vmem>>)
      tpu.yield
    }) : () -> ()
    %mul3A_25 = arith.constant 512 : i32
    %mul3A_26 = arith.muli %arg0, %mul3A_25 : i32
    %mul3A_27 = arith.constant 32 : i32
    %mul3A_28 = arith.muli %arg1, %mul3A_27 : i32
    %add3A_29 = arith.addi %mul3A_26, %mul3A_28 : i32
    "tpu.region"() ({
      %run_scoped3A = tpu.sem_alloc : memref<!tpu.dma_semaphore, #tpu.memory_space<semaphore_mem>>
      %dma_start3A = arith.constant 0 : i32
      %dma_start3A_30 = arith.constant 0 : i32
      %dma_start3A_31 = tpu.memref_slice %arg6[%dma_start3A, %dma_start3A_30] : memref<64x128xf32, #tpu.memory_space<vmem>> -> memref<32x128xf32, #tpu.memory_space<vmem>>
      %dma_start3A_32 = arith.constant 0 : i32
      %dma_start3A_33 = tpu.memref_slice %arg4[%add3A_29, %dma_start3A_32] : memref<1024x128xf32, #tpu.memory_space<hbm>> -> memref<32x128xf32, #tpu.memory_space<hbm>>
      %dma_start3A_34 = arith.constant 0 : i32
      %dma_start3A_35 = tpu.memref_slice %arg4[%add3A_29, %dma_start3A_34] : memref<1024x128xf32, #tpu.memory_space<hbm>> -> memref<32x128xf32, #tpu.memory_space<hbm>>
      %dma_start3A_36 = arith.constant 0 : i32
      %dma_start3A_37 = arith.constant 0 : i32
      %dma_start3A_38 = tpu.memref_slice %arg6[%dma_start3A_36, %dma_start3A_37] : memref<64x128xf32, #tpu.memory_space<vmem>> -> memref<32x128xf32, #tpu.memory_space<vmem>>
      tpu.enqueue_dma source(%dma_start3A_38 : memref<32x128xf32, #tpu.memory_space<vmem>>) target(%dma_start3A_35 : memref<32x128xf32, #tpu.memory_space<hbm>>) target_semaphore(%run_scoped3A : memref<!tpu.dma_semaphore, #tpu.memory_space<semaphore_mem>>)
      %dma_wait3A = arith.constant 0 : i32
      %dma_wait3A_39 = arith.constant 0 : i32
      %dma_wait3A_40 = tpu.memref_slice %arg6[%dma_wait3A, %dma_wait3A_39] : memref<64x128xf32, #tpu.memory_space<vmem>> -> memref<32x128xf32, #tpu.memory_space<vmem>>
      %dma_wait3A_41 = arith.constant 0 : i32
      %dma_wait3A_42 = tpu.memref_slice %arg4[%add3A_29, %dma_wait3A_41] : memref<1024x128xf32, #tpu.memory_space<hbm>> -> memref<32x128xf32, #tpu.memory_space<hbm>>
      %dma_wait3A_43 = arith.constant 0 : i32
      %dma_wait3A_44 = tpu.memref_slice %arg4[%add3A_29, %dma_wait3A_43] : memref<1024x128xf32, #tpu.memory_space<hbm>> -> memref<32x128xf32, #tpu.memory_space<hbm>>
      %dma_wait3A_45 = arith.constant 0 : i32
      %dma_wait3A_46 = arith.constant 0 : i32
      %dma_wait3A_47 = tpu.memref_slice %arg6[%dma_wait3A_45, %dma_wait3A_46] : memref<64x128xf32, #tpu.memory_space<vmem>> -> memref<32x128xf32, #tpu.memory_space<vmem>>
      tpu.wait_dma2 semaphore(%run_scoped3A : memref<!tpu.dma_semaphore, #tpu.memory_space<semaphore_mem>>) src(%dma_wait3A_47 : memref<32x128xf32, #tpu.memory_space<vmem>>) dst(%dma_wait3A_44 : memref<32x128xf32, #tpu.memory_space<hbm>>)
      tpu.yield
    }) : () -> ()
    return
  }
}

#map = affine_map<(d0, d1) -> (0, 0)>
#map1 = affine_map<(d0, d1) -> (0, 0, 0)>
module attributes {stable_mosaic.version = 14 : i64} {
  func.func @_pairs_body(%arg0: i32, %arg1: i32, %arg2: memref<1024x256xf32, #tpu.memory_space<hbm>>, %arg3: memref<32x2x128xi32, #tpu.memory_space<hbm>>, %arg4: memref<8192x256xf32, #tpu.memory_space<hbm>>, %arg5: memref<2x128xi32, #tpu.memory_space<vmem>>, %arg6: memref<128x256xf32, #tpu.memory_space<vmem>>, %arg7: memref<!tpu.dma_semaphore, #tpu.memory_space<semaphore_mem>>) attributes {dimension_semantics = [#tpu.dimension_semantics<core_parallel>, #tpu.dimension_semantics<subcore_parallel>], iteration_bounds = array<i64: 2, 16>, scalar_prefetch = 0 : i64, scratch_operands = 3 : i64, tpu.core_type = #tpu.core_type<sc_vector_subcore>, window_params = [{transform_indices = #map}, {transform_indices = #map1}, {transform_indices = #map}]} {
    %mul3A = arith.constant 16 : i32
    %mul3A_0 = arith.muli %arg0, %mul3A : i32
    %add3A = arith.addi %mul3A_0, %arg1 : i32
    "tpu.region"() ({
      %run_scoped3A = tpu.sem_alloc : memref<!tpu.dma_semaphore, #tpu.memory_space<semaphore_mem>>
      %dma_start3A = arith.constant 0 : i32
      %dma_start3A_7 = arith.constant 0 : i32
      %dma_start3A_8 = tpu.memref_slice %arg3[%add3A, %dma_start3A, %dma_start3A_7] : memref<32x2x128xi32, #tpu.memory_space<hbm>> -> memref<1x2x128xi32, #tpu.memory_space<hbm>>
      %dma_start3A_9 = tpu.memref_squeeze %dma_start3A_8 : memref<1x2x128xi32, #tpu.memory_space<hbm>> -> memref<2x128xi32, #tpu.memory_space<hbm>>
      %dma_start3A_10 = arith.constant 0 : i32
      %dma_start3A_11 = arith.constant 0 : i32
      %dma_start3A_12 = tpu.memref_slice %arg3[%add3A, %dma_start3A_10, %dma_start3A_11] : memref<32x2x128xi32, #tpu.memory_space<hbm>> -> memref<1x2x128xi32, #tpu.memory_space<hbm>>
      %dma_start3A_13 = tpu.memref_squeeze %dma_start3A_12 : memref<1x2x128xi32, #tpu.memory_space<hbm>> -> memref<2x128xi32, #tpu.memory_space<hbm>>
      tpu.enqueue_dma source(%dma_start3A_13 : memref<2x128xi32, #tpu.memory_space<hbm>>) target(%arg5 : memref<2x128xi32, #tpu.memory_space<vmem>>) target_semaphore(%run_scoped3A : memref<!tpu.dma_semaphore, #tpu.memory_space<semaphore_mem>>)
      %dma_wait3A = arith.constant 0 : i32
      %dma_wait3A_14 = arith.constant 0 : i32
      %dma_wait3A_15 = tpu.memref_slice %arg3[%add3A, %dma_wait3A, %dma_wait3A_14] : memref<32x2x128xi32, #tpu.memory_space<hbm>> -> memref<1x2x128xi32, #tpu.memory_space<hbm>>
      %dma_wait3A_16 = tpu.memref_squeeze %dma_wait3A_15 : memref<1x2x128xi32, #tpu.memory_space<hbm>> -> memref<2x128xi32, #tpu.memory_space<hbm>>
      %dma_wait3A_17 = arith.constant 0 : i32
      %dma_wait3A_18 = arith.constant 0 : i32
      %dma_wait3A_19 = tpu.memref_slice %arg3[%add3A, %dma_wait3A_17, %dma_wait3A_18] : memref<32x2x128xi32, #tpu.memory_space<hbm>> -> memref<1x2x128xi32, #tpu.memory_space<hbm>>
      %dma_wait3A_20 = tpu.memref_squeeze %dma_wait3A_19 : memref<1x2x128xi32, #tpu.memory_space<hbm>> -> memref<2x128xi32, #tpu.memory_space<hbm>>
      tpu.wait_dma2 semaphore(%run_scoped3A : memref<!tpu.dma_semaphore, #tpu.memory_space<semaphore_mem>>) src(%dma_wait3A_20 : memref<2x128xi32, #tpu.memory_space<hbm>>) dst(%arg5 : memref<2x128xi32, #tpu.memory_space<vmem>>)
      tpu.yield
    }) : () -> ()
    %scan3A = arith.constant 0 : i32
    %scan3A_1 = arith.constant 0 : i32
    %scan3A_2 = arith.constant 2 : i32
    %scan3A_3 = arith.addi %scan3A_1, %scan3A_2 : i32
    %scan3A_4 = arith.constant 1 : i32
    %scan3A_5 = scf.for %scan3A_7 = %scan3A_1 to %scan3A_3 step %scan3A_4 iter_args(%scan3A_8 = %scan3A) -> (i32)  : i32 {
      %dma_start3A = arith.constant 0 : i32
      %dma_start3A_9 = tpu.memref_slice %arg5[%scan3A_7, %dma_start3A] : memref<2x128xi32, #tpu.memory_space<vmem>> -> memref<1x128xi32, #tpu.memory_space<vmem>>
      %dma_start3A_10 = tpu.memref_squeeze %dma_start3A_9 : memref<1x128xi32, #tpu.memory_space<vmem>> -> memref<128xi32, #tpu.memory_space<vmem>>
      %dma_start3A_11 = arith.constant 0 : i32
      %dma_start3A_12 = arith.constant 0 : i32
      %dma_start3A_13 = tpu.memref_slice %arg2[%dma_start3A_11, %dma_start3A_12] : memref<1024x256xf32, #tpu.memory_space<hbm>> -> memref<1024x256xf32, #tpu.memory_space<hbm>>
      tpu.enqueue_indirect_dma source(%dma_start3A_13 : memref<1024x256xf32, #tpu.memory_space<hbm>>) target(%arg6 : memref<128x256xf32, #tpu.memory_space<vmem>>) offsets(%dma_start3A_10 : memref<128xi32, #tpu.memory_space<vmem>>) semaphore(%arg7 : memref<!tpu.dma_semaphore, #tpu.memory_space<semaphore_mem>>)
      %dma_wait3A = arith.constant 0 : i32
      %dma_wait3A_14 = tpu.memref_slice %arg5[%scan3A_7, %dma_wait3A] : memref<2x128xi32, #tpu.memory_space<vmem>> -> memref<1x128xi32, #tpu.memory_space<vmem>>
      %dma_wait3A_15 = tpu.memref_squeeze %dma_wait3A_14 : memref<1x128xi32, #tpu.memory_space<vmem>> -> memref<128xi32, #tpu.memory_space<vmem>>
      %dma_wait3A_16 = arith.constant 0 : i32
      %dma_wait3A_17 = arith.constant 0 : i32
      %dma_wait3A_18 = tpu.memref_slice %arg2[%dma_wait3A_16, %dma_wait3A_17] : memref<1024x256xf32, #tpu.memory_space<hbm>> -> memref<1024x256xf32, #tpu.memory_space<hbm>>
      tpu.wait_indirect_dma semaphore(%arg7 : memref<!tpu.dma_semaphore, #tpu.memory_space<semaphore_mem>>) src(%dma_wait3A_18 : memref<1024x256xf32, #tpu.memory_space<hbm>>) dst(%arg6 : memref<128x256xf32, #tpu.memory_space<vmem>>)
      %mul3A_19 = arith.constant 256 : i32
      %mul3A_20 = arith.muli %add3A, %mul3A_19 : i32
      %mul3A_21 = arith.constant 128 : i32
      %mul3A_22 = arith.muli %scan3A_7, %mul3A_21 : i32
      %add3A_23 = arith.addi %mul3A_20, %mul3A_22 : i32
      "tpu.region"() ({
        %run_scoped3A = tpu.sem_alloc : memref<!tpu.dma_semaphore, #tpu.memory_space<semaphore_mem>>
        %dma_start3A_25 = arith.constant 0 : i32
        %dma_start3A_26 = tpu.memref_slice %arg4[%add3A_23, %dma_start3A_25] : memref<8192x256xf32, #tpu.memory_space<hbm>> -> memref<128x256xf32, #tpu.memory_space<hbm>>
        %dma_start3A_27 = arith.constant 0 : i32
        %dma_start3A_28 = tpu.memref_slice %arg4[%add3A_23, %dma_start3A_27] : memref<8192x256xf32, #tpu.memory_space<hbm>> -> memref<128x256xf32, #tpu.memory_space<hbm>>
        tpu.enqueue_dma source(%arg6 : memref<128x256xf32, #tpu.memory_space<vmem>>) target(%dma_start3A_28 : memref<128x256xf32, #tpu.memory_space<hbm>>) target_semaphore(%run_scoped3A : memref<!tpu.dma_semaphore, #tpu.memory_space<semaphore_mem>>)
        %dma_wait3A_29 = arith.constant 0 : i32
        %dma_wait3A_30 = tpu.memref_slice %arg4[%add3A_23, %dma_wait3A_29] : memref<8192x256xf32, #tpu.memory_space<hbm>> -> memref<128x256xf32, #tpu.memory_space<hbm>>
        %dma_wait3A_31 = arith.constant 0 : i32
        %dma_wait3A_32 = tpu.memref_slice %arg4[%add3A_23, %dma_wait3A_31] : memref<8192x256xf32, #tpu.memory_space<hbm>> -> memref<128x256xf32, #tpu.memory_space<hbm>>
        tpu.wait_dma2 semaphore(%run_scoped3A : memref<!tpu.dma_semaphore, #tpu.memory_space<semaphore_mem>>) src(%arg6 : memref<128x256xf32, #tpu.memory_space<vmem>>) dst(%dma_wait3A_32 : memref<128x256xf32, #tpu.memory_space<hbm>>)
        tpu.yield
      }) : () -> ()
      %scan3A_24 = arith.constant 0 : i32
      scf.yield %scan3A_24 : i32
    }
    %scan3A_6 = arith.constant 2 : i32
    return
  }
}

module attributes {stable_mosaic.version = 14 : i64} {
  func.func @_tc1_body(%arg0: i32, %arg1: memref<1024x128xf32, #tpu.memory_space<vmem>>, %arg2: memref<128x128xf32, #tpu.memory_space<vmem>>, %arg3: memref<2x1024x1xf32, #tpu.memory_space<vmem>>, %arg4: memref<1024x128xf32, #tpu.memory_space<vmem>>, %arg5: memref<1024x1xf32, #tpu.memory_space<vmem>>) attributes {dimension_semantics = [#tpu.dimension_semantics<arbitrary>], iteration_bounds = array<i64: 10>, scalar_prefetch = 0 : i64, scratch_operands = 0 : i64, tpu.core_type = #tpu.core_type<tc>, window_params = [{transform_indices = @transform_0, window_bounds = array<i64: 1024, 128>}, {pipeline_mode = #tpu.pipeline_mode<synchronous>, transform_indices = @transform_1, window_bounds = array<i64: 128, 128>}, {transform_indices = @transform_2, window_bounds = array<i64: 2, 1024, 1>}, {transform_indices = @transform_3, window_bounds = array<i64: 1024, 128>}, {transform_indices = @transform_4, window_bounds = array<i64: 1024, 1>}]} {
    %get3A = arith.constant 0 : index
    %get3A_0 = arith.constant 0 : index
    %get3A_1 = arith.constant 0 : index
    %get3A_2 = vector.load %arg3[%get3A, %get3A_0, %get3A_1] : memref<2x1024x1xf32, #tpu.memory_space<vmem>>, vector<1x1024x1xf32>
    %get3A_3 = vector.shape_cast %get3A_2 : vector<1x1024x1xf32> to vector<1024x1xf32>
    %get3A_4 = arith.constant 1 : index
    %get3A_5 = arith.constant 0 : index
    %get3A_6 = arith.constant 0 : index
    %get3A_7 = vector.load %arg3[%get3A_4, %get3A_5, %get3A_6] : memref<2x1024x1xf32, #tpu.memory_space<vmem>>, vector<1x1024x1xf32>
    %get3A_8 = vector.shape_cast %get3A_7 : vector<1x1024x1xf32> to vector<1024x1xf32>
    %add3A = arith.addf %get3A_3, %get3A_8 : vector<1024x1xf32>
    %add3A_9 = arith.constant 1.000000e+00 : f32
    %add3A_10 = vector.broadcast %add3A_9 : f32 to vector<1024x1xf32>
    %add3A_11 = arith.addf %add3A, %add3A_10 : vector<1024x1xf32>
    %rsqrt3A = math.rsqrt %add3A_11 : vector<1024x1xf32>
    %get3A_12 = arith.constant 0 : index
    %get3A_13 = arith.constant 0 : index
    %get3A_14 = vector.load %arg1[%get3A_12, %get3A_13] : memref<1024x128xf32, #tpu.memory_space<vmem>>, vector<1024x128xf32>
    %get3A_15 = arith.constant 0 : index
    %get3A_16 = arith.constant 0 : index
    %get3A_17 = vector.load %arg2[%get3A_15, %get3A_16] : memref<128x128xf32, #tpu.memory_space<vmem>>, vector<128x128xf32>
    %dot_general3A = arith.constant dense<0.000000e+00> : vector<1024x128xf32>
    %dot_general3A_18 = tpu.matmul %get3A_14, %get3A_17, %dot_general3A {dimension_numbers = #tpu.dot_dimension_numbers<[1], [0], [0], [1], [0, 0, 1, 1], [], []>, transpose_lhs_hint = false} : vector<1024x128xf32>, vector<128x128xf32>, vector<1024x128xf32> -> vector<1024x128xf32>
    %mul3A = vector.broadcast %rsqrt3A : vector<1024x1xf32> to vector<1024x128xf32>
    %mul3A_19 = arith.mulf %dot_general3A_18, %mul3A : vector<1024x128xf32>
    %swap3A = arith.constant 0 : index
    %swap3A_20 = arith.constant 0 : index
    %swap3A_21 = vector.load %arg4[%swap3A, %swap3A_20] : memref<1024x128xf32, #tpu.memory_space<vmem>>, vector<1024x128xf32>
    tpu.vector_store %arg4[%swap3A, %swap3A_20], %mul3A_19 {strides = array<i32>} : memref<1024x128xf32, #tpu.memory_space<vmem>>, vector<1024x128xf32>,
    %swap3A_22 = arith.constant 0 : index
    %swap3A_23 = arith.constant 0 : index
    %swap3A_24 = vector.load %arg5[%swap3A_22, %swap3A_23] : memref<1024x1xf32, #tpu.memory_space<vmem>>, vector<1024x1xf32>
    tpu.vector_store %arg5[%swap3A_22, %swap3A_23], %rsqrt3A {strides = array<i32>} : memref<1024x1xf32, #tpu.memory_space<vmem>>, vector<1024x1xf32>,
    return
  }
  func.func @transform_0(%arg0: i32) -> (i32, i32) {
    %c0_i32 = arith.constant 0 : i32
    %c0_i32_0 = arith.constant 0 : i32
    return %arg0, %c0_i32 : i32, i32
  }
  func.func @transform_1(%arg0: i32) -> (i32, i32) {
    %c0_i32 = arith.constant 0 : i32
    %c0_i32_0 = arith.constant 0 : i32
    %c0_i32_1 = arith.constant 0 : i32
    return %c0_i32, %c0_i32_0 : i32, i32
  }
  func.func @transform_2(%arg0: i32) -> (i32, i32, i32) {
    %c0_i32 = arith.constant 0 : i32
    %c0_i32_0 = arith.constant 0 : i32
    %c0_i32_1 = arith.constant 0 : i32
    return %c0_i32, %arg0, %c0_i32_0 : i32, i32, i32
  }
  func.func @transform_3(%arg0: i32) -> (i32, i32) {
    %c0_i32 = arith.constant 0 : i32
    %c0_i32_0 = arith.constant 0 : i32
    return %arg0, %c0_i32 : i32, i32
  }
  func.func @transform_4(%arg0: i32) -> (i32, i32) {
    %c0_i32 = arith.constant 0 : i32
    %c0_i32_0 = arith.constant 0 : i32
    return %arg0, %c0_i32 : i32, i32
  }
}

module attributes {stable_mosaic.version = 14 : i64} {
  func.func @_tc2_body(%arg0: i32, %arg1: memref<2x1024x128xf32, #tpu.memory_space<vmem>>, %arg2: memref<1024x128xf32, #tpu.memory_space<vmem>>, %arg3: memref<1024x1xf32, #tpu.memory_space<vmem>>, %arg4: memref<1x128xf32, #tpu.memory_space<vmem>>, %arg5: memref<128x128xf32, #tpu.memory_space<vmem>>, %arg6: memref<1024x128xf32, #tpu.memory_space<vmem>>) attributes {dimension_semantics = [#tpu.dimension_semantics<arbitrary>], iteration_bounds = array<i64: 10>, scalar_prefetch = 0 : i64, scratch_operands = 0 : i64, tpu.core_type = #tpu.core_type<tc>, window_params = [{transform_indices = @transform_0, window_bounds = array<i64: 2, 1024, 128>}, {transform_indices = @transform_1, window_bounds = array<i64: 1024, 128>}, {transform_indices = @transform_2, window_bounds = array<i64: 1024, 1>}, {pipeline_mode = #tpu.pipeline_mode<synchronous>, transform_indices = @transform_3, window_bounds = array<i64: 1, 128>}, {pipeline_mode = #tpu.pipeline_mode<synchronous>, transform_indices = @transform_4, window_bounds = array<i64: 128, 128>}, {transform_indices = @transform_5, window_bounds = array<i64: 1024, 128>}]} {
    %get3A = arith.constant 0 : index
    %get3A_0 = arith.constant 0 : index
    %get3A_1 = arith.constant 0 : index
    %get3A_2 = vector.load %arg1[%get3A, %get3A_0, %get3A_1] : memref<2x1024x128xf32, #tpu.memory_space<vmem>>, vector<1x1024x128xf32>
    %get3A_3 = vector.shape_cast %get3A_2 : vector<1x1024x128xf32> to vector<1024x128xf32>
    %get3A_4 = arith.constant 1 : index
    %get3A_5 = arith.constant 0 : index
    %get3A_6 = arith.constant 0 : index
    %get3A_7 = vector.load %arg1[%get3A_4, %get3A_5, %get3A_6] : memref<2x1024x128xf32, #tpu.memory_space<vmem>>, vector<1x1024x128xf32>
    %get3A_8 = vector.shape_cast %get3A_7 : vector<1x1024x128xf32> to vector<1024x128xf32>
    %add3A = arith.addf %get3A_3, %get3A_8 : vector<1024x128xf32>
    %get3A_9 = arith.constant 0 : index
    %get3A_10 = arith.constant 0 : index
    %get3A_11 = vector.load %arg2[%get3A_9, %get3A_10] : memref<1024x128xf32, #tpu.memory_space<vmem>>, vector<1024x128xf32>
    %add3A_12 = arith.addf %add3A, %get3A_11 : vector<1024x128xf32>
    %get3A_13 = arith.constant 0 : index
    %get3A_14 = arith.constant 0 : index
    %get3A_15 = vector.load %arg3[%get3A_13, %get3A_14] : memref<1024x1xf32, #tpu.memory_space<vmem>>, vector<1024x1xf32>
    %mul3A = vector.broadcast %get3A_15 : vector<1024x1xf32> to vector<1024x128xf32>
    %mul3A_16 = arith.mulf %add3A_12, %mul3A : vector<1024x128xf32>
    %get3A_17 = arith.constant 0 : index
    %get3A_18 = arith.constant 0 : index
    %get3A_19 = vector.load %arg4[%get3A_17, %get3A_18] : memref<1x128xf32, #tpu.memory_space<vmem>>, vector<1x128xf32>
    %add3A_20 = vector.broadcast %get3A_19 : vector<1x128xf32> to vector<1024x128xf32>
    %add3A_21 = arith.addf %mul3A_16, %add3A_20 : vector<1024x128xf32>
    %max3A = arith.constant 0.000000e+00 : f32
    %max3A_22 = vector.broadcast %max3A : f32 to vector<1024x128xf32>
    %max3A_23 = arith.maximumf %add3A_21, %max3A_22 : vector<1024x128xf32>
    %get3A_24 = arith.constant 0 : index
    %get3A_25 = arith.constant 0 : index
    %get3A_26 = vector.load %arg5[%get3A_24, %get3A_25] : memref<128x128xf32, #tpu.memory_space<vmem>>, vector<128x128xf32>
    %dot_general3A = arith.constant dense<0.000000e+00> : vector<1024x128xf32>
    %dot_general3A_27 = tpu.matmul %max3A_23, %get3A_26, %dot_general3A {dimension_numbers = #tpu.dot_dimension_numbers<[1], [0], [0], [1], [0, 0, 1, 1], [], []>, transpose_lhs_hint = false} : vector<1024x128xf32>, vector<128x128xf32>, vector<1024x128xf32> -> vector<1024x128xf32>
    %get3A_28 = arith.constant 0 : index
    %get3A_29 = arith.constant 0 : index
    %get3A_30 = vector.load %arg3[%get3A_28, %get3A_29] : memref<1024x1xf32, #tpu.memory_space<vmem>>, vector<1024x1xf32>
    %mul3A_31 = vector.broadcast %get3A_30 : vector<1024x1xf32> to vector<1024x128xf32>
    %mul3A_32 = arith.mulf %dot_general3A_27, %mul3A_31 : vector<1024x128xf32>
    %swap3A = arith.constant 0 : index
    %swap3A_33 = arith.constant 0 : index
    %swap3A_34 = vector.load %arg6[%swap3A, %swap3A_33] : memref<1024x128xf32, #tpu.memory_space<vmem>>, vector<1024x128xf32>
    tpu.vector_store %arg6[%swap3A, %swap3A_33], %mul3A_32 {strides = array<i32>} : memref<1024x128xf32, #tpu.memory_space<vmem>>, vector<1024x128xf32>,
    return
  }
  func.func @transform_0(%arg0: i32) -> (i32, i32, i32) {
    %c0_i32 = arith.constant 0 : i32
    %c0_i32_0 = arith.constant 0 : i32
    %c0_i32_1 = arith.constant 0 : i32
    return %c0_i32, %arg0, %c0_i32_0 : i32, i32, i32
  }
  func.func @transform_1(%arg0: i32) -> (i32, i32) {
    %c0_i32 = arith.constant 0 : i32
    %c0_i32_0 = arith.constant 0 : i32
    return %arg0, %c0_i32 : i32, i32
  }
  func.func @transform_2(%arg0: i32) -> (i32, i32) {
    %c0_i32 = arith.constant 0 : i32
    %c0_i32_0 = arith.constant 0 : i32
    return %arg0, %c0_i32 : i32, i32
  }
  func.func @transform_3(%arg0: i32) -> (i32, i32) {
    %c0_i32 = arith.constant 0 : i32
    %c0_i32_0 = arith.constant 0 : i32
    %c0_i32_1 = arith.constant 0 : i32
    return %c0_i32, %c0_i32_0 : i32, i32
  }
  func.func @transform_4(%arg0: i32) -> (i32, i32) {
    %c0_i32 = arith.constant 0 : i32
    %c0_i32_0 = arith.constant 0 : i32
    %c0_i32_1 = arith.constant 0 : i32
    return %c0_i32, %c0_i32_0 : i32, i32
  }
  func.func @transform_5(%arg0: i32) -> (i32, i32) {
    %c0_i32 = arith.constant 0 : i32
    %c0_i32_0 = arith.constant 0 : i32
    return %arg0, %c0_i32 : i32, i32
  }
}

module attributes {stable_mosaic.version = 14 : i64} {
  func.func @_tc3_body(%arg0: i32, %arg1: memref<2x1024x128xf32, #tpu.memory_space<vmem>>, %arg2: memref<1024x128xf32, #tpu.memory_space<vmem>>, %arg3: memref<1024x1xf32, #tpu.memory_space<vmem>>, %arg4: memref<1x128xf32, #tpu.memory_space<vmem>>, %arg5: memref<1024x128xf32, #tpu.memory_space<vmem>>) attributes {dimension_semantics = [#tpu.dimension_semantics<arbitrary>], iteration_bounds = array<i64: 10>, scalar_prefetch = 0 : i64, scratch_operands = 0 : i64, tpu.core_type = #tpu.core_type<tc>, window_params = [{transform_indices = @transform_0, window_bounds = array<i64: 2, 1024, 128>}, {transform_indices = @transform_1, window_bounds = array<i64: 1024, 128>}, {transform_indices = @transform_2, window_bounds = array<i64: 1024, 1>}, {pipeline_mode = #tpu.pipeline_mode<synchronous>, transform_indices = @transform_3, window_bounds = array<i64: 1, 128>}, {transform_indices = @transform_4, window_bounds = array<i64: 1024, 128>}]} {
    %get3A = arith.constant 0 : index
    %get3A_0 = arith.constant 0 : index
    %get3A_1 = arith.constant 0 : index
    %get3A_2 = vector.load %arg1[%get3A, %get3A_0, %get3A_1] : memref<2x1024x128xf32, #tpu.memory_space<vmem>>, vector<1x1024x128xf32>
    %get3A_3 = vector.shape_cast %get3A_2 : vector<1x1024x128xf32> to vector<1024x128xf32>
    %get3A_4 = arith.constant 1 : index
    %get3A_5 = arith.constant 0 : index
    %get3A_6 = arith.constant 0 : index
    %get3A_7 = vector.load %arg1[%get3A_4, %get3A_5, %get3A_6] : memref<2x1024x128xf32, #tpu.memory_space<vmem>>, vector<1x1024x128xf32>
    %get3A_8 = vector.shape_cast %get3A_7 : vector<1x1024x128xf32> to vector<1024x128xf32>
    %add3A = arith.addf %get3A_3, %get3A_8 : vector<1024x128xf32>
    %get3A_9 = arith.constant 0 : index
    %get3A_10 = arith.constant 0 : index
    %get3A_11 = vector.load %arg2[%get3A_9, %get3A_10] : memref<1024x128xf32, #tpu.memory_space<vmem>>, vector<1024x128xf32>
    %add3A_12 = arith.addf %add3A, %get3A_11 : vector<1024x128xf32>
    %get3A_13 = arith.constant 0 : index
    %get3A_14 = arith.constant 0 : index
    %get3A_15 = vector.load %arg3[%get3A_13, %get3A_14] : memref<1024x1xf32, #tpu.memory_space<vmem>>, vector<1024x1xf32>
    %mul3A = vector.broadcast %get3A_15 : vector<1024x1xf32> to vector<1024x128xf32>
    %mul3A_16 = arith.mulf %add3A_12, %mul3A : vector<1024x128xf32>
    %get3A_17 = arith.constant 0 : index
    %get3A_18 = arith.constant 0 : index
    %get3A_19 = vector.load %arg4[%get3A_17, %get3A_18] : memref<1x128xf32, #tpu.memory_space<vmem>>, vector<1x128xf32>
    %add3A_20 = vector.broadcast %get3A_19 : vector<1x128xf32> to vector<1024x128xf32>
    %add3A_21 = arith.addf %mul3A_16, %add3A_20 : vector<1024x128xf32>
    %max3A = arith.constant 0.000000e+00 : f32
    %max3A_22 = vector.broadcast %max3A : f32 to vector<1024x128xf32>
    %max3A_23 = arith.maximumf %add3A_21, %max3A_22 : vector<1024x128xf32>
    %swap3A = arith.constant 0 : index
    %swap3A_24 = arith.constant 0 : index
    %swap3A_25 = vector.load %arg5[%swap3A, %swap3A_24] : memref<1024x128xf32, #tpu.memory_space<vmem>>, vector<1024x128xf32>
    tpu.vector_store %arg5[%swap3A, %swap3A_24], %max3A_23 {strides = array<i32>} : memref<1024x128xf32, #tpu.memory_space<vmem>>, vector<1024x128xf32>,
    return
  }
  func.func @transform_0(%arg0: i32) -> (i32, i32, i32) {
    %c0_i32 = arith.constant 0 : i32
    %c0_i32_0 = arith.constant 0 : i32
    %c0_i32_1 = arith.constant 0 : i32
    return %c0_i32, %arg0, %c0_i32_0 : i32, i32, i32
  }
  func.func @transform_1(%arg0: i32) -> (i32, i32) {
    %c0_i32 = arith.constant 0 : i32
    %c0_i32_0 = arith.constant 0 : i32
    return %arg0, %c0_i32 : i32, i32
  }
  func.func @transform_2(%arg0: i32) -> (i32, i32) {
    %c0_i32 = arith.constant 0 : i32
    %c0_i32_0 = arith.constant 0 : i32
    return %arg0, %c0_i32 : i32, i32
  }
  func.func @transform_3(%arg0: i32) -> (i32, i32) {
    %c0_i32 = arith.constant 0 : i32
    %c0_i32_0 = arith.constant 0 : i32
    %c0_i32_1 = arith.constant 0 : i32
    return %c0_i32, %c0_i32_0 : i32, i32
  }
  func.func @transform_4(%arg0: i32) -> (i32, i32) {
    %c0_i32 = arith.constant 0 : i32
    %c0_i32_0 = arith.constant 0 : i32
    return %arg0, %c0_i32 : i32, i32
  }
}

module attributes {stable_mosaic.version = 14 : i64} {
  func.func @_tc4_body(%arg0: memref<2x512x128xf32, #tpu.memory_space<vmem>>, %arg1: memref<2x512x1xf32, #tpu.memory_space<vmem>>, %arg2: memref<256x256xf32, #tpu.memory_space<vmem>>, %arg3: memref<512x256xf32, #tpu.memory_space<vmem>>, %arg4: memref<512x256xf32, #tpu.memory_space<vmem>>) attributes {dimension_semantics = [], scalar_prefetch = 0 : i64, scratch_operands = 0 : i64, tpu.core_type = #tpu.core_type<tc>} {
    %get3A = arith.constant 0 : index
    %get3A_0 = arith.constant 0 : index
    %get3A_1 = arith.constant 0 : index
    %get3A_2 = vector.load %arg1[%get3A, %get3A_0, %get3A_1] : memref<2x512x1xf32, #tpu.memory_space<vmem>>, vector<1x512x1xf32>
    %get3A_3 = vector.shape_cast %get3A_2 : vector<1x512x1xf32> to vector<512x1xf32>
    %get3A_4 = arith.constant 1 : index
    %get3A_5 = arith.constant 0 : index
    %get3A_6 = arith.constant 0 : index
    %get3A_7 = vector.load %arg1[%get3A_4, %get3A_5, %get3A_6] : memref<2x512x1xf32, #tpu.memory_space<vmem>>, vector<1x512x1xf32>
    %get3A_8 = vector.shape_cast %get3A_7 : vector<1x512x1xf32> to vector<512x1xf32>
    %add3A = arith.addf %get3A_3, %get3A_8 : vector<512x1xf32>
    %get3A_9 = arith.constant 0 : index
    %get3A_10 = arith.constant 0 : index
    %get3A_11 = arith.constant 0 : index
    %get3A_12 = vector.load %arg0[%get3A_9, %get3A_10, %get3A_11] : memref<2x512x128xf32, #tpu.memory_space<vmem>>, vector<1x512x128xf32>
    %get3A_13 = vector.shape_cast %get3A_12 : vector<1x512x128xf32> to vector<512x128xf32>
    %get3A_14 = arith.constant 1 : index
    %get3A_15 = arith.constant 0 : index
    %get3A_16 = arith.constant 0 : index
    %get3A_17 = vector.load %arg0[%get3A_14, %get3A_15, %get3A_16] : memref<2x512x128xf32, #tpu.memory_space<vmem>>, vector<1x512x128xf32>
    %get3A_18 = vector.shape_cast %get3A_17 : vector<1x512x128xf32> to vector<512x128xf32>
    %add3A_19 = arith.addf %get3A_13, %get3A_18 : vector<512x128xf32>
    %max3A = arith.constant 1.000000e+00 : f32
    %max3A_20 = vector.broadcast %max3A : f32 to vector<512x1xf32>
    %max3A_21 = arith.maximumf %add3A, %max3A_20 : vector<512x1xf32>
    %div3A = vector.broadcast %max3A_21 : vector<512x1xf32> to vector<512x128xf32>
    %div3A_22 = arith.divf %add3A_19, %div3A : vector<512x128xf32>
    %get3A_23 = arith.constant 0 : index
    %get3A_24 = arith.constant 0 : index
    %get3A_25 = vector.load %arg2[%get3A_23, %get3A_24] : memref<256x256xf32, #tpu.memory_space<vmem>>, vector<128x256xf32>
    %dot_general3A = arith.constant dense<0.000000e+00> : vector<512x256xf32>
    %dot_general3A_26 = tpu.matmul %div3A_22, %get3A_25, %dot_general3A {dimension_numbers = #tpu.dot_dimension_numbers<[1], [0], [0], [1], [0, 0, 1, 1], [], []>, transpose_lhs_hint = false} : vector<512x128xf32>, vector<128x256xf32>, vector<512x256xf32> -> vector<512x256xf32>
    %swap3A = arith.constant 0 : index
    %swap3A_27 = arith.constant 0 : index
    %swap3A_28 = vector.load %arg3[%swap3A, %swap3A_27] : memref<512x256xf32, #tpu.memory_space<vmem>>, vector<512x256xf32>
    tpu.vector_store %arg3[%swap3A, %swap3A_27], %dot_general3A_26 {strides = array<i32>} : memref<512x256xf32, #tpu.memory_space<vmem>>, vector<512x256xf32>,
    %get3A_29 = arith.constant 128 : index
    %get3A_30 = arith.constant 0 : index
    %get3A_31 = vector.load %arg2[%get3A_29, %get3A_30] : memref<256x256xf32, #tpu.memory_space<vmem>>, vector<128x256xf32>
    %dot_general3A_32 = arith.constant dense<0.000000e+00> : vector<512x256xf32>
    %dot_general3A_33 = tpu.matmul %div3A_22, %get3A_31, %dot_general3A_32 {dimension_numbers = #tpu.dot_dimension_numbers<[1], [0], [0], [1], [0, 0, 1, 1], [], []>, transpose_lhs_hint = false} : vector<512x128xf32>, vector<128x256xf32>, vector<512x256xf32> -> vector<512x256xf32>
    %swap3A_34 = arith.constant 0 : index
    %swap3A_35 = arith.constant 0 : index
    %swap3A_36 = vector.load %arg4[%swap3A_34, %swap3A_35] : memref<512x256xf32, #tpu.memory_space<vmem>>, vector<512x256xf32>
    tpu.vector_store %arg4[%swap3A_34, %swap3A_35], %dot_general3A_33 {strides = array<i32>} : memref<512x256xf32, #tpu.memory_space<vmem>>, vector<512x256xf32>,
    return
  }
}

module attributes {stable_mosaic.version = 14 : i64} {
  func.func @_tc5_body(%arg0: i32, %arg1: memref<512x256xf32, #tpu.memory_space<vmem>>, %arg2: memref<512x256xf32, #tpu.memory_space<vmem>>, %arg3: memref<1x256xf32, #tpu.memory_space<vmem>>, %arg4: memref<256x1xf32, #tpu.memory_space<vmem>>, %arg5: memref<1x1xf32, #tpu.memory_space<vmem>>, %arg6: memref<512x1xf32, #tpu.memory_space<vmem>>) attributes {dimension_semantics = [#tpu.dimension_semantics<arbitrary>], iteration_bounds = array<i64: 8>, scalar_prefetch = 0 : i64, scratch_operands = 0 : i64, tpu.core_type = #tpu.core_type<tc>, window_params = [{transform_indices = @transform_0, window_bounds = array<i64: 512, 256>}, {transform_indices = @transform_1, window_bounds = array<i64: 512, 256>}, {pipeline_mode = #tpu.pipeline_mode<synchronous>, transform_indices = @transform_2, window_bounds = array<i64: 1, 256>}, {pipeline_mode = #tpu.pipeline_mode<synchronous>, transform_indices = @transform_3, window_bounds = array<i64: 256, 1>}, {pipeline_mode = #tpu.pipeline_mode<synchronous>, transform_indices = @transform_4, window_bounds = array<i64: 1, 1>}, {transform_indices = @transform_5, window_bounds = array<i64: 512, 1>}]} {
    %get3A = arith.constant 0 : index
    %get3A_0 = arith.constant 0 : index
    %get3A_1 = vector.load %arg1[%get3A, %get3A_0] : memref<512x256xf32, #tpu.memory_space<vmem>>, vector<512x256xf32>
    %get3A_2 = arith.constant 0 : index
    %get3A_3 = arith.constant 0 : index
    %get3A_4 = vector.load %arg2[%get3A_2, %get3A_3] : memref<512x256xf32, #tpu.memory_space<vmem>>, vector<512x256xf32>
    %add3A = arith.addf %get3A_1, %get3A_4 : vector<512x256xf32>
    %get3A_5 = arith.constant 0 : index
    %get3A_6 = arith.constant 0 : index
    %get3A_7 = vector.load %arg3[%get3A_5, %get3A_6] : memref<1x256xf32, #tpu.memory_space<vmem>>, vector<1x256xf32>
    %add3A_8 = vector.broadcast %get3A_7 : vector<1x256xf32> to vector<512x256xf32>
    %add3A_9 = arith.addf %add3A, %add3A_8 : vector<512x256xf32>
    %max3A = arith.constant 0.000000e+00 : f32
    %max3A_10 = vector.broadcast %max3A : f32 to vector<512x256xf32>
    %max3A_11 = arith.maximumf %add3A_9, %max3A_10 : vector<512x256xf32>
    %get3A_12 = arith.constant 0 : index
    %get3A_13 = arith.constant 0 : index
    %get3A_14 = vector.load %arg4[%get3A_12, %get3A_13] : memref<256x1xf32, #tpu.memory_space<vmem>>, vector<256x1xf32>
    %dot_general3A = arith.constant dense<0.000000e+00> : vector<512x1xf32>
    %dot_general3A_15 = tpu.matmul %max3A_11, %get3A_14, %dot_general3A {dimension_numbers = #tpu.dot_dimension_numbers<[1], [0], [0], [1], [0, 0, 1, 1], [], []>, transpose_lhs_hint = false} : vector<512x256xf32>, vector<256x1xf32>, vector<512x1xf32> -> vector<512x1xf32>
    %get3A_16 = arith.constant 0 : index
    %get3A_17 = arith.constant 0 : index
    %get3A_18 = vector.load %arg5[%get3A_16, %get3A_17] : memref<1x1xf32, #tpu.memory_space<vmem>>, vector<1x1xf32>
    %add3A_19 = vector.broadcast %get3A_18 : vector<1x1xf32> to vector<512x1xf32>
    %add3A_20 = arith.addf %dot_general3A_15, %add3A_19 : vector<512x1xf32>
    %swap3A = arith.constant 0 : index
    %swap3A_21 = arith.constant 0 : index
    %swap3A_22 = vector.load %arg6[%swap3A, %swap3A_21] : memref<512x1xf32, #tpu.memory_space<vmem>>, vector<512x1xf32>
    tpu.vector_store %arg6[%swap3A, %swap3A_21], %add3A_20 {strides = array<i32>} : memref<512x1xf32, #tpu.memory_space<vmem>>, vector<512x1xf32>,
    return
  }
  func.func @transform_0(%arg0: i32) -> (i32, i32) {
    %c0_i32 = arith.constant 0 : i32
    %c0_i32_0 = arith.constant 0 : i32
    return %arg0, %c0_i32 : i32, i32
  }
  func.func @transform_1(%arg0: i32) -> (i32, i32) {
    %add3A = arith.constant 8 : i32
    %add3A_0 = arith.addi %arg0, %add3A : i32
    %c0_i32 = arith.constant 0 : i32
    %c0_i32_1 = arith.constant 0 : i32
    return %add3A_0, %c0_i32 : i32, i32
  }
  func.func @transform_2(%arg0: i32) -> (i32, i32) {
    %c0_i32 = arith.constant 0 : i32
    %c0_i32_0 = arith.constant 0 : i32
    %c0_i32_1 = arith.constant 0 : i32
    return %c0_i32, %c0_i32_0 : i32, i32
  }
  func.func @transform_3(%arg0: i32) -> (i32, i32) {
    %c0_i32 = arith.constant 0 : i32
    %c0_i32_0 = arith.constant 0 : i32
    %c0_i32_1 = arith.constant 0 : i32
    return %c0_i32, %c0_i32_0 : i32, i32
  }
  func.func @transform_4(%arg0: i32) -> (i32, i32) {
    %c0_i32 = arith.constant 0 : i32
    %c0_i32_0 = arith.constant 0 : i32
    %c0_i32_1 = arith.constant 0 : i32
    return %c0_i32, %c0_i32_0 : i32, i32
  }
  func.func @transform_5(%arg0: i32) -> (i32, i32) {
    %c0_i32 = arith.constant 0 : i32
    %c0_i32_0 = arith.constant 0 : i32
    return %arg0, %c0_i32 : i32, i32
  }
}

</mosaic_0001>

<sc_bundles>
// kernel: kernel.12.cloned.1.call-start
scs
__scs_entry_jumppad:
0x0: {  	(pc) =	sbr.rel $0x88, $3  }
0x1: {  	(tag) =	ssettag $0x0;
	lr =	simm.s32 $0x1  }
0x2: {  	[smem:$0x3F95] =	sst lr;
	_ =	strace $0xD0000000  }
0x3: {  	_ = 	snop  }
0x4: {  	_ = 	snop  }
0x5: {  	_ = 	snop  }
0x6: {  	_ = 	snop  }
0x7: {  	_ = 	snop  }
__scs_overlays_trampoline_lowered:
0x8: {  	[smem:$0x3FA4] =	sst s0  }
0x9: {  	[smem:$0x3FA5] =	sst s1  }
0xa: {  	[smem:$0x3FA6] =	sst s2  }
0xb: {  	[smem:$0x3FA7] =	sst s3  }
0xc: {  	[smem:$0x3FA8] =	sst s4  }
0xd: {  	[smem:$0x3FA9] =	sst s5  }
0xe: {  	[smem:$0x3FAA] =	sst s6  }
0xf: {  	[smem:$0x3FAB] =	sst s7  }
0x10: {  	[smem:$0x3FAC] =	sst s8  }
0x11: {  	[smem:$0x3FAD] =	sst s9;
	s0 =	simm.s32 @!p0 $0x0  }
0x12: {  	s1 =	sld [smem:$0x3F93];
	s0 =	simm.s32 @p0 $0x1  }
0x13: {  	[smem:$0x3FAE] =	sst s0;
	s0 =	simm.s32 @!p1 $0x0  }
0x14: {  	s2 =	sld [smem:$0x3F92];
	s0 =	simm.s32 @p1 $0x1  }
0x15: {  	[smem:$0x3FAF] =	sst s0;
	s0 =	simm.s32 @!p2 $0x0  }
0x16: {  	s3 =	sld [smem:$0x3FDB];
	s0 =	simm.s32 @p2 $0x1  }
0x17: {  	s4 =	simm.s32 $0x1BF5;
	[smem:$0x3FB1] =	sst s0  }
0x18: {  	s0 =	sld [smem:$0x3F94];
	_ =	swait.ge [sflag:s4], $0x0  }
0x19: {  	s7 =	sld [smem:$0x3F95]  }
0x1a: {  	s8 =	sadd.s32 $0xFFFFE003, lr  }
0x1b: {  	s9 =	sadd.s32 $0xFFFFFEF7, lr;
	s5 =	simm.s32 $0xFFFFFFFF;
	p2 =	slt.u32 s8, $0xFFFFF086  }
0x1c: {  	p1 =	slt.u32 s9, $0xF7A;
	s5 =	simm.s32 @!p2 $0x0  }
0x1d: {  	s5 =	simm.s32 @p1 $0x1;
	p0 =	seq.s32 s7, s2  }
0x1e: {  	s7 =	smul.u32 @!p0 $0xF7A, s2;
	p2 =	seq.s32 @!p0 s5, $0x0  }
0x1f: {  	s9 =	smul.u32 $0xF7A, s1;
	s8 =	simm.s32 @!p0 $0x1BF5;
	p2 =	por !p2, p0  }
0x20: {  	[sflag:s8] =	ssyncset.s32 @!p0 $0xFFFFF086;
	s6 =	sadd.s32 @!p0 s3, s7;
	s7 =	simm.s32 @!p0 $0x108  }
0x21: {  	s3 =	sadd.s32 s3, s9;
	s6 =	sadd.s32 @!p0 $0x88, s6;
	s7 =	simm.s32 @p2 $0x1082  }
0x22: {  	[simem:s7], [sflag:s8] =	dma.local @!p0 [hbm:s6], $0xF7A  }
0x23: {  	s9 =	sor.u32 $0xD0000000, s2;
	s6 =	simm.s32 $0x108;
	_ =	swait.ge @!p0 [sflag:s8], $0x0  }
0x24: {  	s3 =	sadd.s32 $0x88, s3;
	s6 =	simm.s32 @!p1 $0x1082;
	[sflag:s4] =	ssyncset.s32 $0xFFFFF086  }
0x25: {  	[simem:s6], [sflag:s4] =	dma.local [hbm:s3], $0xF7A  }
0x26: {  	[smem:$0x3F95] =	sst s1;
	(tag) =	ssettag s2;
	_ =	strace s9  }
0x27: {  	s1 =	sld [smem:$0x3FA5]  }
0x28: {  	s2 =	sld [smem:$0x3FA6]  }
0x29: {  	s4 =	sld [smem:$0x3FA8]  }
0x2a: {  	p0 =	seq.s32 s5, $0x0;
	s5 =	sld [smem:$0x3FA9]  }
0x2b: {  	s6 =	sld [smem:$0x3FAA]  }
0x2c: {  	s7 =	sld [smem:$0x3FAB]  }
0x2d: {  	s3 =	simm.s32 $0x108;
	s8 =	sld [smem:$0x3FAC]  }
0x2e: {  	s3 =	simm.s32 @!p0 $0x1082;
	s9 =	sld [smem:$0x3FAD]  }
0x2f: {  	lr =	sadd.s32 s0, s3;
	s0 =	sld [smem:$0x3FA4]  }
0x30: {  	s3 =	sld [smem:$0x3FA7]  }
0x31: {  	[smem:$0x3FB0] =	sst s10  }
0x32: {  	s10 =	sld [smem:$0x3FAE];
	_ =	sdelay $0x3  }
0x33: {  	p0 =	seq.s32 s10, $0x1;
	s10 =	sld [smem:$0x3FB0];
	_ =	sdelay $0x3  }
0x34: {  	[smem:$0x3FB0] =	sst s10  }
0x35: {  	s10 =	sld [smem:$0x3FAF];
	_ =	sdelay $0x3  }
0x36: {  	p1 =	seq.s32 s10, $0x1;
	s10 =	sld [smem:$0x3FB0];
	_ =	sdelay $0x3  }
0x37: {  	[smem:$0x3FB0] =	sst s10  }
0x38: {  	s10 =	sld [smem:$0x3FB1]  }
0x39: {  	_ = 	snop;
	(pc) =	sbr.ind lr, $3  }
0x3a: {  	_ = 	snop  }
0x3b: {  	_ = 	snop  }
0x3c: {  	p2 =	seq.s32 s10, $0x1;
	s10 =	sld [smem:$0x3FB0]  }
0x3d: {  	_ =	shalt  }
0x3e: {  	_ =	shalt  }
0x3f: {  	_ =	shalt  }
0x40: {  	_ =	shalt  }
0x41: {  	_ =	shalt  }
0x42: {  	_ =	shalt  }
0x43: {  	_ =	shalt  }
0x44: {  	_ =	shalt  }
0x45: {  	_ =	shalt  }
0x46: {  	_ =	shalt  }
0x47: {  	_ =	shalt  }
0x48: {  	_ =	shalt  }
0x49: {  	_ =	shalt  }
0x4a: {  	_ =	shalt  }
0x4b: {  	_ =	shalt  }
0x4c: {  	_ =	shalt  }
0x4d: {  	_ =	shalt  }
0x4e: {  	_ =	shalt  }
0x4f: {  	_ =	shalt  }
0x50: {  	_ =	shalt  }
0x51: {  	_ =	shalt  }
0x52: {  	_ =	shalt  }
0x53: {  	_ =	shalt  }
0x54: {  	_ =	shalt  }
0x55: {  	_ =	shalt  }
0x56: {  	_ =	shalt  }
0x57: {  	_ =	shalt  }
0x58: {  	_ =	shalt  }
0x59: {  	_ =	shalt  }
0x5a: {  	_ =	shalt  }
0x5b: {  	_ =	shalt  }
0x5c: {  	_ =	shalt  }
0x5d: {  	_ =	shalt  }
0x5e: {  	_ =	shalt  }
0x5f: {  	_ =	shalt  }
0x60: {  	_ =	shalt  }
0x61: {  	_ =	shalt  }
0x62: {  	_ =	shalt  }
0x63: {  	_ =	shalt  }
0x64: {  	_ =	shalt  }
0x65: {  	_ =	shalt  }
0x66: {  	_ =	shalt  }
0x67: {  	_ =	shalt  }
0x68: {  	_ =	shalt  }
0x69: {  	_ =	shalt  }
0x6a: {  	_ =	shalt  }
0x6b: {  	_ =	shalt  }
0x6c: {  	_ =	shalt  }
0x6d: {  	_ =	shalt  }
0x6e: {  	_ =	shalt  }
0x6f: {  	_ =	shalt  }
0x70: {  	_ =	shalt  }
0x71: {  	_ =	shalt  }
0x72: {  	_ =	shalt  }
0x73: {  	_ =	shalt  }
0x74: {  	_ =	shalt  }
0x75: {  	_ =	shalt  }
0x76: {  	_ =	shalt  }
0x77: {  	_ =	shalt  }
0x78: {  	_ =	shalt  }
0x79: {  	_ =	shalt  }
0x7a: {  	_ =	shalt  }
0x7b: {  	_ =	shalt  }
0x7c: {  	_ =	shalt  }
0x7d: {  	_ =	shalt  }
0x7e: {  	_ =	shalt  }
0x7f: {  	_ =	shalt  }
0x80: {  	_ =	shalt  }
0x81: {  	_ =	shalt  }
0x82: {  	_ =	shalt  }
0x83: {  	_ =	shalt  }
0x84: {  	_ =	shalt  }
0x85: {  	_ =	shalt  }
0x86: {  	_ =	shalt  }
0x87: {  	_ =	shalt  }
.Lfunc_end0:
.L_simem_size_0:
called_computation_lowered:
.L_overlay_start_0:
0x88: {  	s2 =	sld [smem:$0x3FD9]  }
0x89: {  	s3 =	sld [smem:$0x3FFE];
	_ =	sdelay $0x1  }
0x8a: {  	s1 =	srdreg.scid  }
0x8b: {  	s0 =	sand.u32 $0x1, s1  }
0x8c: {  	s17 =	sshll.u32 s0, $0xA;
	s2 =	sadd.s32 s3, s2  }
0x8d: {  	s2 =	sadd.s32 s2, s17  }
0x8e: {  	[smem:$0x3FBC] =	sst s2  }
0x8f: {  	_ = 	snop  }
0x90: {  	s2 =	sld [smem:$0x3FD0];
	(tm) =	ssettm $0x1  }
0x91: {  	s18 =	sld [smem:$0x3FFB];
	_ =	sdelay $0x3  }
0x92: {  	_ =	strace s18  }
0x93: {  	s3 =	sld [smem:$0x3FFC];
	_ =	sdelay $0x3  }
0x94: {  	_ =	strace s3  }
0x95: {  	s3 =	sld [smem:$0x3FFD];
	_ =	sdelay $0x3  }
0x96: {  	_ =	strace s3  }
0x97: {  	_ =	strace $0x8FFFFFFF  }
0x98: {  	s19 =	sld [smem:$0x3FDB];
	_ =	sdelay $0x1  }
0x99: {  	s4 =	simm.s32 $_scs_section_size  }
0x9a: {  	s5 =	simm.s32 $_size__tile_overlayer_lowered;
	s6 =	simm.s32 $_tile_overlayer_lowered  }
0x9b: {  	s22 =	simm.s32 $0x1BFF;
	s21 =	sshll.u32 s6, $0x1;
	s3 =	sadd.s32 s4, s19  }
0x9c: {  	s7 =	simm.s32 $0x0;
	s20 =	sshll.u32 s5, $0x1;
	s5 =	sadd.s32 s21, s3  }
0x9d: {  	[timem:s7], [sflag:s22] =	dma.local [hbm:s5], s20  }
0x9e: {  	_ =	swait.ge [sflag:s22], s20  }
0x9f: {  	s4 =	ssub.s32 $0x0, s20;
	[sflag:s22] =	ssyncset.done $0x0  }
0xa0: {  	[sflag:s22] =	ssyncadd.s32 s4;
	_ =	sdelay $0x1  }
0xa1: {  	s23 =	simm.s32 $0x1B8B  }
0xa2: {  	_ =	swait.ge [sflag:s23], $0x1  }
0xa3: {  	[sflag:s23] =	ssyncset.done $0x0  }
0xa4: {  	s25 =	simm.s32 $0x1B8E;
	s24 =	sld [smem:$0x3FFE];
	[sflag:s23] =	ssyncadd.s32 $0xFFFFFFFF  }
0xa5: {  	s26 =	simm.s32 $execute0_lowered;
	[smem:$0x3FD2] =	sst s25  }
0xa6: {  	s5 =	sshll.u32 s26, $0x1;
	_ =	strace $0x80000046;
	[dreg:$0x1] =	wrdreg $0xFFFFFFFF  }
0xa7: {  	s28 =	simm.s32 $_size_execute0_lowered;
	s3 =	sadd.s32 s3, s5;
	[dreg:$0x0] =	wrdreg $0x0  }
0xa8: {  	s5 =	sshll.u32 s28, $0x1;
	[dreg:$0x2] =	wrdreg s3  }
0xa9: {  	[dreg:$0x3] =	wrdreg s5  }
0xaa: {  	[dreg:$0x4] =	wrdreg $0xC0  }
0xab: {  	_ =	task [dreg:s7], $0x5FFFF  }
0xac: {  	[dreg:$0x1] =	wrdreg $0xFFFFFFFF  }
0xad: {  	[dreg:$0x0] =	wrdreg $0x60  }
0xae: {  	[dreg:$0x2] =	wrdreg s24  }
0xaf: {  	[dreg:$0x3] =	wrdreg s2  }
0xb0: {  	[dreg:$0x4] =	wrdreg $0x2F000  }
0xb1: {  	[dreg:$0x5] =	wrdreg $0x31800  }
0xb2: {  	[dreg:$0x6] =	wrdreg $0x9  }
0xb3: {  	_ =	task.clear_ibuf [dreg:s7], $0x7FFFF;
	_ =	strace $0x90000046  }
0xb4: {  	s29 =	simm.s32 $0x9;
	_ =	strace $0x80000048  }
0xb5: {  	_ =	swait.ge [sflag:s29], $0x1  }
0xb6: {  	[sflag:s29] =	ssyncadd.s32 $0xFFFFFFFF  }
0xb7: {  	_ =	strace $0x90000048  }
0xb8: {  	_ =	sfence  }
0xb9: {  	s30 =	sld [smem:$0x0];
	_ =	sdelay $0x2  }
0xba: {  	s31 =	sshll.u32 s1, $0xD;
	s1 =	sshrl.u32 s1, $0x2  }
0xbb: {  	s3 =	sand.u32 $0x4000, s31;
	s1 =	sadd.s32 s1, s30  }
0xbc: {  	s0 =	sor.u32 s3, s0;
	s1 =	sshll.u32 s1, $0x11  }
0xbd: {  	s0 =	sor.u32 s1, s0  }
0xbe: {  	s0 =	sadd.s32 $0x8F2B, s0  }
0xbf: {  	[sflag:s0] =	ssyncadd.remote.s32 $0x1  }
0xc0: {  	_ =	sfence.sel $0xFFFF  }
0xc1: {  	[dreg:$0x0] =	wrdreg $0xFFFFFFFF;
	(pc) =	sbr.abs _section_cstart, $3  }
0xc2: {  	[dreg:$0x1] =	wrdreg $0xFFFFFFFF  }
0xc3: {  	_ =	task.clear_ibuf [dreg:s7], $0x2FFFF;
	_ =	strace $0x9FFFFFFF  }
0xc4: {  	(tm) =	ssettm $0x7FFFFFFF  }
0xc5: {  	_ =	shalt  }
tec
execute0_lowered:
.L_overlay_start_1:
0x0: {  	(tag) =	ssettag $0x1  }
0x1: {  	s5 =	rddreg [dreg:$0x0]  }
0x2: {  	s10 =	rddreg [dreg:$0x1]  }
0x3: {  	s2 =	rddreg [dreg:$0x2]  }
0x4: {  	s0 =	srdreg.scid;
	s3 =	rddreg [dreg:$0x3]  }
0x5: {  	s1 =	stileid.u32;
	s4 =	simm.s32 $0x0;
	s15 =	simm.s32 $0x2C00  }
0x6: {  	s16 =	simm.s32 $0x2800;
	s17 =	simm.s32 $0x40;
	s18 =	simm.s32 $0x2880  }
0x7: {  	s19 =	simm.s32 $0x2900;
	s20 =	simm.s32 $0x2980;
	s21 =	simm.s32 $0x2A00  }
0x8: {  	s22 =	simm.s32 $0x0;
	s6 =	sand.u32 $0x1, s0;
	s0 =	rddreg [dreg:$0x4]  }
0x9: {  	s8 =	smul.u32 $0x280, s1;
	[smem:$0x7FF] =	sst s4;
	s13 =	sshll.u32 s1, $0x5  }
0xa: {  	s7 =	sshll.u32 s6, $0x4;
	s9 =	smul.u32 $0x2800, s6;
	_ =	strace $0x80000047  }
0xb: {  	s28 =	ssub.s32 $0x2, s6;
	s6 =	sshll.u32 s6, $0x9;
	s7 =	sor.u32 s1, s7  }
0xc: {  	s29 =	sshrl.u32 s28, $0x1;
	s30 =	sor.u32 s13, s6;
	s6 =	sadd.s32 s13, s3  }
0xd: {  	s13 =	simm.s32 $0x1;
	s11 =	smul.u32 $0x500, s7;
	s9 =	sadd.s32 s8, s9  }
0xe: {  	s7 =	sshll.u32 s7, $0x7;
	s14 =	ssub.s32 s28, s29;
	s31 =	sshrl.u32 s30, $0x3  }
0xf: {  	s9 =	sshrl.u32 s9, $0x3;
	s12 =	sadd.s32 s7, s5;
	s10 =	sadd.s32 s10, s31  }
0x10: {  	s11 =	sadd.s32 s11, s5;
	s9 =	sadd.s32 s9, s5;
	s5 =	sadd.s32 s8, s2  }
0x11: {  	s8 =	sadd.s32 $0x4A00, s12;
	s12 =	simm.s32 $0x2C80;
	s7 =	sadd.s32 $0x5A00, s11  }
0x12: {  	v0 =	vimm.f32 $1.000000000e+00;
	v1 =	vimm.f32 $0.0e+00;
	s9 =	sadd.s32 $0xFA00, s9;
	s11 =	smax.u32 s14, $0x1;
	s14 =	simm.s32 $0x80  }
.LBB2_1:
0x13: {  	[tilespmem:$0x2C00] =	vst v0  }
0x14: {  	[tilespmem:$0x2C10] =	vst v0  }
0x15: {  	[tilespmem:$0x2C20] =	vst v0  }
0x16: {  	[tilespmem:$0x2C30] =	vst v0  }
0x17: {  	[tilespmem:$0x2C40] =	vst v0  }
0x18: {  	[tilespmem:$0x2C50] =	vst v0  }
0x19: {  	[tilespmem:$0x2C60] =	vst v0  }
0x1a: {  	[tilespmem:$0x2C70] =	vst v0  }
0x1b: {  	[tilespmem:$0x2C80] =	vst v1  }
0x1c: {  	[tilespmem:$0x2C90] =	vst v1  }
0x1d: {  	[tilespmem:$0x2CA0] =	vst v1  }
0x1e: {  	[tilespmem:$0x2CB0] =	vst v1  }
0x1f: {  	[tilespmem:$0x2CC0] =	vst v1  }
0x20: {  	[tilespmem:$0x2CD0] =	vst v1  }
0x21: {  	[tilespmem:$0x2CE0] =	vst v1  }
0x22: {  	[tilespmem:$0x2CF0] =	vst v1  }
0x23: {  	[tilespmem:$0x2D00] =	vst v1  }
0x24: {  	[tilespmem:$0x2D10] =	vst v1  }
0x25: {  	[tilespmem:$0x2D20] =	vst v1  }
0x26: {  	[tilespmem:$0x2D30] =	vst v1  }
0x27: {  	[tilespmem:$0x2D40] =	vst v1  }
0x28: {  	[tilespmem:$0x2D50] =	vst v1  }
0x29: {  	[tilespmem:$0x2D60] =	vst v1  }
0x2a: {  	[tilespmem:$0x2D70] =	vst v1  }
0x2b: {  	[tilespmem:$0x2D80] =	vst v1  }
0x2c: {  	[tilespmem:$0x2D90] =	vst v1  }
0x2d: {  	[tilespmem:$0x2DA0] =	vst v1  }
0x2e: {  	[tilespmem:$0x2DB0] =	vst v1  }
0x2f: {  	[tilespmem:$0x2DC0] =	vst v1  }
0x30: {  	[tilespmem:$0x2DD0] =	vst v1  }
0x31: {  	[tilespmem:$0x2DE0] =	vst v1  }
0x32: {  	[tilespmem:$0x2DF0] =	vst v1  }
0x33: {  	[tilespmem:$0x2E00] =	vst v1  }
0x34: {  	[tilespmem:$0x2E10] =	vst v1  }
0x35: {  	[tilespmem:$0x2E20] =	vst v1  }
0x36: {  	[tilespmem:$0x2E30] =	vst v1  }
0x37: {  	[tilespmem:$0x2E40] =	vst v1  }
0x38: {  	[tilespmem:$0x2E50] =	vst v1  }
0x39: {  	[tilespmem:$0x2E60] =	vst v1  }
0x3a: {  	[tilespmem:$0x2E70] =	vst v1  }
0x3b: {  	[tilespmem:$0x2E80] =	vst v1  }
0x3c: {  	[tilespmem:$0x2E90] =	vst v1  }
0x3d: {  	[tilespmem:$0x2EA0] =	vst v1  }
0x3e: {  	[tilespmem:$0x2EB0] =	vst v1  }
0x3f: {  	[tilespmem:$0x2EC0] =	vst v1  }
0x40: {  	[tilespmem:$0x2ED0] =	vst v1  }
0x41: {  	[tilespmem:$0x2EE0] =	vst v1  }
0x42: {  	[tilespmem:$0x2EF0] =	vst v1  }
0x43: {  	[spmem:s5] =	stream.linear.scatter [tilespmem:s12], [sflag:$0x1], $0x280, $0x38;
	[tilespmem:$0x31A0] =	vst v63  }
0x44: {  	_ =	swait.ge [sflag:s13], $0x280  }
0x45: {  	[sflag:s13] =	ssyncset.done $0x0  }
0x46: {  	[sflag:s13] =	ssyncadd.s32 $0xFFFFFD80  }
0x47: {  	[spmem:s6] =	stream.linear.scatter [tilespmem:s12], [sflag:$0x1], $0x20, $0x38;
	[tilespmem:$0x31A0] =	vst v63  }
0x48: {  	_ =	swait.ge [sflag:s13], $0x20  }
0x49: {  	[sflag:s13] =	ssyncset.done $0x0  }
0x4a: {  	[sflag:s13] =	ssyncadd.s32 $0xFFFFFFE0  }
0x4b: {  	[bflag:$0x0] =	sbarrier.arrive $0xFFFF  }
0x4c: {  	[tilespmem:s4], [sflag:$0x1] =	stream.linear.gather [hbm4b:s7+s4], $0x2800, $0x38;
	[tilespmem:$0x31A0] =	vst v63  }
0x4d: {  	_ =	swait.ge [sflag:s13], $0x2800  }
0x4e: {  	[sflag:s13] =	ssyncset.done $0x0  }
0x4f: {  	s23 =	simm.s32 $0x0;
	[sflag:s13] =	ssyncadd.s32 $0xFFFFD800  }
0x50: {  	[spmem:s2] =	stream.indirect.scatter.add.f32 [tilespmem:s15], [sflag:$0x1], $0x1, s23, s14, $0xb8;
	[tilespmem:$0x31A0] =	vst v63  }
0x51: {  	_ =	swait.ge [sflag:s13], $0x80  }
0x52: {  	s23 =	simm.s32 $0x200;
	[sflag:s13] =	ssyncset.done $0x0  }
.LBB2_2:
0x53: {  	s24 =	sshra.s32 s23, $0x2;
	[sflag:s13] =	ssyncadd.s32 $0xFFFFFF80;
	p0 =	sne.s32 s23, $0x9E00  }
0x54: {  	[spmem:s2] =	stream.indirect.scatter.add.f32 [tilespmem:s15], [sflag:$0x1], $0x1, s24, s14, $0xb8;
	[tilespmem:$0x31A0] =	vst v63  }
.Ltmp0:
0x55: {  	_ = 	snop;
	(pc) =	sbr.rel @p0 .LBB2_2-.Ltmp0, $4  }
0x56: {  	_ = 	snop  }
0x57: {  	s23 =	sadd.s32 $0x200, s23  }
0x58: {  	_ =	swait.ge [sflag:s13], $0x80  }
0x59: {  	[sflag:s13] =	ssyncset.done $0x0  }
0x5a: {  	[sflag:s13] =	ssyncadd.s32 $0xFFFFFF80  }
0x5b: {  	[tilespmem:s16], [sflag:$0x1] =	stream.linear.gather [hbm4b:s8+s4], $0x280, $0x38;
	[tilespmem:$0x31A0] =	vst v63  }
0x5c: {  	_ =	swait.ge [sflag:s13], $0x280  }
0x5d: {  	[sflag:s13] =	ssyncset.done $0x0  }
0x5e: {  	[sflag:s13] =	ssyncadd.s32 $0xFFFFFD80  }
0x5f: {  	[spmem:s3] =	stream.indirect.scatter.add.f32 [tilespmem:s15], [sflag:$0x1], $0x1, s16, s17, $0xb8;
	[tilespmem:$0x31A0] =	vst v63  }
0x60: {  	_ =	swait.ge [sflag:s13], $0x40  }
0x61: {  	[sflag:s13] =	ssyncset.done $0x0  }
0x62: {  	[sflag:s13] =	ssyncadd.s32 $0xFFFFFFC0  }
0x63: {  	[spmem:s3] =	stream.indirect.scatter.add.f32 [tilespmem:s15], [sflag:$0x1], $0x1, s18, s17, $0xb8;
	[tilespmem:$0x31A0] =	vst v63  }
0x64: {  	_ =	swait.ge [sflag:s13], $0x40  }
0x65: {  	[sflag:s13] =	ssyncset.done $0x0  }
0x66: {  	[sflag:s13] =	ssyncadd.s32 $0xFFFFFFC0  }
0x67: {  	[spmem:s3] =	stream.indirect.scatter.add.f32 [tilespmem:s15], [sflag:$0x1], $0x1, s19, s17, $0xb8;
	[tilespmem:$0x31A0] =	vst v63  }
0x68: {  	_ =	swait.ge [sflag:s13], $0x40  }
0x69: {  	[sflag:s13] =	ssyncset.done $0x0  }
0x6a: {  	[sflag:s13] =	ssyncadd.s32 $0xFFFFFFC0  }
0x6b: {  	[spmem:s3] =	stream.indirect.scatter.add.f32 [tilespmem:s15], [sflag:$0x1], $0x1, s20, s17, $0xb8;
	[tilespmem:$0x31A0] =	vst v63  }
0x6c: {  	_ =	swait.ge [sflag:s13], $0x40  }
0x6d: {  	[sflag:s13] =	ssyncset.done $0x0  }
0x6e: {  	[sflag:s13] =	ssyncadd.s32 $0xFFFFFFC0  }
0x6f: {  	[spmem:s3] =	stream.indirect.scatter.add.f32 [tilespmem:s15], [sflag:$0x1], $0x1, s21, s17, $0xb8;
	[tilespmem:$0x31A0] =	vst v63  }
0x70: {  	_ =	swait.ge [sflag:s13], $0x40  }
0x71: {  	[sflag:s13] =	ssyncset.done $0x0  }
0x72: {  	[sflag:s13] =	ssyncadd.s32 $0xFFFFFFC0  }
0x73: {  	[bflag:$0x0] =	sbarrier.arrive $0xFFFF  }
0x74: {  	[tilespmem:s12], [sflag:$0x1] =	stream.linear.gather [spmem:s5], $0x280, $0x38;
	[tilespmem:$0x31A0] =	vst v63  }
0x75: {  	_ =	swait.ge [sflag:s13], $0x280  }
0x76: {  	[sflag:s13] =	ssyncset.done $0x0  }
0x77: {  	[sflag:s13] =	ssyncadd.s32 $0xFFFFFD80  }
0x78: {  	[hbm4b:s9+s4] =	stream.linear.scatter [tilespmem:s12], [sflag:$0x1], $0x280, $0x38;
	[tilespmem:$0x31A0] =	vst v63  }
0x79: {  	_ =	swait.ge [sflag:s13], $0x280  }
0x7a: {  	[sflag:s13] =	ssyncset.done $0x0  }
0x7b: {  	[sflag:s13] =	ssyncadd.s32 $0xFFFFFD80  }
0x7c: {  	[tilespmem:s15], [sflag:$0x1] =	stream.linear.gather [spmem:s6], $0x20, $0x38;
	[tilespmem:$0x31A0] =	vst v63  }
0x7d: {  	s22 =	sadd.s32 $0x1, s22;
	_ =	swait.ge [sflag:s13], $0x20  }
0x7e: {  	p0 =	sne.s32 s22, s11;
	[sflag:s13] =	ssyncset.done $0x0  }
.Ltmp1:
0x7f: {  	[sflag:s13] =	ssyncadd.s32 $0xFFFFFFE0;
	(pc) =	sbr.rel @p0 .LBB2_1-.Ltmp1, $4  }
0x80: {  	[hbm4b:s10+s4] =	stream.linear.scatter [tilespmem:s15], [sflag:$0x1], $0x20, $0x38;
	[tilespmem:$0x31A0] =	vst v63  }
0x81: {  	_ =	swait.ge [sflag:s13], $0x20  }
0x82: {  	[sflag:s13] =	ssyncset.done $0x0  }
0x83: {  	[sflag:s13] =	ssyncadd.s32 $0xFFFFFFE0  }
0x84: {  	_ =	sfence.sel $0x180000  }
0x85: {  	[bflag:$0x0] =	sbarrier.arrive $0xFFFF  }
0x86: {  	p0 =	sne.s32 s1, $0x0;
	_ =	strace $0x90000047  }
0x87: {  	s0 =	sadd.s32 @!p0 $0x100000, s0;
	[bflag:$0x2] =	sbarrier.arrive $0xFFFF  }
0x88: {  	[sflag:s0] =	ssyncadd.tile.s32 @!p0 $0x1;
	_ =	shalt  }
.Lfunc_end2:
_tile_overlayer_lowered:
.L_overlay_start_2:
0x89: {  	(tag) =	ssettag $0x2  }
0x8a: {  	s0 =	rddreg [dreg:$0x0];
	s2 =	stileid.u32  }
0x8b: {  	s1 =	rddreg [dreg:$0x1];
	p0 =	sne.s32 s2, $0x0  }
0x8c: {  	s3 =	rddreg [dreg:$0x2];
	[bflag:$0x3] =	sbarrier.arrive $0xFFFF;
	s2 =	simm.s32 @!p0 $0x1C01  }
0x8d: {  	[timem:s3], [sflag:s2] =	dma.local @!p0 [hbm:s0], s1  }
0x8e: {  	s0 =	simm.s32 @!p0 $0x1  }
0x8f: {  	_ =	swait.ge @!p0 [sflag:s0], s1  }
0x90: {  	s1 =	ssub.s32 @!p0 $0x0, s1;
	[sflag:s0] =	ssyncset.done @!p0 $0x0  }
0x91: {  	[sflag:s0] =	ssyncadd.s32 @!p0 s1  }
0x92: {  	[bflag:$0x3] =	sbarrier.arrive $0xFFFF  }
0x93: {  	_ =	shalt  }

// kernel: kernel.15.cloned.1.call-start
scs
__scs_entry_jumppad:
0x0: {  	(pc) =	sbr.rel $0x88, $3  }
0x1: {  	(tag) =	ssettag $0x0;
	lr =	simm.s32 $0x1  }
0x2: {  	[smem:$0x3F95] =	sst lr;
	_ =	strace $0xD0000000  }
0x3: {  	_ = 	snop  }
0x4: {  	_ = 	snop  }
0x5: {  	_ = 	snop  }
0x6: {  	_ = 	snop  }
0x7: {  	_ = 	snop  }
__scs_overlays_trampoline_lowered:
0x8: {  	[smem:$0x3FA4] =	sst s0  }
0x9: {  	[smem:$0x3FA5] =	sst s1  }
0xa: {  	[smem:$0x3FA6] =	sst s2  }
0xb: {  	[smem:$0x3FA7] =	sst s3  }
0xc: {  	[smem:$0x3FA8] =	sst s4  }
0xd: {  	[smem:$0x3FA9] =	sst s5  }
0xe: {  	[smem:$0x3FAA] =	sst s6  }
0xf: {  	[smem:$0x3FAB] =	sst s7  }
0x10: {  	[smem:$0x3FAC] =	sst s8  }
0x11: {  	[smem:$0x3FAD] =	sst s9;
	s0 =	simm.s32 @!p0 $0x0  }
0x12: {  	s1 =	sld [smem:$0x3F93];
	s0 =	simm.s32 @p0 $0x1  }
0x13: {  	[smem:$0x3FAE] =	sst s0;
	s0 =	simm.s32 @!p1 $0x0  }
0x14: {  	s2 =	sld [smem:$0x3F92];
	s0 =	simm.s32 @p1 $0x1  }
0x15: {  	[smem:$0x3FAF] =	sst s0;
	s0 =	simm.s32 @!p2 $0x0  }
0x16: {  	s3 =	sld [smem:$0x3FDB];
	s0 =	simm.s32 @p2 $0x1  }
0x17: {  	s4 =	simm.s32 $0x1BF5;
	[smem:$0x3FB1] =	sst s0  }
0x18: {  	s0 =	sld [smem:$0x3F94];
	_ =	swait.ge [sflag:s4], $0x0  }
0x19: {  	s7 =	sld [smem:$0x3F95]  }
0x1a: {  	s8 =	sadd.s32 $0xFFFFE003, lr  }
0x1b: {  	s9 =	sadd.s32 $0xFFFFFEF7, lr;
	s5 =	simm.s32 $0xFFFFFFFF;
	p2 =	slt.u32 s8, $0xFFFFF086  }
0x1c: {  	p1 =	slt.u32 s9, $0xF7A;
	s5 =	simm.s32 @!p2 $0x0  }
0x1d: {  	s5 =	simm.s32 @p1 $0x1;
	p0 =	seq.s32 s7, s2  }
0x1e: {  	s7 =	smul.u32 @!p0 $0xF7A, s2;
	p2 =	seq.s32 @!p0 s5, $0x0  }
0x1f: {  	s9 =	smul.u32 $0xF7A, s1;
	s8 =	simm.s32 @!p0 $0x1BF5;
	p2 =	por !p2, p0  }
0x20: {  	[sflag:s8] =	ssyncset.s32 @!p0 $0xFFFFF086;
	s6 =	sadd.s32 @!p0 s3, s7;
	s7 =	simm.s32 @!p0 $0x108  }
0x21: {  	s3 =	sadd.s32 s3, s9;
	s6 =	sadd.s32 @!p0 $0x88, s6;
	s7 =	simm.s32 @p2 $0x1082  }
0x22: {  	[simem:s7], [sflag:s8] =	dma.local @!p0 [hbm:s6], $0xF7A  }
0x23: {  	s9 =	sor.u32 $0xD0000000, s2;
	s6 =	simm.s32 $0x108;
	_ =	swait.ge @!p0 [sflag:s8], $0x0  }
0x24: {  	s3 =	sadd.s32 $0x88, s3;
	s6 =	simm.s32 @!p1 $0x1082;
	[sflag:s4] =	ssyncset.s32 $0xFFFFF086  }
0x25: {  	[simem:s6], [sflag:s4] =	dma.local [hbm:s3], $0xF7A  }
0x26: {  	[smem:$0x3F95] =	sst s1;
	(tag) =	ssettag s2;
	_ =	strace s9  }
0x27: {  	s1 =	sld [smem:$0x3FA5]  }
0x28: {  	s2 =	sld [smem:$0x3FA6]  }
0x29: {  	s4 =	sld [smem:$0x3FA8]  }
0x2a: {  	p0 =	seq.s32 s5, $0x0;
	s5 =	sld [smem:$0x3FA9]  }
0x2b: {  	s6 =	sld [smem:$0x3FAA]  }
0x2c: {  	s7 =	sld [smem:$0x3FAB]  }
0x2d: {  	s3 =	simm.s32 $0x108;
	s8 =	sld [smem:$0x3FAC]  }
0x2e: {  	s3 =	simm.s32 @!p0 $0x1082;
	s9 =	sld [smem:$0x3FAD]  }
0x2f: {  	lr =	sadd.s32 s0, s3;
	s0 =	sld [smem:$0x3FA4]  }
0x30: {  	s3 =	sld [smem:$0x3FA7]  }
0x31: {  	[smem:$0x3FB0] =	sst s10  }
0x32: {  	s10 =	sld [smem:$0x3FAE];
	_ =	sdelay $0x3  }
0x33: {  	p0 =	seq.s32 s10, $0x1;
	s10 =	sld [smem:$0x3FB0];
	_ =	sdelay $0x3  }
0x34: {  	[smem:$0x3FB0] =	sst s10  }
0x35: {  	s10 =	sld [smem:$0x3FAF];
	_ =	sdelay $0x3  }
0x36: {  	p1 =	seq.s32 s10, $0x1;
	s10 =	sld [smem:$0x3FB0];
	_ =	sdelay $0x3  }
0x37: {  	[smem:$0x3FB0] =	sst s10  }
0x38: {  	s10 =	sld [smem:$0x3FB1]  }
0x39: {  	_ = 	snop;
	(pc) =	sbr.ind lr, $3  }
0x3a: {  	_ = 	snop  }
0x3b: {  	_ = 	snop  }
0x3c: {  	p2 =	seq.s32 s10, $0x1;
	s10 =	sld [smem:$0x3FB0]  }
0x3d: {  	_ =	shalt  }
0x3e: {  	_ =	shalt  }
0x3f: {  	_ =	shalt  }
0x40: {  	_ =	shalt  }
0x41: {  	_ =	shalt  }
0x42: {  	_ =	shalt  }
0x43: {  	_ =	shalt  }
0x44: {  	_ =	shalt  }
0x45: {  	_ =	shalt  }
0x46: {  	_ =	shalt  }
0x47: {  	_ =	shalt  }
0x48: {  	_ =	shalt  }
0x49: {  	_ =	shalt  }
0x4a: {  	_ =	shalt  }
0x4b: {  	_ =	shalt  }
0x4c: {  	_ =	shalt  }
0x4d: {  	_ =	shalt  }
0x4e: {  	_ =	shalt  }
0x4f: {  	_ =	shalt  }
0x50: {  	_ =	shalt  }
0x51: {  	_ =	shalt  }
0x52: {  	_ =	shalt  }
0x53: {  	_ =	shalt  }
0x54: {  	_ =	shalt  }
0x55: {  	_ =	shalt  }
0x56: {  	_ =	shalt  }
0x57: {  	_ =	shalt  }
0x58: {  	_ =	shalt  }
0x59: {  	_ =	shalt  }
0x5a: {  	_ =	shalt  }
0x5b: {  	_ =	shalt  }
0x5c: {  	_ =	shalt  }
0x5d: {  	_ =	shalt  }
0x5e: {  	_ =	shalt  }
0x5f: {  	_ =	shalt  }
0x60: {  	_ =	shalt  }
0x61: {  	_ =	shalt  }
0x62: {  	_ =	shalt  }
0x63: {  	_ =	shalt  }
0x64: {  	_ =	shalt  }
0x65: {  	_ =	shalt  }
0x66: {  	_ =	shalt  }
0x67: {  	_ =	shalt  }
0x68: {  	_ =	shalt  }
0x69: {  	_ =	shalt  }
0x6a: {  	_ =	shalt  }
0x6b: {  	_ =	shalt  }
0x6c: {  	_ =	shalt  }
0x6d: {  	_ =	shalt  }
0x6e: {  	_ =	shalt  }
0x6f: {  	_ =	shalt  }
0x70: {  	_ =	shalt  }
0x71: {  	_ =	shalt  }
0x72: {  	_ =	shalt  }
0x73: {  	_ =	shalt  }
0x74: {  	_ =	shalt  }
0x75: {  	_ =	shalt  }
0x76: {  	_ =	shalt  }
0x77: {  	_ =	shalt  }
0x78: {  	_ =	shalt  }
0x79: {  	_ =	shalt  }
0x7a: {  	_ =	shalt  }
0x7b: {  	_ =	shalt  }
0x7c: {  	_ =	shalt  }
0x7d: {  	_ =	shalt  }
0x7e: {  	_ =	shalt  }
0x7f: {  	_ =	shalt  }
0x80: {  	_ =	shalt  }
0x81: {  	_ =	shalt  }
0x82: {  	_ =	shalt  }
0x83: {  	_ =	shalt  }
0x84: {  	_ =	shalt  }
0x85: {  	_ =	shalt  }
0x86: {  	_ =	shalt  }
0x87: {  	_ =	shalt  }
.Lfunc_end0:
.L_simem_size_0:
called_computation.1_lowered:
.L_overlay_start_0:
0x88: {  	s2 =	sld [smem:$0x3FD9]  }
0x89: {  	s3 =	sld [smem:$0x3FFE];
	_ =	sdelay $0x1  }
0x8a: {  	s1 =	srdreg.scid  }
0x8b: {  	s0 =	sand.u32 $0x1, s1  }
0x8c: {  	s16 =	sshll.u32 s0, $0xA;
	s2 =	sadd.s32 s3, s2  }
0x8d: {  	s2 =	sadd.s32 s2, s16  }
0x8e: {  	[smem:$0x3FBC] =	sst s2  }
0x8f: {  	_ = 	snop  }
0x90: {  	(tm) =	ssettm $0x1  }
0x91: {  	s17 =	sld [smem:$0x3FFB];
	_ =	sdelay $0x3  }
0x92: {  	_ =	strace s17  }
0x93: {  	s2 =	sld [smem:$0x3FFC];
	_ =	sdelay $0x3  }
0x94: {  	_ =	strace s2  }
0x95: {  	s2 =	sld [smem:$0x3FFD];
	_ =	sdelay $0x3  }
0x96: {  	_ =	strace s2  }
0x97: {  	_ =	strace $0x8FFFFFFF  }
0x98: {  	s18 =	sld [smem:$0x3FDB];
	_ =	sdelay $0x1  }
0x99: {  	s19 =	simm.s32 $_scs_section_size  }
0x9a: {  	s4 =	simm.s32 $_size__tile_overlayer_lowered;
	s5 =	simm.s32 $_tile_overlayer_lowered  }
0x9b: {  	s22 =	simm.s32 $0x1BFF;
	s21 =	sshll.u32 s5, $0x1;
	s2 =	sadd.s32 s19, s18  }
0x9c: {  	s6 =	simm.s32 $0x0;
	s20 =	sshll.u32 s4, $0x1;
	s4 =	sadd.s32 s21, s2  }
0x9d: {  	[timem:s6], [sflag:s22] =	dma.local [hbm:s4], s20  }
0x9e: {  	_ =	swait.ge [sflag:s22], s20  }
0x9f: {  	s3 =	ssub.s32 $0x0, s20;
	[sflag:s22] =	ssyncset.done $0x0  }
0xa0: {  	[sflag:s22] =	ssyncadd.s32 s3;
	_ =	sdelay $0x1  }
0xa1: {  	s23 =	simm.s32 $0x1B8B  }
0xa2: {  	_ =	swait.ge [sflag:s23], $0x1  }
0xa3: {  	[sflag:s23] =	ssyncset.done $0x0  }
0xa4: {  	s25 =	simm.s32 $0x1B8E;
	s24 =	sld [smem:$0x3FFE];
	[sflag:s23] =	ssyncadd.s32 $0xFFFFFFFF  }
0xa5: {  	s26 =	simm.s32 $execute0_lowered;
	[smem:$0x3FD2] =	sst s25  }
0xa6: {  	s4 =	sshll.u32 s26, $0x1;
	_ =	strace $0x80000049;
	[dreg:$0x1] =	wrdreg $0xFFFFFFFF  }
0xa7: {  	s28 =	simm.s32 $_size_execute0_lowered;
	s2 =	sadd.s32 s2, s4;
	[dreg:$0x0] =	wrdreg $0x0  }
0xa8: {  	s4 =	sshll.u32 s28, $0x1;
	[dreg:$0x2] =	wrdreg s2  }
0xa9: {  	[dreg:$0x3] =	wrdreg s4  }
0xaa: {  	[dreg:$0x4] =	wrdreg $0xC0  }
0xab: {  	_ =	task [dreg:s6], $0x5FFFF  }
0xac: {  	[dreg:$0x1] =	wrdreg $0xFFFFFFFF  }
0xad: {  	[dreg:$0x0] =	wrdreg $0x60  }
0xae: {  	[dreg:$0x2] =	wrdreg s24  }
0xaf: {  	[dreg:$0x3] =	wrdreg $0xA8000  }
0xb0: {  	[dreg:$0x4] =	wrdreg $0x9  }
0xb1: {  	_ =	task.clear_ibuf [dreg:s6], $0x5FFFF;
	_ =	strace $0x90000049  }
0xb2: {  	s29 =	simm.s32 $0x9;
	_ =	strace $0x8000004B  }
0xb3: {  	_ =	swait.ge [sflag:s29], $0x1  }
0xb4: {  	[sflag:s29] =	ssyncadd.s32 $0xFFFFFFFF  }
0xb5: {  	_ =	strace $0x9000004B  }
0xb6: {  	_ =	sfence  }
0xb7: {  	s30 =	sld [smem:$0x0];
	_ =	sdelay $0x2  }
0xb8: {  	s31 =	sshll.u32 s1, $0xD;
	s1 =	sshrl.u32 s1, $0x2  }
0xb9: {  	s3 =	sand.u32 $0x4000, s31;
	s1 =	sadd.s32 s1, s30  }
0xba: {  	s0 =	sor.u32 s3, s0;
	s1 =	sshll.u32 s1, $0x11  }
0xbb: {  	s0 =	sor.u32 s1, s0  }
0xbc: {  	s0 =	sadd.s32 $0x8F2B, s0  }
0xbd: {  	[sflag:s0] =	ssyncadd.remote.s32 $0x1  }
0xbe: {  	_ =	sfence.sel $0xFFFF  }
0xbf: {  	[dreg:$0x0] =	wrdreg $0xFFFFFFFF;
	(pc) =	sbr.abs _section_cstart, $3  }
0xc0: {  	[dreg:$0x1] =	wrdreg $0xFFFFFFFF  }
0xc1: {  	_ =	task.clear_ibuf [dreg:s6], $0x2FFFF;
	_ =	strace $0x9FFFFFFF  }
0xc2: {  	(tm) =	ssettm $0x7FFFFFFF  }
0xc3: {  	_ =	shalt  }
tec
execute0_lowered:
.L_overlay_start_1:
0x0: {  	(tag) =	ssettag $0x1  }
0x1: {  	s0 =	rddreg [dreg:$0x0]  }
0x2: {  	s1 =	srdreg.scid;
	s9 =	stileid.u32  }
0x3: {  	s2 =	rddreg [dreg:$0x1];
	s7 =	smul.u32 $0x50000, s9  }
0x4: {  	s4 =	simm.s32 $0x0;
	s30 =	simm.s32 $0x2800;
	s1 =	sand.u32 $0x1, s1  }
0x5: {  	s3 =	smul.u32 $0x280, s9;
	[smem:$0x7FF] =	sst s4;
	s7 =	sshrl.u32 s7, $0x2  }
0x6: {  	s4 =	sadd.s32 $0x38400, s0;
	s6 =	sadd.s32 $0x10400, s0;
	s7 =	sadd.s32 s7, s2  }
0x7: {  	s5 =	smul.u32 $0x2800, s1;
	_ =	strace $0x8000004A;
	s11 =	sadd.s32 $0x2000, s7  }
0x8: {  	s29 =	ssub.s32 $0x2, s1;
	s13 =	sadd.s32 $0x4000, s7;
	[dreg:$0x5] =	wrdreg s11  }
0x9: {  	s1 =	sshll.u32 s1, $0x4;
	s15 =	sadd.s32 $0x6000, s7;
	[dreg:$0x7] =	wrdreg s13  }
0xa: {  	s8 =	sshrl.u32 s29, $0x1;
	s17 =	sadd.s32 $0x8000, s7;
	[dreg:$0x9] =	wrdreg s15  }
0xb: {  	s3 =	sadd.s32 s5, s3;
	s19 =	sadd.s32 $0xA000, s7;
	[dreg:$0xb] =	wrdreg s17  }
0xc: {  	s5 =	sadd.s32 $0x24400, s0;
	s21 =	sadd.s32 $0xC000, s7;
	[dreg:$0xd] =	wrdreg s19  }
0xd: {  	s3 =	sshll.u32 s3, $0x4;
	s25 =	sadd.s32 $0xE000, s7;
	[dreg:$0xf] =	wrdreg s21  }
0xe: {  	s26 =	sadd.s32 $0x10000, s7;
	s0 =	sadd.s32 s3, s0;
	[dreg:$0x14] =	wrdreg s25  }
0xf: {  	s3 =	ssub.s32 s29, s8;
	[dreg:$0x15] =	wrdreg s26;
	s29 =	sadd.s32 $0x12000, s7  }
0x10: {  	s1 =	sor.u32 s9, s1;
	s9 =	smax.u32 s3, $0x1;
	[dreg:$0x16] =	wrdreg s29  }
0x11: {  	s31 =	simm.s32 $0x9;
	s10 =	sadd.s32 $0x60400, s0;
	[dreg:$0x3] =	wrdreg s9  }
0x12: {  	s28 =	simm.s32 $0x8;
	s12 =	sadd.s32 $0x60800, s0;
	[dreg:$0x4] =	wrdreg s10  }
0x13: {  	s8 =	smul.u32 $0x5000, s1;
	s14 =	sadd.s32 $0x60C00, s0;
	[dreg:$0x6] =	wrdreg s12  }
0x14: {  	s1 =	simm.s32 $0x1400;
	s16 =	sadd.s32 $0x61000, s0;
	[dreg:$0x8] =	wrdreg s14  }
0x15: {  	s11 =	simm.s32 $0x1;
	s18 =	sadd.s32 $0x61400, s0;
	[dreg:$0xa] =	wrdreg s16  }
0x16: {  	s13 =	simm.s32 $0x6800;
	s20 =	sadd.s32 $0x61800, s0;
	[dreg:$0xc] =	wrdreg s18  }
0x17: {  	s17 =	simm.s32 $0x8800;
	s22 =	sadd.s32 $0x61C00, s0;
	[dreg:$0xe] =	wrdreg s20  }
0x18: {  	s19 =	simm.s32 $0x1500;
	s23 =	sadd.s32 $0x62000, s0;
	[dreg:$0x10] =	wrdreg s22  }
0x19: {  	s21 =	simm.s32 $0x200;
	s24 =	sadd.s32 $0x62400, s0;
	[dreg:$0x11] =	wrdreg s23  }
.Ltmp0:
0x1a: {  	s0 =	sadd.s32 $0x62800, s0;
	[dreg:$0x12] =	wrdreg s24;
	(pc) =	sbr.rel .LBB2_1-.Ltmp0, $4  }
0x1b: {  	s25 =	simm.s32 $0x280;
	s26 =	simm.s32 $0x7;
	[dreg:$0x13] =	wrdreg s0  }
0x1c: {  	s0 =	simm.s32 $0x40;
	s10 =	simm.s32 $0x4800;
	s14 =	simm.s32 $0x2  }
0x1d: {  	s18 =	simm.s32 $0x3;
	s20 =	simm.s32 $0x5;
	s22 =	simm.s32 $0x4  }
0x1e: {  	v0 =	vimm.f32 $0.0e+00;
	s23 =	simm.s32 $0x1580;
	s24 =	simm.s32 $0x6;
	s9 =	simm.s32 $0x0  }
.LBB2_10:
0x1f: {  	[bflag:$0x0] =	sbarrier.arrive $0xFFFF  }
0x20: {  	[tilespmem:s30], [sflag:$0x9] =	stream.linear.gather [spmem:s7], $0x2000, $0x38;
	[tilespmem:$0x1E800] =	vst v63  }
0x21: {  	_ =	swait.ge [sflag:s31], $0x2000  }
0x22: {  	[sflag:s31] =	ssyncset.done $0x0  }
0x23: {  	s3 =	simm.s32 $0x0;
	s9 =	rddreg [dreg:$0x4];
	[sflag:s31] =	ssyncadd.s32 $0xFFFFE000  }
0x24: {  	[hbm4b:s9+s3] =	stream.linear.scatter [tilespmem:s30], [sflag:$0x9], $0x2000, $0x38;
	[tilespmem:$0x1E800] =	vst v63  }
0x25: {  	_ =	swait.ge [sflag:s31], $0x2000  }
0x26: {  	[sflag:s31] =	ssyncset.done $0x0  }
0x27: {  	s12 =	rddreg [dreg:$0x5];
	[sflag:s31] =	ssyncadd.s32 $0xFFFFE000  }
0x28: {  	[tilespmem:s30], [sflag:$0x9] =	stream.linear.gather [spmem:s12], $0x2000, $0x38;
	[tilespmem:$0x1E800] =	vst v63  }
0x29: {  	_ =	swait.ge [sflag:s31], $0x2000  }
0x2a: {  	[sflag:s31] =	ssyncset.done $0x0  }
0x2b: {  	s15 =	rddreg [dreg:$0x6];
	[sflag:s31] =	ssyncadd.s32 $0xFFFFE000  }
0x2c: {  	[hbm4b:s15+s3] =	stream.linear.scatter [tilespmem:s30], [sflag:$0x9], $0x2000, $0x38;
	[tilespmem:$0x1E800] =	vst v63  }
0x2d: {  	_ =	swait.ge [sflag:s31], $0x2000  }
0x2e: {  	[sflag:s31] =	ssyncset.done $0x0  }
0x2f: {  	s16 =	rddreg [dreg:$0x7];
	[sflag:s31] =	ssyncadd.s32 $0xFFFFE000  }
0x30: {  	[tilespmem:s30], [sflag:$0x9] =	stream.linear.gather [spmem:s16], $0x2000, $0x38;
	[tilespmem:$0x1E800] =	vst v63  }
0x31: {  	_ =	swait.ge [sflag:s31], $0x2000  }
0x32: {  	[sflag:s31] =	ssyncset.done $0x0  }
0x33: {  	s29 =	rddreg [dreg:$0x8];
	[sflag:s31] =	ssyncadd.s32 $0xFFFFE000  }
0x34: {  	[hbm4b:s29+s3] =	stream.linear.scatter [tilespmem:s30], [sflag:$0x9], $0x2000, $0x38;
	[tilespmem:$0x1E800] =	vst v63  }
0x35: {  	_ =	swait.ge [sflag:s31], $0x2000  }
0x36: {  	[sflag:s31] =	ssyncset.done $0x0  }
0x37: {  	s12 =	rddreg [dreg:$0x9];
	[sflag:s31] =	ssyncadd.s32 $0xFFFFE000  }
0x38: {  	[tilespmem:s30], [sflag:$0x9] =	stream.linear.gather [spmem:s12], $0x2000, $0x38;
	[tilespmem:$0x1E800] =	vst v63  }
0x39: {  	_ =	swait.ge [sflag:s31], $0x2000  }
0x3a: {  	[sflag:s31] =	ssyncset.done $0x0  }
0x3b: {  	s15 =	rddreg [dreg:$0xa];
	[sflag:s31] =	ssyncadd.s32 $0xFFFFE000  }
0x3c: {  	[hbm4b:s15+s3] =	stream.linear.scatter [tilespmem:s30], [sflag:$0x9], $0x2000, $0x38;
	[tilespmem:$0x1E800] =	vst v63  }
0x3d: {  	_ =	swait.ge [sflag:s31], $0x2000  }
0x3e: {  	[sflag:s31] =	ssyncset.done $0x0  }
0x3f: {  	s16 =	rddreg [dreg:$0xb];
	[sflag:s31] =	ssyncadd.s32 $0xFFFFE000  }
0x40: {  	[tilespmem:s30], [sflag:$0x9] =	stream.linear.gather [spmem:s16], $0x2000, $0x38;
	[tilespmem:$0x1E800] =	vst v63  }
0x41: {  	_ =	swait.ge [sflag:s31], $0x2000  }
0x42: {  	[sflag:s31] =	ssyncset.done $0x0  }
0x43: {  	s29 =	rddreg [dreg:$0xc];
	[sflag:s31] =	ssyncadd.s32 $0xFFFFE000  }
0x44: {  	[hbm4b:s29+s3] =	stream.linear.scatter [tilespmem:s30], [sflag:$0x9], $0x2000, $0x38;
	[tilespmem:$0x1E800] =	vst v63  }
0x45: {  	_ =	swait.ge [sflag:s31], $0x2000  }
0x46: {  	[sflag:s31] =	ssyncset.done $0x0  }
0x47: {  	s12 =	rddreg [dreg:$0xd];
	[sflag:s31] =	ssyncadd.s32 $0xFFFFE000  }
0x48: {  	[tilespmem:s30], [sflag:$0x9] =	stream.linear.gather [spmem:s12], $0x2000, $0x38;
	[tilespmem:$0x1E800] =	vst v63  }
0x49: {  	_ =	swait.ge [sflag:s31], $0x2000  }
0x4a: {  	[sflag:s31] =	ssyncset.done $0x0  }
0x4b: {  	s15 =	rddreg [dreg:$0xe];
	[sflag:s31] =	ssyncadd.s32 $0xFFFFE000  }
0x4c: {  	[hbm4b:s15+s3] =	stream.linear.scatter [tilespmem:s30], [sflag:$0x9], $0x2000, $0x38;
	[tilespmem:$0x1E800] =	vst v63  }
0x4d: {  	_ =	swait.ge [sflag:s31], $0x2000  }
0x4e: {  	[sflag:s31] =	ssyncset.done $0x0  }
0x4f: {  	s16 =	rddreg [dreg:$0xf];
	[sflag:s31] =	ssyncadd.s32 $0xFFFFE000  }
0x50: {  	[tilespmem:s30], [sflag:$0x9] =	stream.linear.gather [spmem:s16], $0x2000, $0x38;
	[tilespmem:$0x1E800] =	vst v63  }
0x51: {  	_ =	swait.ge [sflag:s31], $0x2000  }
0x52: {  	[sflag:s31] =	ssyncset.done $0x0  }
0x53: {  	s29 =	rddreg [dreg:$0x10];
	[sflag:s31] =	ssyncadd.s32 $0xFFFFE000  }
0x54: {  	[hbm4b:s29+s3] =	stream.linear.scatter [tilespmem:s30], [sflag:$0x9], $0x2000, $0x38;
	[tilespmem:$0x1E800] =	vst v63  }
0x55: {  	_ =	swait.ge [sflag:s31], $0x2000  }
0x56: {  	[sflag:s31] =	ssyncset.done $0x0  }
0x57: {  	s12 =	rddreg [dreg:$0x14];
	[sflag:s31] =	ssyncadd.s32 $0xFFFFE000  }
0x58: {  	[tilespmem:s30], [sflag:$0x9] =	stream.linear.gather [spmem:s12], $0x2000, $0x38;
	[tilespmem:$0x1E800] =	vst v63  }
0x59: {  	_ =	swait.ge [sflag:s31], $0x2000  }
0x5a: {  	[sflag:s31] =	ssyncset.done $0x0  }
0x5b: {  	s15 =	rddreg [dreg:$0x11];
	[sflag:s31] =	ssyncadd.s32 $0xFFFFE000  }
0x5c: {  	[hbm4b:s15+s3] =	stream.linear.scatter [tilespmem:s30], [sflag:$0x9], $0x2000, $0x38;
	[tilespmem:$0x1E800] =	vst v63  }
0x5d: {  	_ =	swait.ge [sflag:s31], $0x2000  }
0x5e: {  	[sflag:s31] =	ssyncset.done $0x0  }
0x5f: {  	s16 =	rddreg [dreg:$0x15];
	[sflag:s31] =	ssyncadd.s32 $0xFFFFE000  }
0x60: {  	[tilespmem:s30], [sflag:$0x9] =	stream.linear.gather [spmem:s16], $0x2000, $0x38;
	[tilespmem:$0x1E800] =	vst v63  }
0x61: {  	_ =	swait.ge [sflag:s31], $0x2000  }
0x62: {  	[sflag:s31] =	ssyncset.done $0x0  }
0x63: {  	s29 =	rddreg [dreg:$0x12];
	[sflag:s31] =	ssyncadd.s32 $0xFFFFE000  }
0x64: {  	[hbm4b:s29+s3] =	stream.linear.scatter [tilespmem:s30], [sflag:$0x9], $0x2000, $0x38;
	[tilespmem:$0x1E800] =	vst v63  }
0x65: {  	_ =	swait.ge [sflag:s31], $0x2000  }
0x66: {  	[sflag:s31] =	ssyncset.done $0x0  }
0x67: {  	s12 =	rddreg [dreg:$0x16];
	[sflag:s31] =	ssyncadd.s32 $0xFFFFE000  }
0x68: {  	[tilespmem:s30], [sflag:$0x9] =	stream.linear.gather [spmem:s12], $0x2000, $0x38;
	[tilespmem:$0x1E800] =	vst v63  }
0x69: {  	_ =	swait.ge [sflag:s31], $0x2000  }
0x6a: {  	[sflag:s31] =	ssyncset.done $0x0  }
0x6b: {  	s15 =	rddreg [dreg:$0x13];
	[sflag:s31] =	ssyncadd.s32 $0xFFFFE000  }
0x6c: {  	[hbm4b:s15+s3] =	stream.linear.scatter [tilespmem:s30], [sflag:$0x9], $0x2000, $0x38;
	[tilespmem:$0x1E800] =	vst v63  }
0x6d: {  	_ =	swait.ge [sflag:s31], $0x2000  }
0x6e: {  	s16 =	rddreg [dreg:$0x17]  }
0x6f: {  	s29 =	rddreg [dreg:$0x3];
	s9 =	sadd.s32 $0x1, s16  }
0x70: {  	p0 =	sne.s32 s9, s29  }
.Ltmp1:
0x71: {  	_ = 	snop;
	(pc) =	sbr.rel @!p0 .LBB2_11-.Ltmp1, $3  }
0x72: {  	_ =	sdelay $0x1  }
0x73: {  	[sflag:s31] =	ssyncset.done $0x0  }
0x74: {  	[sflag:s31] =	ssyncadd.s32 $0xFFFFE000  }
.LBB2_1:
0x75: {  	[dreg:$0x17] =	wrdreg s9;
	s3 =	simm.s32 $0x0;
	s9 =	simm.s32 $0x200  }
.LBB2_2:
0x76: {  	p0 =	sne.s32 s9, $0x1E00;
	[tilespmem:s3+$0x2870] =	vst v0  }
0x77: {  	[tilespmem:s3+$0x2800] =	vst v0  }
0x78: {  	[tilespmem:s3+$0x2810] =	vst v0  }
.Ltmp2:
0x79: {  	[tilespmem:s3+$0x2820] =	vst v0;
	(pc) =	sbr.rel @p0 .LBB2_2-.Ltmp2, $4  }
0x7a: {  	[tilespmem:s3+$0x2830] =	vst v0  }
0x7b: {  	[tilespmem:s3+$0x2840] =	vst v0  }
0x7c: {  	[tilespmem:s3+$0x2850] =	vst v0  }
0x7d: {  	[tilespmem:s3+$0x2860] =	vst v0;
	s3 =	sshra.s32 s9, $0x2;
	s9 =	sadd.s32 $0x200, s9  }
0x7e: {  	[tilespmem:s3+$0x2870] =	vst v0  }
0x7f: {  	[tilespmem:s3+$0x2800] =	vst v0  }
0x80: {  	[tilespmem:s3+$0x2810] =	vst v0  }
0x81: {  	[tilespmem:s3+$0x2820] =	vst v0  }
0x82: {  	[tilespmem:s3+$0x2830] =	vst v0  }
0x83: {  	[tilespmem:s3+$0x2840] =	vst v0  }
0x84: {  	[tilespmem:s3+$0x2850] =	vst v0  }
0x85: {  	[tilespmem:s3+$0x2860] =	vst v0;
	s29 =	sadd.s32 $0x0, s7  }
0x86: {  	[spmem:s29] =	stream.linear.scatter [tilespmem:s30], [sflag:$0x9], $0x800, $0x38;
	[tilespmem:$0x1E800] =	vst v63  }
0x87: {  	s3 =	simm.s32 $0x2000;
	_ =	swait.ge [sflag:s31], $0x800  }
.LBB2_4:
0x88: {  	s9 =	sshra.s32 s3, $0x2;
	[sflag:s31] =	ssyncset.done $0x0;
	p0 =	sne.s32 s3, $0x4E000  }
.Ltmp3:
0x89: {  	s9 =	sadd.s32 s9, s7;
	[sflag:s31] =	ssyncadd.s32 $0xFFFFF800;
	(pc) =	sbr.rel @p0 .LBB2_4-.Ltmp3, $3  }
0x8a: {  	[spmem:s9] =	stream.linear.scatter [tilespmem:s30], [sflag:$0x9], $0x800, $0x38;
	[tilespmem:$0x1E800] =	vst v63  }
0x8b: {  	s3 =	sadd.s32 $0x2000, s3;
	_ =	sdelay $0x1  }
0x8c: {  	_ =	swait.ge [sflag:s31], $0x800  }
.Ltmp4:
0x8d: {  	(pc) =	sbr.rel .LBB2_6-.Ltmp4, $4  }
0x8e: {  	[sflag:s31] =	ssyncset.done $0x0  }
0x8f: {  	[sflag:s31] =	ssyncadd.s32 $0xFFFFF800  }
0x90: {  	[bflag:$0x0] =	sbarrier.arrive $0xFFFF  }
0x91: {  	s3 =	simm.s32 $0x0;
	s29 =	simm.s32 $0x0  }
.LBB2_9:
0x92: {  	_ =	swait.ge [sflag:s22], $0x2000  }
0x93: {  	[sflag:s22] =	ssyncset.done $0x0  }
0x94: {  	[sflag:s22] =	ssyncadd.s32 $0xFFFFE000  }
0x95: {  	[spmem:s2] =	stream.indirect.scatter.add.f32 [tilespmem:s17], [sflag:$0x8], $0x80, s15, s0, $0xb8;
	[tilespmem:$0x1E800] =	vst v63  }
0x96: {  	_ =	swait.ge [sflag:s20], $0x2000  }
0x97: {  	[sflag:s20] =	ssyncset.done $0x0  }
0x98: {  	[sflag:s20] =	ssyncadd.s32 $0xFFFFE000  }
0x99: {  	_ =	swait.ge [sflag:s24], $0x2000  }
0x9a: {  	[sflag:s24] =	ssyncset.done $0x0  }
0x9b: {  	s29 =	sadd.s32 $0x1, s29;
	[sflag:s24] =	ssyncadd.s32 $0xFFFFE000  }
0x9c: {  	p0 =	sne.s32 s29, $0x4;
	_ =	swait.ge [sflag:s26], $0x2000  }
.Ltmp5:
0x9d: {  	[sflag:s26] =	ssyncset.done $0x0;
	(pc) =	sbr.rel @!p0 .LBB2_10-.Ltmp5, $4  }
0x9e: {  	[sflag:s26] =	ssyncadd.s32 $0xFFFFE000  }
0x9f: {  	_ =	swait.ge [sflag:s28], $0x2000  }
0xa0: {  	[sflag:s28] =	ssyncset.done $0x0  }
0xa1: {  	[sflag:s28] =	ssyncadd.s32 $0xFFFFE000  }
.LBB2_6:
0xa2: {  	s9 =	smul.u32 $0x1400, s29;
	_ =	sdelay $0x1  }
0xa3: {  	s9 =	sadd.s32 s8, s9  }
0xa4: {  	s9 =	sshrl.u32 s9, $0x3  }
0xa5: {  	s12 =	sadd.s32 s5, s9  }
0xa6: {  	[tilespmem:s3], [sflag:$0x9] =	stream.linear.gather [hbm4b:s12+s3], $0x1400, $0x38;
	[tilespmem:$0x1E800] =	vst v63  }
0xa7: {  	_ =	swait.ge [sflag:s31], $0x1400  }
0xa8: {  	[sflag:s31] =	ssyncset.done $0x0  }
0xa9: {  	s9 =	sadd.s32 s6, s9;
	[sflag:s31] =	ssyncadd.s32 $0xFFFFEC00  }
0xaa: {  	[tilespmem:s1], [sflag:$0x9] =	stream.linear.gather [hbm4b:s9+s3], $0x1400, $0x38;
	[tilespmem:$0x1E800] =	vst v63  }
0xab: {  	_ =	swait.ge [sflag:s31], $0x1400  }
0xac: {  	[sflag:s31] =	ssyncset.done $0x0  }
0xad: {  	[sflag:s31] =	ssyncadd.s32 $0xFFFFEC00  }
0xae: {  	[tilespmem:s30], [sflag:$0x1] =	stream.indirect.gather [hbm4b:s4+s0], $0x80, s3, s0, $0xb8;
	[tilespmem:$0x1E800] =	vst v63  }
0xaf: {  	s16 =	simm.s32 $0x80  }
0xb0: {  	[tilespmem:s10], [sflag:$0x2] =	stream.indirect.gather [hbm4b:s4+s0], $0x80, s16, s0, $0xb8;
	[tilespmem:$0x1E800] =	vst v63  }
0xb1: {  	_ =	swait.ge [sflag:s11], $0x2000  }
0xb2: {  	[sflag:s11] =	ssyncset.done $0x0  }
0xb3: {  	[sflag:s11] =	ssyncadd.s32 $0xFFFFE000  }
0xb4: {  	[spmem:s2] =	stream.indirect.scatter.add.f32 [tilespmem:s30], [sflag:$0x5], $0x80, s1, s0, $0xb8;
	[tilespmem:$0x1E800] =	vst v63  }
0xb5: {  	s12 =	simm.s32 $0x100  }
0xb6: {  	[tilespmem:s13], [sflag:$0x3] =	stream.indirect.gather [hbm4b:s4+s0], $0x80, s12, s0, $0xb8;
	[tilespmem:$0x1E800] =	vst v63  }
0xb7: {  	_ =	swait.ge [sflag:s14], $0x2000  }
0xb8: {  	[sflag:s14] =	ssyncset.done $0x0  }
0xb9: {  	s15 =	simm.s32 $0x1480;
	[sflag:s14] =	ssyncadd.s32 $0xFFFFE000  }
0xba: {  	[spmem:s2] =	stream.indirect.scatter.add.f32 [tilespmem:s10], [sflag:$0x6], $0x80, s15, s0, $0xb8;
	[tilespmem:$0x1E800] =	vst v63  }
0xbb: {  	s16 =	simm.s32 $0x180  }
0xbc: {  	[tilespmem:s17], [sflag:$0x4] =	stream.indirect.gather [hbm4b:s4+s0], $0x80, s16, s0, $0xb8;
	[tilespmem:$0x1E800] =	vst v63  }
0xbd: {  	_ =	swait.ge [sflag:s18], $0x2000  }
0xbe: {  	[sflag:s18] =	ssyncset.done $0x0  }
0xbf: {  	[sflag:s18] =	ssyncadd.s32 $0xFFFFE000  }
0xc0: {  	[spmem:s2] =	stream.indirect.scatter.add.f32 [tilespmem:s13], [sflag:$0x7], $0x80, s19, s0, $0xb8;
	[tilespmem:$0x1E800] =	vst v63  }
0xc1: {  	_ =	swait.ge [sflag:s20], $0x2000  }
0xc2: {  	[sflag:s20] =	ssyncset.done $0x0  }
0xc3: {  	[sflag:s20] =	ssyncadd.s32 $0xFFFFE000  }
0xc4: {  	[tilespmem:s30], [sflag:$0x1] =	stream.indirect.gather [hbm4b:s4+s0], $0x80, s21, s0, $0xb8;
	[tilespmem:$0x1E800] =	vst v63  }
0xc5: {  	_ =	swait.ge [sflag:s22], $0x2000  }
0xc6: {  	[sflag:s22] =	ssyncset.done $0x0  }
0xc7: {  	[sflag:s22] =	ssyncadd.s32 $0xFFFFE000  }
0xc8: {  	[spmem:s2] =	stream.indirect.scatter.add.f32 [tilespmem:s17], [sflag:$0x8], $0x80, s23, s0, $0xb8;
	[tilespmem:$0x1E800] =	vst v63  }
0xc9: {  	_ =	swait.ge [sflag:s24], $0x2000  }
0xca: {  	[sflag:s24] =	ssyncset.done $0x0  }
0xcb: {  	s9 =	simm.s32 $0x0;
	[sflag:s24] =	ssyncadd.s32 $0xFFFFE000  }
0xcc: {  	[tilespmem:s10], [sflag:$0x2] =	stream.indirect.gather [hbm4b:s4+s0], $0x80, s25, s0, $0xb8;
	[tilespmem:$0x1E800] =	vst v63  }
.LBB2_7:
0xcd: {  	_ =	swait.ge [sflag:s11], $0x2000  }
0xce: {  	s12 =	sshra.s32 s9, $0x2;
	[sflag:s11] =	ssyncset.done $0x0  }
0xcf: {  	s15 =	sadd.s32 $0x1600, s12;
	[sflag:s11] =	ssyncadd.s32 $0xFFFFE000  }
0xd0: {  	[spmem:s2] =	stream.indirect.scatter.add.f32 [tilespmem:s30], [sflag:$0x5], $0x80, s15, s0, $0xb8;
	[tilespmem:$0x1E800] =	vst v63  }
0xd1: {  	_ =	swait.ge [sflag:s26], $0x2000  }
0xd2: {  	[sflag:s26] =	ssyncset.done $0x0  }
0xd3: {  	s16 =	sadd.s32 $0x300, s12;
	[sflag:s26] =	ssyncadd.s32 $0xFFFFE000  }
0xd4: {  	[tilespmem:s13], [sflag:$0x3] =	stream.indirect.gather [hbm4b:s4+s0], $0x80, s16, s0, $0xb8;
	[tilespmem:$0x1E800] =	vst v63  }
0xd5: {  	_ =	swait.ge [sflag:s14], $0x2000  }
0xd6: {  	[sflag:s14] =	ssyncset.done $0x0  }
0xd7: {  	s16 =	sadd.s32 $0x1680, s12;
	[sflag:s14] =	ssyncadd.s32 $0xFFFFE000  }
0xd8: {  	[spmem:s2] =	stream.indirect.scatter.add.f32 [tilespmem:s10], [sflag:$0x6], $0x80, s16, s0, $0xb8;
	[tilespmem:$0x1E800] =	vst v63  }
0xd9: {  	_ =	swait.ge [sflag:s28], $0x2000  }
0xda: {  	[sflag:s28] =	ssyncset.done $0x0  }
0xdb: {  	p0 =	seq.s32 s9, $0x4000;
	s16 =	sadd.s32 $0x380, s12;
	[sflag:s28] =	ssyncadd.s32 $0xFFFFE000  }
0xdc: {  	[tilespmem:s17], [sflag:$0x4] =	stream.indirect.gather [hbm4b:s4+s0], $0x80, s16, s0, $0xb8;
	[tilespmem:$0x1E800] =	vst v63  }
.Ltmp6:
0xdd: {  	_ = 	snop;
	(pc) =	sbr.rel @p0 .LBB2_9-.Ltmp6, $4  }
0xde: {  	_ =	swait.ge [sflag:s18], $0x2000  }
0xdf: {  	[sflag:s18] =	ssyncset.done $0x0  }
0xe0: {  	s15 =	sadd.s32 $0x1780, s12;
	s16 =	sadd.s32 $0x1700, s12;
	[sflag:s18] =	ssyncadd.s32 $0xFFFFE000  }
0xe1: {  	[spmem:s2] =	stream.indirect.scatter.add.f32 [tilespmem:s13], [sflag:$0x7], $0x80, s16, s0, $0xb8;
	[tilespmem:$0x1E800] =	vst v63  }
0xe2: {  	_ =	swait.ge [sflag:s20], $0x2000  }
0xe3: {  	[sflag:s20] =	ssyncset.done $0x0  }
0xe4: {  	s16 =	sadd.s32 $0x400, s12;
	[sflag:s20] =	ssyncadd.s32 $0xFFFFE000  }
0xe5: {  	[tilespmem:s30], [sflag:$0x1] =	stream.indirect.gather [hbm4b:s4+s0], $0x80, s16, s0, $0xb8;
	[tilespmem:$0x1E800] =	vst v63  }
0xe6: {  	_ =	swait.ge [sflag:s22], $0x2000  }
0xe7: {  	[sflag:s22] =	ssyncset.done $0x0  }
0xe8: {  	[sflag:s22] =	ssyncadd.s32 $0xFFFFE000  }
0xe9: {  	[spmem:s2] =	stream.indirect.scatter.add.f32 [tilespmem:s17], [sflag:$0x8], $0x80, s15, s0, $0xb8;
	[tilespmem:$0x1E800] =	vst v63  }
.Ltmp7:
0xea: {  	_ = 	snop;
	(pc) =	sbr.rel .LBB2_7-.Ltmp7, $4  }
0xeb: {  	_ =	swait.ge [sflag:s24], $0x2000  }
0xec: {  	[sflag:s24] =	ssyncset.done $0x0  }
0xed: {  	s9 =	sadd.s32 $0x800, s9;
	s16 =	sadd.s32 $0x480, s12;
	[sflag:s24] =	ssyncadd.s32 $0xFFFFE000  }
0xee: {  	[tilespmem:s10], [sflag:$0x2] =	stream.indirect.gather [hbm4b:s4+s0], $0x80, s16, s0, $0xb8;
	[tilespmem:$0x1E800] =	vst v63  }
.LBB2_11:
0xef: {  	_ =	sfence.sel $0x180000  }
0xf0: {  	[bflag:$0x0] =	sbarrier.arrive $0xFFFF  }
0xf1: {  	_ =	strace $0x9000004A  }
0xf2: {  	s0 =	stileid.u32;
	[bflag:$0x2] =	sbarrier.arrive $0xFFFF  }
0xf3: {  	p0 =	sne.s32 s0, $0x0;
	s0 =	rddreg [dreg:$0x2]  }
0xf4: {  	s0 =	sadd.s32 @!p0 $0x100000, s0  }
0xf5: {  	[sflag:s0] =	ssyncadd.tile.s32 @!p0 $0x1;
	_ =	shalt  }
.Lfunc_end2:
_tile_overlayer_lowered:
.L_overlay_start_2:
0xf6: {  	(tag) =	ssettag $0x2  }
0xf7: {  	s0 =	rddreg [dreg:$0x0];
	s2 =	stileid.u32  }
0xf8: {  	s1 =	rddreg [dreg:$0x1];
	p0 =	sne.s32 s2, $0x0  }
0xf9: {  	s3 =	rddreg [dreg:$0x2];
	[bflag:$0x3] =	sbarrier.arrive $0xFFFF;
	s2 =	simm.s32 @!p0 $0x1C09  }
0xfa: {  	[timem:s3], [sflag:s2] =	dma.local @!p0 [hbm:s0], s1  }
0xfb: {  	s0 =	simm.s32 @!p0 $0x9  }
0xfc: {  	_ =	swait.ge @!p0 [sflag:s0], s1  }
0xfd: {  	s1 =	ssub.s32 @!p0 $0x0, s1;
	[sflag:s0] =	ssyncset.done @!p0 $0x0  }
0xfe: {  	[sflag:s0] =	ssyncadd.s32 @!p0 s1  }
0xff: {  	[bflag:$0x3] =	sbarrier.arrive $0xFFFF  }
0x100: {  	_ =	shalt  }

// kernel: kernel.18.cloned.1.call-start
scs
__scs_entry_jumppad:
0x0: {  	(pc) =	sbr.rel $0x88, $3  }
0x1: {  	(tag) =	ssettag $0x0;
	lr =	simm.s32 $0x1  }
0x2: {  	[smem:$0x3F95] =	sst lr;
	_ =	strace $0xD0000000  }
0x3: {  	_ = 	snop  }
0x4: {  	_ = 	snop  }
0x5: {  	_ = 	snop  }
0x6: {  	_ = 	snop  }
0x7: {  	_ = 	snop  }
__scs_overlays_trampoline_lowered:
0x8: {  	[smem:$0x3FA4] =	sst s0  }
0x9: {  	[smem:$0x3FA5] =	sst s1  }
0xa: {  	[smem:$0x3FA6] =	sst s2  }
0xb: {  	[smem:$0x3FA7] =	sst s3  }
0xc: {  	[smem:$0x3FA8] =	sst s4  }
0xd: {  	[smem:$0x3FA9] =	sst s5  }
0xe: {  	[smem:$0x3FAA] =	sst s6  }
0xf: {  	[smem:$0x3FAB] =	sst s7  }
0x10: {  	[smem:$0x3FAC] =	sst s8  }
0x11: {  	[smem:$0x3FAD] =	sst s9;
	s0 =	simm.s32 @!p0 $0x0  }
0x12: {  	s1 =	sld [smem:$0x3F93];
	s0 =	simm.s32 @p0 $0x1  }
0x13: {  	[smem:$0x3FAE] =	sst s0;
	s0 =	simm.s32 @!p1 $0x0  }
0x14: {  	s2 =	sld [smem:$0x3F92];
	s0 =	simm.s32 @p1 $0x1  }
0x15: {  	[smem:$0x3FAF] =	sst s0;
	s0 =	simm.s32 @!p2 $0x0  }
0x16: {  	s3 =	sld [smem:$0x3FDB];
	s0 =	simm.s32 @p2 $0x1  }
0x17: {  	s4 =	simm.s32 $0x1BF5;
	[smem:$0x3FB1] =	sst s0  }
0x18: {  	s0 =	sld [smem:$0x3F94];
	_ =	swait.ge [sflag:s4], $0x0  }
0x19: {  	s7 =	sld [smem:$0x3F95]  }
0x1a: {  	s8 =	sadd.s32 $0xFFFFE003, lr  }
0x1b: {  	s9 =	sadd.s32 $0xFFFFFEF7, lr;
	s5 =	simm.s32 $0xFFFFFFFF;
	p2 =	slt.u32 s8, $0xFFFFF086  }
0x1c: {  	p1 =	slt.u32 s9, $0xF7A;
	s5 =	simm.s32 @!p2 $0x0  }
0x1d: {  	s5 =	simm.s32 @p1 $0x1;
	p0 =	seq.s32 s7, s2  }
0x1e: {  	s7 =	smul.u32 @!p0 $0xF7A, s2;
	p2 =	seq.s32 @!p0 s5, $0x0  }
0x1f: {  	s9 =	smul.u32 $0xF7A, s1;
	s8 =	simm.s32 @!p0 $0x1BF5;
	p2 =	por !p2, p0  }
0x20: {  	[sflag:s8] =	ssyncset.s32 @!p0 $0xFFFFF086;
	s6 =	sadd.s32 @!p0 s3, s7;
	s7 =	simm.s32 @!p0 $0x108  }
0x21: {  	s3 =	sadd.s32 s3, s9;
	s6 =	sadd.s32 @!p0 $0x88, s6;
	s7 =	simm.s32 @p2 $0x1082  }
0x22: {  	[simem:s7], [sflag:s8] =	dma.local @!p0 [hbm:s6], $0xF7A  }
0x23: {  	s9 =	sor.u32 $0xD0000000, s2;
	s6 =	simm.s32 $0x108;
	_ =	swait.ge @!p0 [sflag:s8], $0x0  }
0x24: {  	s3 =	sadd.s32 $0x88, s3;
	s6 =	simm.s32 @!p1 $0x1082;
	[sflag:s4] =	ssyncset.s32 $0xFFFFF086  }
0x25: {  	[simem:s6], [sflag:s4] =	dma.local [hbm:s3], $0xF7A  }
0x26: {  	[smem:$0x3F95] =	sst s1;
	(tag) =	ssettag s2;
	_ =	strace s9  }
0x27: {  	s1 =	sld [smem:$0x3FA5]  }
0x28: {  	s2 =	sld [smem:$0x3FA6]  }
0x29: {  	s4 =	sld [smem:$0x3FA8]  }
0x2a: {  	p0 =	seq.s32 s5, $0x0;
	s5 =	sld [smem:$0x3FA9]  }
0x2b: {  	s6 =	sld [smem:$0x3FAA]  }
0x2c: {  	s7 =	sld [smem:$0x3FAB]  }
0x2d: {  	s3 =	simm.s32 $0x108;
	s8 =	sld [smem:$0x3FAC]  }
0x2e: {  	s3 =	simm.s32 @!p0 $0x1082;
	s9 =	sld [smem:$0x3FAD]  }
0x2f: {  	lr =	sadd.s32 s0, s3;
	s0 =	sld [smem:$0x3FA4]  }
0x30: {  	s3 =	sld [smem:$0x3FA7]  }
0x31: {  	[smem:$0x3FB0] =	sst s10  }
0x32: {  	s10 =	sld [smem:$0x3FAE];
	_ =	sdelay $0x3  }
0x33: {  	p0 =	seq.s32 s10, $0x1;
	s10 =	sld [smem:$0x3FB0];
	_ =	sdelay $0x3  }
0x34: {  	[smem:$0x3FB0] =	sst s10  }
0x35: {  	s10 =	sld [smem:$0x3FAF];
	_ =	sdelay $0x3  }
0x36: {  	p1 =	seq.s32 s10, $0x1;
	s10 =	sld [smem:$0x3FB0];
	_ =	sdelay $0x3  }
0x37: {  	[smem:$0x3FB0] =	sst s10  }
0x38: {  	s10 =	sld [smem:$0x3FB1]  }
0x39: {  	_ = 	snop;
	(pc) =	sbr.ind lr, $3  }
0x3a: {  	_ = 	snop  }
0x3b: {  	_ = 	snop  }
0x3c: {  	p2 =	seq.s32 s10, $0x1;
	s10 =	sld [smem:$0x3FB0]  }
0x3d: {  	_ =	shalt  }
0x3e: {  	_ =	shalt  }
0x3f: {  	_ =	shalt  }
0x40: {  	_ =	shalt  }
0x41: {  	_ =	shalt  }
0x42: {  	_ =	shalt  }
0x43: {  	_ =	shalt  }
0x44: {  	_ =	shalt  }
0x45: {  	_ =	shalt  }
0x46: {  	_ =	shalt  }
0x47: {  	_ =	shalt  }
0x48: {  	_ =	shalt  }
0x49: {  	_ =	shalt  }
0x4a: {  	_ =	shalt  }
0x4b: {  	_ =	shalt  }
0x4c: {  	_ =	shalt  }
0x4d: {  	_ =	shalt  }
0x4e: {  	_ =	shalt  }
0x4f: {  	_ =	shalt  }
0x50: {  	_ =	shalt  }
0x51: {  	_ =	shalt  }
0x52: {  	_ =	shalt  }
0x53: {  	_ =	shalt  }
0x54: {  	_ =	shalt  }
0x55: {  	_ =	shalt  }
0x56: {  	_ =	shalt  }
0x57: {  	_ =	shalt  }
0x58: {  	_ =	shalt  }
0x59: {  	_ =	shalt  }
0x5a: {  	_ =	shalt  }
0x5b: {  	_ =	shalt  }
0x5c: {  	_ =	shalt  }
0x5d: {  	_ =	shalt  }
0x5e: {  	_ =	shalt  }
0x5f: {  	_ =	shalt  }
0x60: {  	_ =	shalt  }
0x61: {  	_ =	shalt  }
0x62: {  	_ =	shalt  }
0x63: {  	_ =	shalt  }
0x64: {  	_ =	shalt  }
0x65: {  	_ =	shalt  }
0x66: {  	_ =	shalt  }
0x67: {  	_ =	shalt  }
0x68: {  	_ =	shalt  }
0x69: {  	_ =	shalt  }
0x6a: {  	_ =	shalt  }
0x6b: {  	_ =	shalt  }
0x6c: {  	_ =	shalt  }
0x6d: {  	_ =	shalt  }
0x6e: {  	_ =	shalt  }
0x6f: {  	_ =	shalt  }
0x70: {  	_ =	shalt  }
0x71: {  	_ =	shalt  }
0x72: {  	_ =	shalt  }
0x73: {  	_ =	shalt  }
0x74: {  	_ =	shalt  }
0x75: {  	_ =	shalt  }
0x76: {  	_ =	shalt  }
0x77: {  	_ =	shalt  }
0x78: {  	_ =	shalt  }
0x79: {  	_ =	shalt  }
0x7a: {  	_ =	shalt  }
0x7b: {  	_ =	shalt  }
0x7c: {  	_ =	shalt  }
0x7d: {  	_ =	shalt  }
0x7e: {  	_ =	shalt  }
0x7f: {  	_ =	shalt  }
0x80: {  	_ =	shalt  }
0x81: {  	_ =	shalt  }
0x82: {  	_ =	shalt  }
0x83: {  	_ =	shalt  }
0x84: {  	_ =	shalt  }
0x85: {  	_ =	shalt  }
0x86: {  	_ =	shalt  }
0x87: {  	_ =	shalt  }
.Lfunc_end0:
.L_simem_size_0:
called_computation.2_lowered:
.L_overlay_start_0:
0x88: {  	s2 =	sld [smem:$0x3FD9]  }
0x89: {  	s3 =	sld [smem:$0x3FFE];
	_ =	sdelay $0x1  }
0x8a: {  	s1 =	srdreg.scid  }
0x8b: {  	s0 =	sand.u32 $0x1, s1  }
0x8c: {  	s16 =	sshll.u32 s0, $0xA;
	s2 =	sadd.s32 s3, s2  }
0x8d: {  	s2 =	sadd.s32 s2, s16  }
0x8e: {  	[smem:$0x3FBC] =	sst s2  }
0x8f: {  	_ = 	snop  }
0x90: {  	(tm) =	ssettm $0x1  }
0x91: {  	s17 =	sld [smem:$0x3FFB];
	_ =	sdelay $0x3  }
0x92: {  	_ =	strace s17  }
0x93: {  	s2 =	sld [smem:$0x3FFC];
	_ =	sdelay $0x3  }
0x94: {  	_ =	strace s2  }
0x95: {  	s2 =	sld [smem:$0x3FFD];
	_ =	sdelay $0x3  }
0x96: {  	_ =	strace s2  }
0x97: {  	_ =	strace $0x8FFFFFFF  }
0x98: {  	s18 =	sld [smem:$0x3FDB];
	_ =	sdelay $0x1  }
0x99: {  	s19 =	simm.s32 $_scs_section_size  }
0x9a: {  	s4 =	simm.s32 $_size__tile_overlayer_lowered;
	s5 =	simm.s32 $_tile_overlayer_lowered  }
0x9b: {  	s22 =	simm.s32 $0x1BFF;
	s21 =	sshll.u32 s5, $0x1;
	s2 =	sadd.s32 s19, s18  }
0x9c: {  	s6 =	simm.s32 $0x0;
	s20 =	sshll.u32 s4, $0x1;
	s4 =	sadd.s32 s21, s2  }
0x9d: {  	[timem:s6], [sflag:s22] =	dma.local [hbm:s4], s20  }
0x9e: {  	_ =	swait.ge [sflag:s22], s20  }
0x9f: {  	s3 =	ssub.s32 $0x0, s20;
	[sflag:s22] =	ssyncset.done $0x0  }
0xa0: {  	[sflag:s22] =	ssyncadd.s32 s3;
	_ =	sdelay $0x1  }
0xa1: {  	s23 =	simm.s32 $0x1B8B  }
0xa2: {  	_ =	swait.ge [sflag:s23], $0x1  }
0xa3: {  	[sflag:s23] =	ssyncset.done $0x0  }
0xa4: {  	s25 =	simm.s32 $0x1B8E;
	s24 =	sld [smem:$0x3FFE];
	[sflag:s23] =	ssyncadd.s32 $0xFFFFFFFF  }
0xa5: {  	s26 =	simm.s32 $execute0_lowered;
	[smem:$0x3FD2] =	sst s25  }
0xa6: {  	s4 =	sshll.u32 s26, $0x1;
	_ =	strace $0x8000004C;
	[dreg:$0x1] =	wrdreg $0xFFFFFFFF  }
0xa7: {  	s28 =	simm.s32 $_size_execute0_lowered;
	s2 =	sadd.s32 s2, s4;
	[dreg:$0x0] =	wrdreg $0x0  }
0xa8: {  	s4 =	sshll.u32 s28, $0x1;
	[dreg:$0x2] =	wrdreg s2  }
0xa9: {  	[dreg:$0x3] =	wrdreg s4  }
0xaa: {  	[dreg:$0x4] =	wrdreg $0xC0  }
0xab: {  	_ =	task [dreg:s6], $0x5FFFF  }
0xac: {  	[dreg:$0x1] =	wrdreg $0xFFFFFFFF  }
0xad: {  	[dreg:$0x0] =	wrdreg $0x60  }
0xae: {  	[dreg:$0x2] =	wrdreg s24  }
0xaf: {  	[dreg:$0x3] =	wrdreg $0xA8000  }
0xb0: {  	[dreg:$0x4] =	wrdreg $0x9  }
0xb1: {  	_ =	task.clear_ibuf [dreg:s6], $0x5FFFF;
	_ =	strace $0x9000004C  }
0xb2: {  	s29 =	simm.s32 $0x9;
	_ =	strace $0x8000004E  }
0xb3: {  	_ =	swait.ge [sflag:s29], $0x1  }
0xb4: {  	[sflag:s29] =	ssyncadd.s32 $0xFFFFFFFF  }
0xb5: {  	_ =	strace $0x9000004E  }
0xb6: {  	_ =	sfence  }
0xb7: {  	s30 =	sld [smem:$0x0];
	_ =	sdelay $0x2  }
0xb8: {  	s31 =	sshll.u32 s1, $0xD;
	s1 =	sshrl.u32 s1, $0x2  }
0xb9: {  	s3 =	sand.u32 $0x4000, s31;
	s1 =	sadd.s32 s1, s30  }
0xba: {  	s0 =	sor.u32 s3, s0;
	s1 =	sshll.u32 s1, $0x11  }
0xbb: {  	s0 =	sor.u32 s1, s0  }
0xbc: {  	s0 =	sadd.s32 $0x8F2B, s0  }
0xbd: {  	[sflag:s0] =	ssyncadd.remote.s32 $0x1  }
0xbe: {  	_ =	sfence.sel $0xFFFF  }
0xbf: {  	[dreg:$0x0] =	wrdreg $0xFFFFFFFF;
	(pc) =	sbr.abs _section_cstart, $3  }
0xc0: {  	[dreg:$0x1] =	wrdreg $0xFFFFFFFF  }
0xc1: {  	_ =	task.clear_ibuf [dreg:s6], $0x2FFFF;
	_ =	strace $0x9FFFFFFF  }
0xc2: {  	(tm) =	ssettm $0x7FFFFFFF  }
0xc3: {  	_ =	shalt  }
tec
execute0_lowered:
.L_overlay_start_1:
0x0: {  	(tag) =	ssettag $0x1  }
0x1: {  	s0 =	rddreg [dreg:$0x0]  }
0x2: {  	s1 =	srdreg.scid;
	s9 =	stileid.u32  }
0x3: {  	s2 =	rddreg [dreg:$0x1];
	s7 =	smul.u32 $0x50000, s9  }
0x4: {  	s4 =	simm.s32 $0x0;
	s30 =	simm.s32 $0x2800;
	s1 =	sand.u32 $0x1, s1  }
0x5: {  	s3 =	smul.u32 $0x280, s9;
	[smem:$0x7FF] =	sst s4;
	s7 =	sshrl.u32 s7, $0x2  }
0x6: {  	s4 =	sadd.s32 $0x38400, s0;
	s6 =	sadd.s32 $0x10400, s0;
	s7 =	sadd.s32 s7, s2  }
0x7: {  	s5 =	smul.u32 $0x2800, s1;
	_ =	strace $0x8000004D;
	s11 =	sadd.s32 $0x2000, s7  }
0x8: {  	s29 =	ssub.s32 $0x2, s1;
	s13 =	sadd.s32 $0x4000, s7;
	[dreg:$0x5] =	wrdreg s11  }
0x9: {  	s1 =	sshll.u32 s1, $0x4;
	s15 =	sadd.s32 $0x6000, s7;
	[dreg:$0x7] =	wrdreg s13  }
0xa: {  	s8 =	sshrl.u32 s29, $0x1;
	s17 =	sadd.s32 $0x8000, s7;
	[dreg:$0x9] =	wrdreg s15  }
0xb: {  	s3 =	sadd.s32 s5, s3;
	s19 =	sadd.s32 $0xA000, s7;
	[dreg:$0xb] =	wrdreg s17  }
0xc: {  	s5 =	sadd.s32 $0x24400, s0;
	s21 =	sadd.s32 $0xC000, s7;
	[dreg:$0xd] =	wrdreg s19  }
0xd: {  	s3 =	sshll.u32 s3, $0x4;
	s25 =	sadd.s32 $0xE000, s7;
	[dreg:$0xf] =	wrdreg s21  }
0xe: {  	s26 =	sadd.s32 $0x10000, s7;
	s0 =	sadd.s32 s3, s0;
	[dreg:$0x14] =	wrdreg s25  }
0xf: {  	s3 =	ssub.s32 s29, s8;
	[dreg:$0x15] =	wrdreg s26;
	s29 =	sadd.s32 $0x12000, s7  }
0x10: {  	s1 =	sor.u32 s9, s1;
	s9 =	smax.u32 s3, $0x1;
	[dreg:$0x16] =	wrdreg s29  }
0x11: {  	s31 =	simm.s32 $0x9;
	s10 =	sadd.s32 $0x60400, s0;
	[dreg:$0x3] =	wrdreg s9  }
0x12: {  	s28 =	simm.s32 $0x8;
	s12 =	sadd.s32 $0x60800, s0;
	[dreg:$0x4] =	wrdreg s10  }
0x13: {  	s8 =	smul.u32 $0x5000, s1;
	s14 =	sadd.s32 $0x60C00, s0;
	[dreg:$0x6] =	wrdreg s12  }
0x14: {  	s1 =	simm.s32 $0x1400;
	s16 =	sadd.s32 $0x61000, s0;
	[dreg:$0x8] =	wrdreg s14  }
0x15: {  	s11 =	simm.s32 $0x1;
	s18 =	sadd.s32 $0x61400, s0;
	[dreg:$0xa] =	wrdreg s16  }
0x16: {  	s13 =	simm.s32 $0x6800;
	s20 =	sadd.s32 $0x61800, s0;
	[dreg:$0xc] =	wrdreg s18  }
0x17: {  	s17 =	simm.s32 $0x8800;
	s22 =	sadd.s32 $0x61C00, s0;
	[dreg:$0xe] =	wrdreg s20  }
0x18: {  	s19 =	simm.s32 $0x1500;
	s23 =	sadd.s32 $0x62000, s0;
	[dreg:$0x10] =	wrdreg s22  }
0x19: {  	s21 =	simm.s32 $0x200;
	s24 =	sadd.s32 $0x62400, s0;
	[dreg:$0x11] =	wrdreg s23  }
.Ltmp0:
0x1a: {  	s0 =	sadd.s32 $0x62800, s0;
	[dreg:$0x12] =	wrdreg s24;
	(pc) =	sbr.rel .LBB2_1-.Ltmp0, $4  }
0x1b: {  	s25 =	simm.s32 $0x280;
	s26 =	simm.s32 $0x7;
	[dreg:$0x13] =	wrdreg s0  }
0x1c: {  	s0 =	simm.s32 $0x40;
	s10 =	simm.s32 $0x4800;
	s14 =	simm.s32 $0x2  }
0x1d: {  	s18 =	simm.s32 $0x3;
	s20 =	simm.s32 $0x5;
	s22 =	simm.s32 $0x4  }
0x1e: {  	v0 =	vimm.f32 $0.0e+00;
	s23 =	simm.s32 $0x1580;
	s24 =	simm.s32 $0x6;
	s9 =	simm.s32 $0x0  }
.LBB2_10:
0x1f: {  	[bflag:$0x0] =	sbarrier.arrive $0xFFFF  }
0x20: {  	[tilespmem:s30], [sflag:$0x9] =	stream.linear.gather [spmem:s7], $0x2000, $0x38;
	[tilespmem:$0x1E800] =	vst v63  }
0x21: {  	_ =	swait.ge [sflag:s31], $0x2000  }
0x22: {  	[sflag:s31] =	ssyncset.done $0x0  }
0x23: {  	s3 =	simm.s32 $0x0;
	s9 =	rddreg [dreg:$0x4];
	[sflag:s31] =	ssyncadd.s32 $0xFFFFE000  }
0x24: {  	[hbm4b:s9+s3] =	stream.linear.scatter [tilespmem:s30], [sflag:$0x9], $0x2000, $0x38;
	[tilespmem:$0x1E800] =	vst v63  }
0x25: {  	_ =	swait.ge [sflag:s31], $0x2000  }
0x26: {  	[sflag:s31] =	ssyncset.done $0x0  }
0x27: {  	s12 =	rddreg [dreg:$0x5];
	[sflag:s31] =	ssyncadd.s32 $0xFFFFE000  }
0x28: {  	[tilespmem:s30], [sflag:$0x9] =	stream.linear.gather [spmem:s12], $0x2000, $0x38;
	[tilespmem:$0x1E800] =	vst v63  }
0x29: {  	_ =	swait.ge [sflag:s31], $0x2000  }
0x2a: {  	[sflag:s31] =	ssyncset.done $0x0  }
0x2b: {  	s15 =	rddreg [dreg:$0x6];
	[sflag:s31] =	ssyncadd.s32 $0xFFFFE000  }
0x2c: {  	[hbm4b:s15+s3] =	stream.linear.scatter [tilespmem:s30], [sflag:$0x9], $0x2000, $0x38;
	[tilespmem:$0x1E800] =	vst v63  }
0x2d: {  	_ =	swait.ge [sflag:s31], $0x2000  }
0x2e: {  	[sflag:s31] =	ssyncset.done $0x0  }
0x2f: {  	s16 =	rddreg [dreg:$0x7];
	[sflag:s31] =	ssyncadd.s32 $0xFFFFE000  }
0x30: {  	[tilespmem:s30], [sflag:$0x9] =	stream.linear.gather [spmem:s16], $0x2000, $0x38;
	[tilespmem:$0x1E800] =	vst v63  }
0x31: {  	_ =	swait.ge [sflag:s31], $0x2000  }
0x32: {  	[sflag:s31] =	ssyncset.done $0x0  }
0x33: {  	s29 =	rddreg [dreg:$0x8];
	[sflag:s31] =	ssyncadd.s32 $0xFFFFE000  }
0x34: {  	[hbm4b:s29+s3] =	stream.linear.scatter [tilespmem:s30], [sflag:$0x9], $0x2000, $0x38;
	[tilespmem:$0x1E800] =	vst v63  }
0x35: {  	_ =	swait.ge [sflag:s31], $0x2000  }
0x36: {  	[sflag:s31] =	ssyncset.done $0x0  }
0x37: {  	s12 =	rddreg [dreg:$0x9];
	[sflag:s31] =	ssyncadd.s32 $0xFFFFE000  }
0x38: {  	[tilespmem:s30], [sflag:$0x9] =	stream.linear.gather [spmem:s12], $0x2000, $0x38;
	[tilespmem:$0x1E800] =	vst v63  }
0x39: {  	_ =	swait.ge [sflag:s31], $0x2000  }
0x3a: {  	[sflag:s31] =	ssyncset.done $0x0  }
0x3b: {  	s15 =	rddreg [dreg:$0xa];
	[sflag:s31] =	ssyncadd.s32 $0xFFFFE000  }
0x3c: {  	[hbm4b:s15+s3] =	stream.linear.scatter [tilespmem:s30], [sflag:$0x9], $0x2000, $0x38;
	[tilespmem:$0x1E800] =	vst v63  }
0x3d: {  	_ =	swait.ge [sflag:s31], $0x2000  }
0x3e: {  	[sflag:s31] =	ssyncset.done $0x0  }
0x3f: {  	s16 =	rddreg [dreg:$0xb];
	[sflag:s31] =	ssyncadd.s32 $0xFFFFE000  }
0x40: {  	[tilespmem:s30], [sflag:$0x9] =	stream.linear.gather [spmem:s16], $0x2000, $0x38;
	[tilespmem:$0x1E800] =	vst v63  }
0x41: {  	_ =	swait.ge [sflag:s31], $0x2000  }
0x42: {  	[sflag:s31] =	ssyncset.done $0x0  }
0x43: {  	s29 =	rddreg [dreg:$0xc];
	[sflag:s31] =	ssyncadd.s32 $0xFFFFE000  }
0x44: {  	[hbm4b:s29+s3] =	stream.linear.scatter [tilespmem:s30], [sflag:$0x9], $0x2000, $0x38;
	[tilespmem:$0x1E800] =	vst v63  }
0x45: {  	_ =	swait.ge [sflag:s31], $0x2000  }
0x46: {  	[sflag:s31] =	ssyncset.done $0x0  }
0x47: {  	s12 =	rddreg [dreg:$0xd];
	[sflag:s31] =	ssyncadd.s32 $0xFFFFE000  }
0x48: {  	[tilespmem:s30], [sflag:$0x9] =	stream.linear.gather [spmem:s12], $0x2000, $0x38;
	[tilespmem:$0x1E800] =	vst v63  }
0x49: {  	_ =	swait.ge [sflag:s31], $0x2000  }
0x4a: {  	[sflag:s31] =	ssyncset.done $0x0  }
0x4b: {  	s15 =	rddreg [dreg:$0xe];
	[sflag:s31] =	ssyncadd.s32 $0xFFFFE000  }
0x4c: {  	[hbm4b:s15+s3] =	stream.linear.scatter [tilespmem:s30], [sflag:$0x9], $0x2000, $0x38;
	[tilespmem:$0x1E800] =	vst v63  }
0x4d: {  	_ =	swait.ge [sflag:s31], $0x2000  }
0x4e: {  	[sflag:s31] =	ssyncset.done $0x0  }
0x4f: {  	s16 =	rddreg [dreg:$0xf];
	[sflag:s31] =	ssyncadd.s32 $0xFFFFE000  }
0x50: {  	[tilespmem:s30], [sflag:$0x9] =	stream.linear.gather [spmem:s16], $0x2000, $0x38;
	[tilespmem:$0x1E800] =	vst v63  }
0x51: {  	_ =	swait.ge [sflag:s31], $0x2000  }
0x52: {  	[sflag:s31] =	ssyncset.done $0x0  }
0x53: {  	s29 =	rddreg [dreg:$0x10];
	[sflag:s31] =	ssyncadd.s32 $0xFFFFE000  }
0x54: {  	[hbm4b:s29+s3] =	stream.linear.scatter [tilespmem:s30], [sflag:$0x9], $0x2000, $0x38;
	[tilespmem:$0x1E800] =	vst v63  }
0x55: {  	_ =	swait.ge [sflag:s31], $0x2000  }
0x56: {  	[sflag:s31] =	ssyncset.done $0x0  }
0x57: {  	s12 =	rddreg [dreg:$0x14];
	[sflag:s31] =	ssyncadd.s32 $0xFFFFE000  }
0x58: {  	[tilespmem:s30], [sflag:$0x9] =	stream.linear.gather [spmem:s12], $0x2000, $0x38;
	[tilespmem:$0x1E800] =	vst v63  }
0x59: {  	_ =	swait.ge [sflag:s31], $0x2000  }
0x5a: {  	[sflag:s31] =	ssyncset.done $0x0  }
0x5b: {  	s15 =	rddreg [dreg:$0x11];
	[sflag:s31] =	ssyncadd.s32 $0xFFFFE000  }
0x5c: {  	[hbm4b:s15+s3] =	stream.linear.scatter [tilespmem:s30], [sflag:$0x9], $0x2000, $0x38;
	[tilespmem:$0x1E800] =	vst v63  }
0x5d: {  	_ =	swait.ge [sflag:s31], $0x2000  }
0x5e: {  	[sflag:s31] =	ssyncset.done $0x0  }
0x5f: {  	s16 =	rddreg [dreg:$0x15];
	[sflag:s31] =	ssyncadd.s32 $0xFFFFE000  }
0x60: {  	[tilespmem:s30], [sflag:$0x9] =	stream.linear.gather [spmem:s16], $0x2000, $0x38;
	[tilespmem:$0x1E800] =	vst v63  }
0x61: {  	_ =	swait.ge [sflag:s31], $0x2000  }
0x62: {  	[sflag:s31] =	ssyncset.done $0x0  }
0x63: {  	s29 =	rddreg [dreg:$0x12];
	[sflag:s31] =	ssyncadd.s32 $0xFFFFE000  }
0x64: {  	[hbm4b:s29+s3] =	stream.linear.scatter [tilespmem:s30], [sflag:$0x9], $0x2000, $0x38;
	[tilespmem:$0x1E800] =	vst v63  }
0x65: {  	_ =	swait.ge [sflag:s31], $0x2000  }
0x66: {  	[sflag:s31] =	ssyncset.done $0x0  }
0x67: {  	s12 =	rddreg [dreg:$0x16];
	[sflag:s31] =	ssyncadd.s32 $0xFFFFE000  }
0x68: {  	[tilespmem:s30], [sflag:$0x9] =	stream.linear.gather [spmem:s12], $0x2000, $0x38;
	[tilespmem:$0x1E800] =	vst v63  }
0x69: {  	_ =	swait.ge [sflag:s31], $0x2000  }
0x6a: {  	[sflag:s31] =	ssyncset.done $0x0  }
0x6b: {  	s15 =	rddreg [dreg:$0x13];
	[sflag:s31] =	ssyncadd.s32 $0xFFFFE000  }
0x6c: {  	[hbm4b:s15+s3] =	stream.linear.scatter [tilespmem:s30], [sflag:$0x9], $0x2000, $0x38;
	[tilespmem:$0x1E800] =	vst v63  }
0x6d: {  	_ =	swait.ge [sflag:s31], $0x2000  }
0x6e: {  	s16 =	rddreg [dreg:$0x17]  }
0x6f: {  	s29 =	rddreg [dreg:$0x3];
	s9 =	sadd.s32 $0x1, s16  }
0x70: {  	p0 =	sne.s32 s9, s29  }
.Ltmp1:
0x71: {  	_ = 	snop;
	(pc) =	sbr.rel @!p0 .LBB2_11-.Ltmp1, $3  }
0x72: {  	_ =	sdelay $0x1  }
0x73: {  	[sflag:s31] =	ssyncset.done $0x0  }
0x74: {  	[sflag:s31] =	ssyncadd.s32 $0xFFFFE000  }
.LBB2_1:
0x75: {  	[dreg:$0x17] =	wrdreg s9;
	s3 =	simm.s32 $0x0;
	s9 =	simm.s32 $0x200  }
.LBB2_2:
0x76: {  	p0 =	sne.s32 s9, $0x1E00;
	[tilespmem:s3+$0x2870] =	vst v0  }
0x77: {  	[tilespmem:s3+$0x2800] =	vst v0  }
0x78: {  	[tilespmem:s3+$0x2810] =	vst v0  }
.Ltmp2:
0x79: {  	[tilespmem:s3+$0x2820] =	vst v0;
	(pc) =	sbr.rel @p0 .LBB2_2-.Ltmp2, $4  }
0x7a: {  	[tilespmem:s3+$0x2830] =	vst v0  }
0x7b: {  	[tilespmem:s3+$0x2840] =	vst v0  }
0x7c: {  	[tilespmem:s3+$0x2850] =	vst v0  }
0x7d: {  	[tilespmem:s3+$0x2860] =	vst v0;
	s3 =	sshra.s32 s9, $0x2;
	s9 =	sadd.s32 $0x200, s9  }
0x7e: {  	[tilespmem:s3+$0x2870] =	vst v0  }
0x7f: {  	[tilespmem:s3+$0x2800] =	vst v0  }
0x80: {  	[tilespmem:s3+$0x2810] =	vst v0  }
0x81: {  	[tilespmem:s3+$0x2820] =	vst v0  }
0x82: {  	[tilespmem:s3+$0x2830] =	vst v0  }
0x83: {  	[tilespmem:s3+$0x2840] =	vst v0  }
0x84: {  	[tilespmem:s3+$0x2850] =	vst v0  }
0x85: {  	[tilespmem:s3+$0x2860] =	vst v0;
	s29 =	sadd.s32 $0x0, s7  }
0x86: {  	[spmem:s29] =	stream.linear.scatter [tilespmem:s30], [sflag:$0x9], $0x800, $0x38;
	[tilespmem:$0x1E800] =	vst v63  }
0x87: {  	s3 =	simm.s32 $0x2000;
	_ =	swait.ge [sflag:s31], $0x800  }
.LBB2_4:
0x88: {  	s9 =	sshra.s32 s3, $0x2;
	[sflag:s31] =	ssyncset.done $0x0;
	p0 =	sne.s32 s3, $0x4E000  }
.Ltmp3:
0x89: {  	s9 =	sadd.s32 s9, s7;
	[sflag:s31] =	ssyncadd.s32 $0xFFFFF800;
	(pc) =	sbr.rel @p0 .LBB2_4-.Ltmp3, $3  }
0x8a: {  	[spmem:s9] =	stream.linear.scatter [tilespmem:s30], [sflag:$0x9], $0x800, $0x38;
	[tilespmem:$0x1E800] =	vst v63  }
0x8b: {  	s3 =	sadd.s32 $0x2000, s3;
	_ =	sdelay $0x1  }
0x8c: {  	_ =	swait.ge [sflag:s31], $0x800  }
.Ltmp4:
0x8d: {  	(pc) =	sbr.rel .LBB2_6-.Ltmp4, $4  }
0x8e: {  	[sflag:s31] =	ssyncset.done $0x0  }
0x8f: {  	[sflag:s31] =	ssyncadd.s32 $0xFFFFF800  }
0x90: {  	[bflag:$0x0] =	sbarrier.arrive $0xFFFF  }
0x91: {  	s3 =	simm.s32 $0x0;
	s29 =	simm.s32 $0x0  }
.LBB2_9:
0x92: {  	_ =	swait.ge [sflag:s22], $0x2000  }
0x93: {  	[sflag:s22] =	ssyncset.done $0x0  }
0x94: {  	[sflag:s22] =	ssyncadd.s32 $0xFFFFE000  }
0x95: {  	[spmem:s2] =	stream.indirect.scatter.add.f32 [tilespmem:s17], [sflag:$0x8], $0x80, s15, s0, $0xb8;
	[tilespmem:$0x1E800] =	vst v63  }
0x96: {  	_ =	swait.ge [sflag:s20], $0x2000  }
0x97: {  	[sflag:s20] =	ssyncset.done $0x0  }
0x98: {  	[sflag:s20] =	ssyncadd.s32 $0xFFFFE000  }
0x99: {  	_ =	swait.ge [sflag:s24], $0x2000  }
0x9a: {  	[sflag:s24] =	ssyncset.done $0x0  }
0x9b: {  	s29 =	sadd.s32 $0x1, s29;
	[sflag:s24] =	ssyncadd.s32 $0xFFFFE000  }
0x9c: {  	p0 =	sne.s32 s29, $0x4;
	_ =	swait.ge [sflag:s26], $0x2000  }
.Ltmp5:
0x9d: {  	[sflag:s26] =	ssyncset.done $0x0;
	(pc) =	sbr.rel @!p0 .LBB2_10-.Ltmp5, $4  }
0x9e: {  	[sflag:s26] =	ssyncadd.s32 $0xFFFFE000  }
0x9f: {  	_ =	swait.ge [sflag:s28], $0x2000  }
0xa0: {  	[sflag:s28] =	ssyncset.done $0x0  }
0xa1: {  	[sflag:s28] =	ssyncadd.s32 $0xFFFFE000  }
.LBB2_6:
0xa2: {  	s9 =	smul.u32 $0x1400, s29;
	_ =	sdelay $0x1  }
0xa3: {  	s9 =	sadd.s32 s8, s9  }
0xa4: {  	s9 =	sshrl.u32 s9, $0x3  }
0xa5: {  	s12 =	sadd.s32 s5, s9  }
0xa6: {  	[tilespmem:s3], [sflag:$0x9] =	stream.linear.gather [hbm4b:s12+s3], $0x1400, $0x38;
	[tilespmem:$0x1E800] =	vst v63  }
0xa7: {  	_ =	swait.ge [sflag:s31], $0x1400  }
0xa8: {  	[sflag:s31] =	ssyncset.done $0x0  }
0xa9: {  	s9 =	sadd.s32 s6, s9;
	[sflag:s31] =	ssyncadd.s32 $0xFFFFEC00  }
0xaa: {  	[tilespmem:s1], [sflag:$0x9] =	stream.linear.gather [hbm4b:s9+s3], $0x1400, $0x38;
	[tilespmem:$0x1E800] =	vst v63  }
0xab: {  	_ =	swait.ge [sflag:s31], $0x1400  }
0xac: {  	[sflag:s31] =	ssyncset.done $0x0  }
0xad: {  	[sflag:s31] =	ssyncadd.s32 $0xFFFFEC00  }
0xae: {  	[tilespmem:s30], [sflag:$0x1] =	stream.indirect.gather [hbm4b:s4+s0], $0x80, s3, s0, $0xb8;
	[tilespmem:$0x1E800] =	vst v63  }
0xaf: {  	s16 =	simm.s32 $0x80  }
0xb0: {  	[tilespmem:s10], [sflag:$0x2] =	stream.indirect.gather [hbm4b:s4+s0], $0x80, s16, s0, $0xb8;
	[tilespmem:$0x1E800] =	vst v63  }
0xb1: {  	_ =	swait.ge [sflag:s11], $0x2000  }
0xb2: {  	[sflag:s11] =	ssyncset.done $0x0  }
0xb3: {  	[sflag:s11] =	ssyncadd.s32 $0xFFFFE000  }
0xb4: {  	[spmem:s2] =	stream.indirect.scatter.add.f32 [tilespmem:s30], [sflag:$0x5], $0x80, s1, s0, $0xb8;
	[tilespmem:$0x1E800] =	vst v63  }
0xb5: {  	s12 =	simm.s32 $0x100  }
0xb6: {  	[tilespmem:s13], [sflag:$0x3] =	stream.indirect.gather [hbm4b:s4+s0], $0x80, s12, s0, $0xb8;
	[tilespmem:$0x1E800] =	vst v63  }
0xb7: {  	_ =	swait.ge [sflag:s14], $0x2000  }
0xb8: {  	[sflag:s14] =	ssyncset.done $0x0  }
0xb9: {  	s15 =	simm.s32 $0x1480;
	[sflag:s14] =	ssyncadd.s32 $0xFFFFE000  }
0xba: {  	[spmem:s2] =	stream.indirect.scatter.add.f32 [tilespmem:s10], [sflag:$0x6], $0x80, s15, s0, $0xb8;
	[tilespmem:$0x1E800] =	vst v63  }
0xbb: {  	s16 =	simm.s32 $0x180  }
0xbc: {  	[tilespmem:s17], [sflag:$0x4] =	stream.indirect.gather [hbm4b:s4+s0], $0x80, s16, s0, $0xb8;
	[tilespmem:$0x1E800] =	vst v63  }
0xbd: {  	_ =	swait.ge [sflag:s18], $0x2000  }
0xbe: {  	[sflag:s18] =	ssyncset.done $0x0  }
0xbf: {  	[sflag:s18] =	ssyncadd.s32 $0xFFFFE000  }
0xc0: {  	[spmem:s2] =	stream.indirect.scatter.add.f32 [tilespmem:s13], [sflag:$0x7], $0x80, s19, s0, $0xb8;
	[tilespmem:$0x1E800] =	vst v63  }
0xc1: {  	_ =	swait.ge [sflag:s20], $0x2000  }
0xc2: {  	[sflag:s20] =	ssyncset.done $0x0  }
0xc3: {  	[sflag:s20] =	ssyncadd.s32 $0xFFFFE000  }
0xc4: {  	[tilespmem:s30], [sflag:$0x1] =	stream.indirect.gather [hbm4b:s4+s0], $0x80, s21, s0, $0xb8;
	[tilespmem:$0x1E800] =	vst v63  }
0xc5: {  	_ =	swait.ge [sflag:s22], $0x2000  }
0xc6: {  	[sflag:s22] =	ssyncset.done $0x0  }
0xc7: {  	[sflag:s22] =	ssyncadd.s32 $0xFFFFE000  }
0xc8: {  	[spmem:s2] =	stream.indirect.scatter.add.f32 [tilespmem:s17], [sflag:$0x8], $0x80, s23, s0, $0xb8;
	[tilespmem:$0x1E800] =	vst v63  }
0xc9: {  	_ =	swait.ge [sflag:s24], $0x2000  }
0xca: {  	[sflag:s24] =	ssyncset.done $0x0  }
0xcb: {  	s9 =	simm.s32 $0x0;
	[sflag:s24] =	ssyncadd.s32 $0xFFFFE000  }
0xcc: {  	[tilespmem:s10], [sflag:$0x2] =	stream.indirect.gather [hbm4b:s4+s0], $0x80, s25, s0, $0xb8;
	[tilespmem:$0x1E800] =	vst v63  }
.LBB2_7:
0xcd: {  	_ =	swait.ge [sflag:s11], $0x2000  }
0xce: {  	s12 =	sshra.s32 s9, $0x2;
	[sflag:s11] =	ssyncset.done $0x0  }
0xcf: {  	s15 =	sadd.s32 $0x1600, s12;
	[sflag:s11] =	ssyncadd.s32 $0xFFFFE000  }
0xd0: {  	[spmem:s2] =	stream.indirect.scatter.add.f32 [tilespmem:s30], [sflag:$0x5], $0x80, s15, s0, $0xb8;
	[tilespmem:$0x1E800] =	vst v63  }
0xd1: {  	_ =	swait.ge [sflag:s26], $0x2000  }
0xd2: {  	[sflag:s26] =	ssyncset.done $0x0  }
0xd3: {  	s16 =	sadd.s32 $0x300, s12;
	[sflag:s26] =	ssyncadd.s32 $0xFFFFE000  }
0xd4: {  	[tilespmem:s13], [sflag:$0x3] =	stream.indirect.gather [hbm4b:s4+s0], $0x80, s16, s0, $0xb8;
	[tilespmem:$0x1E800] =	vst v63  }
0xd5: {  	_ =	swait.ge [sflag:s14], $0x2000  }
0xd6: {  	[sflag:s14] =	ssyncset.done $0x0  }
0xd7: {  	s16 =	sadd.s32 $0x1680, s12;
	[sflag:s14] =	ssyncadd.s32 $0xFFFFE000  }
0xd8: {  	[spmem:s2] =	stream.indirect.scatter.add.f32 [tilespmem:s10], [sflag:$0x6], $0x80, s16, s0, $0xb8;
	[tilespmem:$0x1E800] =	vst v63  }
0xd9: {  	_ =	swait.ge [sflag:s28], $0x2000  }
0xda: {  	[sflag:s28] =	ssyncset.done $0x0  }
0xdb: {  	p0 =	seq.s32 s9, $0x4000;
	s16 =	sadd.s32 $0x380, s12;
	[sflag:s28] =	ssyncadd.s32 $0xFFFFE000  }
0xdc: {  	[tilespmem:s17], [sflag:$0x4] =	stream.indirect.gather [hbm4b:s4+s0], $0x80, s16, s0, $0xb8;
	[tilespmem:$0x1E800] =	vst v63  }
.Ltmp6:
0xdd: {  	_ = 	snop;
	(pc) =	sbr.rel @p0 .LBB2_9-.Ltmp6, $4  }
0xde: {  	_ =	swait.ge [sflag:s18], $0x2000  }
0xdf: {  	[sflag:s18] =	ssyncset.done $0x0  }
0xe0: {  	s15 =	sadd.s32 $0x1780, s12;
	s16 =	sadd.s32 $0x1700, s12;
	[sflag:s18] =	ssyncadd.s32 $0xFFFFE000  }
0xe1: {  	[spmem:s2] =	stream.indirect.scatter.add.f32 [tilespmem:s13], [sflag:$0x7], $0x80, s16, s0, $0xb8;
	[tilespmem:$0x1E800] =	vst v63  }
0xe2: {  	_ =	swait.ge [sflag:s20], $0x2000  }
0xe3: {  	[sflag:s20] =	ssyncset.done $0x0  }
0xe4: {  	s16 =	sadd.s32 $0x400, s12;
	[sflag:s20] =	ssyncadd.s32 $0xFFFFE000  }
0xe5: {  	[tilespmem:s30], [sflag:$0x1] =	stream.indirect.gather [hbm4b:s4+s0], $0x80, s16, s0, $0xb8;
	[tilespmem:$0x1E800] =	vst v63  }
0xe6: {  	_ =	swait.ge [sflag:s22], $0x2000  }
0xe7: {  	[sflag:s22] =	ssyncset.done $0x0  }
0xe8: {  	[sflag:s22] =	ssyncadd.s32 $0xFFFFE000  }
0xe9: {  	[spmem:s2] =	stream.indirect.scatter.add.f32 [tilespmem:s17], [sflag:$0x8], $0x80, s15, s0, $0xb8;
	[tilespmem:$0x1E800] =	vst v63  }
.Ltmp7:
0xea: {  	_ = 	snop;
	(pc) =	sbr.rel .LBB2_7-.Ltmp7, $4  }
0xeb: {  	_ =	swait.ge [sflag:s24], $0x2000  }
0xec: {  	[sflag:s24] =	ssyncset.done $0x0  }
0xed: {  	s9 =	sadd.s32 $0x800, s9;
	s16 =	sadd.s32 $0x480, s12;
	[sflag:s24] =	ssyncadd.s32 $0xFFFFE000  }
0xee: {  	[tilespmem:s10], [sflag:$0x2] =	stream.indirect.gather [hbm4b:s4+s0], $0x80, s16, s0, $0xb8;
	[tilespmem:$0x1E800] =	vst v63  }
.LBB2_11:
0xef: {  	_ =	sfence.sel $0x180000  }
0xf0: {  	[bflag:$0x0] =	sbarrier.arrive $0xFFFF  }
0xf1: {  	_ =	strace $0x9000004D  }
0xf2: {  	s0 =	stileid.u32;
	[bflag:$0x2] =	sbarrier.arrive $0xFFFF  }
0xf3: {  	p0 =	sne.s32 s0, $0x0;
	s0 =	rddreg [dreg:$0x2]  }
0xf4: {  	s0 =	sadd.s32 @!p0 $0x100000, s0  }
0xf5: {  	[sflag:s0] =	ssyncadd.tile.s32 @!p0 $0x1;
	_ =	shalt  }
.Lfunc_end2:
_tile_overlayer_lowered:
.L_overlay_start_2:
0xf6: {  	(tag) =	ssettag $0x2  }
0xf7: {  	s0 =	rddreg [dreg:$0x0];
	s2 =	stileid.u32  }
0xf8: {  	s1 =	rddreg [dreg:$0x1];
	p0 =	sne.s32 s2, $0x0  }
0xf9: {  	s3 =	rddreg [dreg:$0x2];
	[bflag:$0x3] =	sbarrier.arrive $0xFFFF;
	s2 =	simm.s32 @!p0 $0x1C09  }
0xfa: {  	[timem:s3], [sflag:s2] =	dma.local @!p0 [hbm:s0], s1  }
0xfb: {  	s0 =	simm.s32 @!p0 $0x9  }
0xfc: {  	_ =	swait.ge @!p0 [sflag:s0], s1  }
0xfd: {  	s1 =	ssub.s32 @!p0 $0x0, s1;
	[sflag:s0] =	ssyncset.done @!p0 $0x0  }
0xfe: {  	[sflag:s0] =	ssyncadd.s32 @!p0 s1  }
0xff: {  	[bflag:$0x3] =	sbarrier.arrive $0xFFFF  }
0x100: {  	_ =	shalt  }

// kernel: kernel.21.cloned.1.call-start
scs
__scs_entry_jumppad:
0x0: {  	(pc) =	sbr.rel $0x88, $3  }
0x1: {  	(tag) =	ssettag $0x0;
	lr =	simm.s32 $0x1  }
0x2: {  	[smem:$0x3F95] =	sst lr;
	_ =	strace $0xD0000000  }
0x3: {  	_ = 	snop  }
0x4: {  	_ = 	snop  }
0x5: {  	_ = 	snop  }
0x6: {  	_ = 	snop  }
0x7: {  	_ = 	snop  }
__scs_overlays_trampoline_lowered:
0x8: {  	[smem:$0x3FA4] =	sst s0  }
0x9: {  	[smem:$0x3FA5] =	sst s1  }
0xa: {  	[smem:$0x3FA6] =	sst s2  }
0xb: {  	[smem:$0x3FA7] =	sst s3  }
0xc: {  	[smem:$0x3FA8] =	sst s4  }
0xd: {  	[smem:$0x3FA9] =	sst s5  }
0xe: {  	[smem:$0x3FAA] =	sst s6  }
0xf: {  	[smem:$0x3FAB] =	sst s7  }
0x10: {  	[smem:$0x3FAC] =	sst s8  }
0x11: {  	[smem:$0x3FAD] =	sst s9;
	s0 =	simm.s32 @!p0 $0x0  }
0x12: {  	s1 =	sld [smem:$0x3F93];
	s0 =	simm.s32 @p0 $0x1  }
0x13: {  	[smem:$0x3FAE] =	sst s0;
	s0 =	simm.s32 @!p1 $0x0  }
0x14: {  	s2 =	sld [smem:$0x3F92];
	s0 =	simm.s32 @p1 $0x1  }
0x15: {  	[smem:$0x3FAF] =	sst s0;
	s0 =	simm.s32 @!p2 $0x0  }
0x16: {  	s3 =	sld [smem:$0x3FDB];
	s0 =	simm.s32 @p2 $0x1  }
0x17: {  	s4 =	simm.s32 $0x1BF5;
	[smem:$0x3FB1] =	sst s0  }
0x18: {  	s0 =	sld [smem:$0x3F94];
	_ =	swait.ge [sflag:s4], $0x0  }
0x19: {  	s7 =	sld [smem:$0x3F95]  }
0x1a: {  	s8 =	sadd.s32 $0xFFFFE003, lr  }
0x1b: {  	s9 =	sadd.s32 $0xFFFFFEF7, lr;
	s5 =	simm.s32 $0xFFFFFFFF;
	p2 =	slt.u32 s8, $0xFFFFF086  }
0x1c: {  	p1 =	slt.u32 s9, $0xF7A;
	s5 =	simm.s32 @!p2 $0x0  }
0x1d: {  	s5 =	simm.s32 @p1 $0x1;
	p0 =	seq.s32 s7, s2  }
0x1e: {  	s7 =	smul.u32 @!p0 $0xF7A, s2;
	p2 =	seq.s32 @!p0 s5, $0x0  }
0x1f: {  	s9 =	smul.u32 $0xF7A, s1;
	s8 =	simm.s32 @!p0 $0x1BF5;
	p2 =	por !p2, p0  }
0x20: {  	[sflag:s8] =	ssyncset.s32 @!p0 $0xFFFFF086;
	s6 =	sadd.s32 @!p0 s3, s7;
	s7 =	simm.s32 @!p0 $0x108  }
0x21: {  	s3 =	sadd.s32 s3, s9;
	s6 =	sadd.s32 @!p0 $0x88, s6;
	s7 =	simm.s32 @p2 $0x1082  }
0x22: {  	[simem:s7], [sflag:s8] =	dma.local @!p0 [hbm:s6], $0xF7A  }
0x23: {  	s9 =	sor.u32 $0xD0000000, s2;
	s6 =	simm.s32 $0x108;
	_ =	swait.ge @!p0 [sflag:s8], $0x0  }
0x24: {  	s3 =	sadd.s32 $0x88, s3;
	s6 =	simm.s32 @!p1 $0x1082;
	[sflag:s4] =	ssyncset.s32 $0xFFFFF086  }
0x25: {  	[simem:s6], [sflag:s4] =	dma.local [hbm:s3], $0xF7A  }
0x26: {  	[smem:$0x3F95] =	sst s1;
	(tag) =	ssettag s2;
	_ =	strace s9  }
0x27: {  	s1 =	sld [smem:$0x3FA5]  }
0x28: {  	s2 =	sld [smem:$0x3FA6]  }
0x29: {  	s4 =	sld [smem:$0x3FA8]  }
0x2a: {  	p0 =	seq.s32 s5, $0x0;
	s5 =	sld [smem:$0x3FA9]  }
0x2b: {  	s6 =	sld [smem:$0x3FAA]  }
0x2c: {  	s7 =	sld [smem:$0x3FAB]  }
0x2d: {  	s3 =	simm.s32 $0x108;
	s8 =	sld [smem:$0x3FAC]  }
0x2e: {  	s3 =	simm.s32 @!p0 $0x1082;
	s9 =	sld [smem:$0x3FAD]  }
0x2f: {  	lr =	sadd.s32 s0, s3;
	s0 =	sld [smem:$0x3FA4]  }
0x30: {  	s3 =	sld [smem:$0x3FA7]  }
0x31: {  	[smem:$0x3FB0] =	sst s10  }
0x32: {  	s10 =	sld [smem:$0x3FAE];
	_ =	sdelay $0x3  }
0x33: {  	p0 =	seq.s32 s10, $0x1;
	s10 =	sld [smem:$0x3FB0];
	_ =	sdelay $0x3  }
0x34: {  	[smem:$0x3FB0] =	sst s10  }
0x35: {  	s10 =	sld [smem:$0x3FAF];
	_ =	sdelay $0x3  }
0x36: {  	p1 =	seq.s32 s10, $0x1;
	s10 =	sld [smem:$0x3FB0];
	_ =	sdelay $0x3  }
0x37: {  	[smem:$0x3FB0] =	sst s10  }
0x38: {  	s10 =	sld [smem:$0x3FB1]  }
0x39: {  	_ = 	snop;
	(pc) =	sbr.ind lr, $3  }
0x3a: {  	_ = 	snop  }
0x3b: {  	_ = 	snop  }
0x3c: {  	p2 =	seq.s32 s10, $0x1;
	s10 =	sld [smem:$0x3FB0]  }
0x3d: {  	_ =	shalt  }
0x3e: {  	_ =	shalt  }
0x3f: {  	_ =	shalt  }
0x40: {  	_ =	shalt  }
0x41: {  	_ =	shalt  }
0x42: {  	_ =	shalt  }
0x43: {  	_ =	shalt  }
0x44: {  	_ =	shalt  }
0x45: {  	_ =	shalt  }
0x46: {  	_ =	shalt  }
0x47: {  	_ =	shalt  }
0x48: {  	_ =	shalt  }
0x49: {  	_ =	shalt  }
0x4a: {  	_ =	shalt  }
0x4b: {  	_ =	shalt  }
0x4c: {  	_ =	shalt  }
0x4d: {  	_ =	shalt  }
0x4e: {  	_ =	shalt  }
0x4f: {  	_ =	shalt  }
0x50: {  	_ =	shalt  }
0x51: {  	_ =	shalt  }
0x52: {  	_ =	shalt  }
0x53: {  	_ =	shalt  }
0x54: {  	_ =	shalt  }
0x55: {  	_ =	shalt  }
0x56: {  	_ =	shalt  }
0x57: {  	_ =	shalt  }
0x58: {  	_ =	shalt  }
0x59: {  	_ =	shalt  }
0x5a: {  	_ =	shalt  }
0x5b: {  	_ =	shalt  }
0x5c: {  	_ =	shalt  }
0x5d: {  	_ =	shalt  }
0x5e: {  	_ =	shalt  }
0x5f: {  	_ =	shalt  }
0x60: {  	_ =	shalt  }
0x61: {  	_ =	shalt  }
0x62: {  	_ =	shalt  }
0x63: {  	_ =	shalt  }
0x64: {  	_ =	shalt  }
0x65: {  	_ =	shalt  }
0x66: {  	_ =	shalt  }
0x67: {  	_ =	shalt  }
0x68: {  	_ =	shalt  }
0x69: {  	_ =	shalt  }
0x6a: {  	_ =	shalt  }
0x6b: {  	_ =	shalt  }
0x6c: {  	_ =	shalt  }
0x6d: {  	_ =	shalt  }
0x6e: {  	_ =	shalt  }
0x6f: {  	_ =	shalt  }
0x70: {  	_ =	shalt  }
0x71: {  	_ =	shalt  }
0x72: {  	_ =	shalt  }
0x73: {  	_ =	shalt  }
0x74: {  	_ =	shalt  }
0x75: {  	_ =	shalt  }
0x76: {  	_ =	shalt  }
0x77: {  	_ =	shalt  }
0x78: {  	_ =	shalt  }
0x79: {  	_ =	shalt  }
0x7a: {  	_ =	shalt  }
0x7b: {  	_ =	shalt  }
0x7c: {  	_ =	shalt  }
0x7d: {  	_ =	shalt  }
0x7e: {  	_ =	shalt  }
0x7f: {  	_ =	shalt  }
0x80: {  	_ =	shalt  }
0x81: {  	_ =	shalt  }
0x82: {  	_ =	shalt  }
0x83: {  	_ =	shalt  }
0x84: {  	_ =	shalt  }
0x85: {  	_ =	shalt  }
0x86: {  	_ =	shalt  }
0x87: {  	_ =	shalt  }
.Lfunc_end0:
.L_simem_size_0:
called_computation.3_lowered:
.L_overlay_start_0:
0x88: {  	s2 =	sld [smem:$0x3FD9]  }
0x89: {  	s3 =	sld [smem:$0x3FFE];
	_ =	sdelay $0x1  }
0x8a: {  	s1 =	srdreg.scid  }
0x8b: {  	s0 =	sand.u32 $0x1, s1  }
0x8c: {  	s16 =	sshll.u32 s0, $0xA;
	s2 =	sadd.s32 s3, s2  }
0x8d: {  	s2 =	sadd.s32 s2, s16  }
0x8e: {  	[smem:$0x3FBC] =	sst s2  }
0x8f: {  	_ = 	snop  }
0x90: {  	(tm) =	ssettm $0x1  }
0x91: {  	s17 =	sld [smem:$0x3FFB];
	_ =	sdelay $0x3  }
0x92: {  	_ =	strace s17  }
0x93: {  	s2 =	sld [smem:$0x3FFC];
	_ =	sdelay $0x3  }
0x94: {  	_ =	strace s2  }
0x95: {  	s2 =	sld [smem:$0x3FFD];
	_ =	sdelay $0x3  }
0x96: {  	_ =	strace s2  }
0x97: {  	_ =	strace $0x8FFFFFFF  }
0x98: {  	s18 =	sld [smem:$0x3FDB];
	_ =	sdelay $0x1  }
0x99: {  	s19 =	simm.s32 $_scs_section_size  }
0x9a: {  	s4 =	simm.s32 $_size__tile_overlayer_lowered;
	s5 =	simm.s32 $_tile_overlayer_lowered  }
0x9b: {  	s22 =	simm.s32 $0x1BFF;
	s21 =	sshll.u32 s5, $0x1;
	s2 =	sadd.s32 s19, s18  }
0x9c: {  	s6 =	simm.s32 $0x0;
	s20 =	sshll.u32 s4, $0x1;
	s4 =	sadd.s32 s21, s2  }
0x9d: {  	[timem:s6], [sflag:s22] =	dma.local [hbm:s4], s20  }
0x9e: {  	_ =	swait.ge [sflag:s22], s20  }
0x9f: {  	s3 =	ssub.s32 $0x0, s20;
	[sflag:s22] =	ssyncset.done $0x0  }
0xa0: {  	[sflag:s22] =	ssyncadd.s32 s3;
	_ =	sdelay $0x1  }
0xa1: {  	s23 =	simm.s32 $0x1B8B  }
0xa2: {  	_ =	swait.ge [sflag:s23], $0x1  }
0xa3: {  	[sflag:s23] =	ssyncset.done $0x0  }
0xa4: {  	s25 =	simm.s32 $0x1B8E;
	s24 =	sld [smem:$0x3FFE];
	[sflag:s23] =	ssyncadd.s32 $0xFFFFFFFF  }
0xa5: {  	s26 =	simm.s32 $execute0_lowered;
	[smem:$0x3FD2] =	sst s25  }
0xa6: {  	s4 =	sshll.u32 s26, $0x1;
	_ =	strace $0x8000004F;
	[dreg:$0x1] =	wrdreg $0xFFFFFFFF  }
0xa7: {  	s28 =	simm.s32 $_size_execute0_lowered;
	s2 =	sadd.s32 s2, s4;
	[dreg:$0x0] =	wrdreg $0x0  }
0xa8: {  	s4 =	sshll.u32 s28, $0x1;
	[dreg:$0x2] =	wrdreg s2  }
0xa9: {  	[dreg:$0x3] =	wrdreg s4  }
0xaa: {  	[dreg:$0x4] =	wrdreg $0xC0  }
0xab: {  	_ =	task [dreg:s6], $0x5FFFF  }
0xac: {  	[dreg:$0x1] =	wrdreg $0xFFFFFFFF  }
0xad: {  	[dreg:$0x0] =	wrdreg $0x60  }
0xae: {  	[dreg:$0x2] =	wrdreg s24  }
0xaf: {  	[dreg:$0x3] =	wrdreg $0x2C000  }
0xb0: {  	[dreg:$0x4] =	wrdreg $0x9  }
0xb1: {  	_ =	task.clear_ibuf [dreg:s6], $0x5FFFF;
	_ =	strace $0x9000004F  }
0xb2: {  	s29 =	simm.s32 $0x9;
	_ =	strace $0x80000051  }
0xb3: {  	_ =	swait.ge [sflag:s29], $0x1  }
0xb4: {  	[sflag:s29] =	ssyncadd.s32 $0xFFFFFFFF  }
0xb5: {  	_ =	strace $0x90000051  }
0xb6: {  	_ =	sfence  }
0xb7: {  	s30 =	sld [smem:$0x0];
	_ =	sdelay $0x2  }
0xb8: {  	s31 =	sshll.u32 s1, $0xD;
	s1 =	sshrl.u32 s1, $0x2  }
0xb9: {  	s3 =	sand.u32 $0x4000, s31;
	s1 =	sadd.s32 s1, s30  }
0xba: {  	s0 =	sor.u32 s3, s0;
	s1 =	sshll.u32 s1, $0x11  }
0xbb: {  	s0 =	sor.u32 s1, s0  }
0xbc: {  	s0 =	sadd.s32 $0x8F2B, s0  }
0xbd: {  	[sflag:s0] =	ssyncadd.remote.s32 $0x1  }
0xbe: {  	_ =	sfence.sel $0xFFFF  }
0xbf: {  	[dreg:$0x0] =	wrdreg $0xFFFFFFFF;
	(pc) =	sbr.abs _section_cstart, $3  }
0xc0: {  	[dreg:$0x1] =	wrdreg $0xFFFFFFFF  }
0xc1: {  	_ =	task.clear_ibuf [dreg:s6], $0x2FFFF;
	_ =	strace $0x9FFFFFFF  }
0xc2: {  	(tm) =	ssettm $0x7FFFFFFF  }
0xc3: {  	_ =	shalt  }
tec
execute0_lowered:
.L_overlay_start_1:
0x0: {  	(tag) =	ssettag $0x1  }
0x1: {  	s5 =	rddreg [dreg:$0x0]  }
0x2: {  	s0 =	srdreg.scid;
	s2 =	rddreg [dreg:$0x1];
	s3 =	simm.s32 $0x0  }
0x3: {  	s14 =	simm.s32 $0x2400;
	s15 =	simm.s32 $0x1;
	s16 =	simm.s32 $0x400  }
0x4: {  	s17 =	simm.s32 $0x40;
	s18 =	simm.s32 $0x80;
	s19 =	simm.s32 $0x100  }
0x5: {  	s20 =	simm.s32 $0x180;
	s21 =	simm.s32 $0x200;
	s22 =	simm.s32 $0x0  }
0x6: {  	s4 =	sand.u32 $0x1, s0;
	s0 =	stileid.u32;
	[smem:$0x7FF] =	sst s3  }
0x7: {  	s1 =	sshll.u32 s4, $0x4;
	s29 =	sshll.u32 s0, $0x9;
	s30 =	ssub.s32 $0x2, s4  }
0x8: {  	s9 =	sshll.u32 s0, $0xC;
	s10 =	sshll.u32 s4, $0xD;
	s6 =	sor.u32 s0, s1  }
0x9: {  	s1 =	rddreg [dreg:$0x2];
	_ =	strace $0x80000050;
	s7 =	smul.u32 $0xA000, s6  }
0xa: {  	s8 =	sshrl.u32 s30, $0x1;
	s4 =	sadd.s32 s9, s2;
	s6 =	sshll.u32 s6, $0x7  }
0xb: {  	s8 =	ssub.s32 s30, s8;
	s9 =	sadd.s32 $0x800, s4;
	s7 =	sshrl.u32 s7, $0x3  }
0xc: {  	s6 =	sadd.s32 s6, s5;
	s13 =	sadd.s32 s7, s5;
	s5 =	sadd.s32 s29, s5  }
0xd: {  	s8 =	smax.u32 s8, $0x1;
	s31 =	sadd.s32 s10, s5;
	s5 =	sadd.s32 $0x4A00, s6  }
0xe: {  	s7 =	sadd.s32 $0x5A00, s13;
	s10 =	sadd.s32 $0x5E00, s13;
	s11 =	sadd.s32 $0x6200, s13  }
0xf: {  	v0 =	vimm.f32 $0.0e+00;
	s12 =	sadd.s32 $0x6600, s13;
	s13 =	sadd.s32 $0x6A00, s13;
	s6 =	sadd.s32 $0x2DA00, s31  }
.LBB2_1:
0x10: {  	s23 =	simm.s32 $0x0;
	s24 =	simm.s32 $0x200  }
.LBB2_2:
0x11: {  	p0 =	sne.s32 s24, $0x1E00;
	[tilespmem:s23+$0x2470] =	vst v0  }
0x12: {  	[tilespmem:s23+$0x2400] =	vst v0  }
0x13: {  	[tilespmem:s23+$0x2410] =	vst v0  }
.Ltmp0:
0x14: {  	[tilespmem:s23+$0x2420] =	vst v0;
	(pc) =	sbr.rel @p0 .LBB2_2-.Ltmp0, $4  }
0x15: {  	[tilespmem:s23+$0x2430] =	vst v0  }
0x16: {  	[tilespmem:s23+$0x2440] =	vst v0  }
0x17: {  	[tilespmem:s23+$0x2450] =	vst v0  }
0x18: {  	[tilespmem:s23+$0x2460] =	vst v0;
	s23 =	sshra.s32 s24, $0x2;
	s24 =	sadd.s32 $0x200, s24  }
0x19: {  	[tilespmem:s23+$0x2470] =	vst v0  }
0x1a: {  	[tilespmem:s23+$0x2400] =	vst v0  }
0x1b: {  	[tilespmem:s23+$0x2410] =	vst v0  }
0x1c: {  	[tilespmem:s23+$0x2420] =	vst v0  }
0x1d: {  	[tilespmem:s23+$0x2430] =	vst v0  }
0x1e: {  	[tilespmem:s23+$0x2440] =	vst v0  }
0x1f: {  	[tilespmem:s23+$0x2450] =	vst v0  }
0x20: {  	[tilespmem:s23+$0x2460] =	vst v0  }
0x21: {  	[spmem:s4] =	stream.linear.scatter [tilespmem:s14], [sflag:$0x1], $0x800, $0x38;
	[tilespmem:$0x3C00] =	vst v63  }
0x22: {  	_ =	swait.ge [sflag:s15], $0x800  }
0x23: {  	[sflag:s15] =	ssyncset.done $0x0  }
0x24: {  	[sflag:s15] =	ssyncadd.s32 $0xFFFFF800  }
0x25: {  	[spmem:s9] =	stream.linear.scatter [tilespmem:s14], [sflag:$0x1], $0x800, $0x38;
	[tilespmem:$0x3C00] =	vst v63  }
0x26: {  	_ =	swait.ge [sflag:s15], $0x800  }
0x27: {  	[sflag:s15] =	ssyncset.done $0x0  }
0x28: {  	[sflag:s15] =	ssyncadd.s32 $0xFFFFF800  }
0x29: {  	[bflag:$0x0] =	sbarrier.arrive $0xFFFF  }
0x2a: {  	[tilespmem:s3], [sflag:$0x1] =	stream.linear.gather [hbm4b:s5+s3], $0x280, $0x38;
	[tilespmem:$0x3C00] =	vst v63  }
0x2b: {  	_ =	swait.ge [sflag:s15], $0x280  }
0x2c: {  	[sflag:s15] =	ssyncset.done $0x0  }
0x2d: {  	[sflag:s15] =	ssyncadd.s32 $0xFFFFFD80  }
0x2e: {  	[tilespmem:s16], [sflag:$0x1] =	stream.linear.gather [hbm4b:s7+s3], $0x2000, $0x38;
	[tilespmem:$0x3C00] =	vst v63  }
0x2f: {  	_ =	swait.ge [sflag:s15], $0x2000  }
0x30: {  	[sflag:s15] =	ssyncset.done $0x0  }
0x31: {  	[sflag:s15] =	ssyncadd.s32 $0xFFFFE000  }
0x32: {  	[spmem:s2] =	stream.indirect.scatter.add.f32 [tilespmem:s16], [sflag:$0x1], $0x80, s3, s17, $0xb8;
	[tilespmem:$0x3C00] =	vst v63  }
0x33: {  	_ =	swait.ge [sflag:s15], $0x2000  }
0x34: {  	[sflag:s15] =	ssyncset.done $0x0  }
0x35: {  	[sflag:s15] =	ssyncadd.s32 $0xFFFFE000  }
0x36: {  	[tilespmem:s16], [sflag:$0x1] =	stream.linear.gather [hbm4b:s10+s3], $0x2000, $0x38;
	[tilespmem:$0x3C00] =	vst v63  }
0x37: {  	_ =	swait.ge [sflag:s15], $0x2000  }
0x38: {  	[sflag:s15] =	ssyncset.done $0x0  }
0x39: {  	[sflag:s15] =	ssyncadd.s32 $0xFFFFE000  }
0x3a: {  	[spmem:s2] =	stream.indirect.scatter.add.f32 [tilespmem:s16], [sflag:$0x1], $0x80, s18, s17, $0xb8;
	[tilespmem:$0x3C00] =	vst v63  }
0x3b: {  	_ =	swait.ge [sflag:s15], $0x2000  }
0x3c: {  	[sflag:s15] =	ssyncset.done $0x0  }
0x3d: {  	[sflag:s15] =	ssyncadd.s32 $0xFFFFE000  }
0x3e: {  	[tilespmem:s16], [sflag:$0x1] =	stream.linear.gather [hbm4b:s11+s3], $0x2000, $0x38;
	[tilespmem:$0x3C00] =	vst v63  }
0x3f: {  	_ =	swait.ge [sflag:s15], $0x2000  }
0x40: {  	[sflag:s15] =	ssyncset.done $0x0  }
0x41: {  	[sflag:s15] =	ssyncadd.s32 $0xFFFFE000  }
0x42: {  	[spmem:s2] =	stream.indirect.scatter.add.f32 [tilespmem:s16], [sflag:$0x1], $0x80, s19, s17, $0xb8;
	[tilespmem:$0x3C00] =	vst v63  }
0x43: {  	_ =	swait.ge [sflag:s15], $0x2000  }
0x44: {  	[sflag:s15] =	ssyncset.done $0x0  }
0x45: {  	[sflag:s15] =	ssyncadd.s32 $0xFFFFE000  }
0x46: {  	[tilespmem:s16], [sflag:$0x1] =	stream.linear.gather [hbm4b:s12+s3], $0x2000, $0x38;
	[tilespmem:$0x3C00] =	vst v63  }
0x47: {  	_ =	swait.ge [sflag:s15], $0x2000  }
0x48: {  	[sflag:s15] =	ssyncset.done $0x0  }
0x49: {  	[sflag:s15] =	ssyncadd.s32 $0xFFFFE000  }
0x4a: {  	[spmem:s2] =	stream.indirect.scatter.add.f32 [tilespmem:s16], [sflag:$0x1], $0x80, s20, s17, $0xb8;
	[tilespmem:$0x3C00] =	vst v63  }
0x4b: {  	_ =	swait.ge [sflag:s15], $0x2000  }
0x4c: {  	[sflag:s15] =	ssyncset.done $0x0  }
0x4d: {  	[sflag:s15] =	ssyncadd.s32 $0xFFFFE000  }
0x4e: {  	[tilespmem:s16], [sflag:$0x1] =	stream.linear.gather [hbm4b:s13+s3], $0x2000, $0x38;
	[tilespmem:$0x3C00] =	vst v63  }
0x4f: {  	_ =	swait.ge [sflag:s15], $0x2000  }
0x50: {  	[sflag:s15] =	ssyncset.done $0x0  }
0x51: {  	[sflag:s15] =	ssyncadd.s32 $0xFFFFE000  }
0x52: {  	[spmem:s2] =	stream.indirect.scatter.add.f32 [tilespmem:s16], [sflag:$0x1], $0x80, s21, s17, $0xb8;
	[tilespmem:$0x3C00] =	vst v63  }
0x53: {  	_ =	swait.ge [sflag:s15], $0x2000  }
0x54: {  	[sflag:s15] =	ssyncset.done $0x0  }
0x55: {  	[sflag:s15] =	ssyncadd.s32 $0xFFFFE000  }
0x56: {  	[bflag:$0x0] =	sbarrier.arrive $0xFFFF  }
0x57: {  	[tilespmem:s16], [sflag:$0x1] =	stream.linear.gather [spmem:s4], $0x1000, $0x38;
	[tilespmem:$0x3C00] =	vst v63  }
0x58: {  	s22 =	sadd.s32 $0x1, s22;
	_ =	swait.ge [sflag:s15], $0x1000  }
0x59: {  	p0 =	sne.s32 s22, s8;
	[sflag:s15] =	ssyncset.done $0x0  }
.Ltmp1:
0x5a: {  	[sflag:s15] =	ssyncadd.s32 $0xFFFFF000;
	(pc) =	sbr.rel @p0 .LBB2_1-.Ltmp1, $4  }
0x5b: {  	[hbm4b:s6+s3] =	stream.linear.scatter [tilespmem:s16], [sflag:$0x1], $0x1000, $0x38;
	[tilespmem:$0x3C00] =	vst v63  }
0x5c: {  	_ =	swait.ge [sflag:s15], $0x1000  }
0x5d: {  	[sflag:s15] =	ssyncset.done $0x0  }
0x5e: {  	[sflag:s15] =	ssyncadd.s32 $0xFFFFF000  }
0x5f: {  	_ =	sfence.sel $0x180000  }
0x60: {  	[bflag:$0x0] =	sbarrier.arrive $0xFFFF  }
0x61: {  	p0 =	sne.s32 s0, $0x0;
	_ =	strace $0x90000050  }
0x62: {  	s0 =	sadd.s32 @!p0 $0x100000, s1;
	[bflag:$0x2] =	sbarrier.arrive $0xFFFF  }
0x63: {  	[sflag:s0] =	ssyncadd.tile.s32 @!p0 $0x1;
	_ =	shalt  }
.Lfunc_end2:
_tile_overlayer_lowered:
.L_overlay_start_2:
0x64: {  	(tag) =	ssettag $0x2  }
0x65: {  	s0 =	rddreg [dreg:$0x0];
	s2 =	stileid.u32  }
0x66: {  	s1 =	rddreg [dreg:$0x1];
	p0 =	sne.s32 s2, $0x0  }
0x67: {  	s3 =	rddreg [dreg:$0x2];
	[bflag:$0x3] =	sbarrier.arrive $0xFFFF;
	s2 =	simm.s32 @!p0 $0x1C01  }
0x68: {  	[timem:s3], [sflag:s2] =	dma.local @!p0 [hbm:s0], s1  }
0x69: {  	s0 =	simm.s32 @!p0 $0x1  }
0x6a: {  	_ =	swait.ge @!p0 [sflag:s0], s1  }
0x6b: {  	s1 =	ssub.s32 @!p0 $0x0, s1;
	[sflag:s0] =	ssyncset.done @!p0 $0x0  }
0x6c: {  	[sflag:s0] =	ssyncadd.s32 @!p0 s1  }
0x6d: {  	[bflag:$0x3] =	sbarrier.arrive $0xFFFF  }
0x6e: {  	_ =	shalt  }

// kernel: kernel.24.cloned.1.call-start
scs
__scs_entry_jumppad:
0x0: {  	(pc) =	sbr.rel $0x88, $3  }
0x1: {  	(tag) =	ssettag $0x0;
	lr =	simm.s32 $0x1  }
0x2: {  	[smem:$0x3F95] =	sst lr;
	_ =	strace $0xD0000000  }
0x3: {  	_ = 	snop  }
0x4: {  	_ = 	snop  }
0x5: {  	_ = 	snop  }
0x6: {  	_ = 	snop  }
0x7: {  	_ = 	snop  }
__scs_overlays_trampoline_lowered:
0x8: {  	[smem:$0x3FA4] =	sst s0  }
0x9: {  	[smem:$0x3FA5] =	sst s1  }
0xa: {  	[smem:$0x3FA6] =	sst s2  }
0xb: {  	[smem:$0x3FA7] =	sst s3  }
0xc: {  	[smem:$0x3FA8] =	sst s4  }
0xd: {  	[smem:$0x3FA9] =	sst s5  }
0xe: {  	[smem:$0x3FAA] =	sst s6  }
0xf: {  	[smem:$0x3FAB] =	sst s7  }
0x10: {  	[smem:$0x3FAC] =	sst s8  }
0x11: {  	[smem:$0x3FAD] =	sst s9;
	s0 =	simm.s32 @!p0 $0x0  }
0x12: {  	s1 =	sld [smem:$0x3F93];
	s0 =	simm.s32 @p0 $0x1  }
0x13: {  	[smem:$0x3FAE] =	sst s0;
	s0 =	simm.s32 @!p1 $0x0  }
0x14: {  	s2 =	sld [smem:$0x3F92];
	s0 =	simm.s32 @p1 $0x1  }
0x15: {  	[smem:$0x3FAF] =	sst s0;
	s0 =	simm.s32 @!p2 $0x0  }
0x16: {  	s3 =	sld [smem:$0x3FDB];
	s0 =	simm.s32 @p2 $0x1  }
0x17: {  	s4 =	simm.s32 $0x1BF5;
	[smem:$0x3FB1] =	sst s0  }
0x18: {  	s0 =	sld [smem:$0x3F94];
	_ =	swait.ge [sflag:s4], $0x0  }
0x19: {  	s7 =	sld [smem:$0x3F95]  }
0x1a: {  	s8 =	sadd.s32 $0xFFFFE003, lr  }
0x1b: {  	s9 =	sadd.s32 $0xFFFFFEF7, lr;
	s5 =	simm.s32 $0xFFFFFFFF;
	p2 =	slt.u32 s8, $0xFFFFF086  }
0x1c: {  	p1 =	slt.u32 s9, $0xF7A;
	s5 =	simm.s32 @!p2 $0x0  }
0x1d: {  	s5 =	simm.s32 @p1 $0x1;
	p0 =	seq.s32 s7, s2  }
0x1e: {  	s7 =	smul.u32 @!p0 $0xF7A, s2;
	p2 =	seq.s32 @!p0 s5, $0x0  }
0x1f: {  	s9 =	smul.u32 $0xF7A, s1;
	s8 =	simm.s32 @!p0 $0x1BF5;
	p2 =	por !p2, p0  }
0x20: {  	[sflag:s8] =	ssyncset.s32 @!p0 $0xFFFFF086;
	s6 =	sadd.s32 @!p0 s3, s7;
	s7 =	simm.s32 @!p0 $0x108  }
0x21: {  	s3 =	sadd.s32 s3, s9;
	s6 =	sadd.s32 @!p0 $0x88, s6;
	s7 =	simm.s32 @p2 $0x1082  }
0x22: {  	[simem:s7], [sflag:s8] =	dma.local @!p0 [hbm:s6], $0xF7A  }
0x23: {  	s9 =	sor.u32 $0xD0000000, s2;
	s6 =	simm.s32 $0x108;
	_ =	swait.ge @!p0 [sflag:s8], $0x0  }
0x24: {  	s3 =	sadd.s32 $0x88, s3;
	s6 =	simm.s32 @!p1 $0x1082;
	[sflag:s4] =	ssyncset.s32 $0xFFFFF086  }
0x25: {  	[simem:s6], [sflag:s4] =	dma.local [hbm:s3], $0xF7A  }
0x26: {  	[smem:$0x3F95] =	sst s1;
	(tag) =	ssettag s2;
	_ =	strace s9  }
0x27: {  	s1 =	sld [smem:$0x3FA5]  }
0x28: {  	s2 =	sld [smem:$0x3FA6]  }
0x29: {  	s4 =	sld [smem:$0x3FA8]  }
0x2a: {  	p0 =	seq.s32 s5, $0x0;
	s5 =	sld [smem:$0x3FA9]  }
0x2b: {  	s6 =	sld [smem:$0x3FAA]  }
0x2c: {  	s7 =	sld [smem:$0x3FAB]  }
0x2d: {  	s3 =	simm.s32 $0x108;
	s8 =	sld [smem:$0x3FAC]  }
0x2e: {  	s3 =	simm.s32 @!p0 $0x1082;
	s9 =	sld [smem:$0x3FAD]  }
0x2f: {  	lr =	sadd.s32 s0, s3;
	s0 =	sld [smem:$0x3FA4]  }
0x30: {  	s3 =	sld [smem:$0x3FA7]  }
0x31: {  	[smem:$0x3FB0] =	sst s10  }
0x32: {  	s10 =	sld [smem:$0x3FAE];
	_ =	sdelay $0x3  }
0x33: {  	p0 =	seq.s32 s10, $0x1;
	s10 =	sld [smem:$0x3FB0];
	_ =	sdelay $0x3  }
0x34: {  	[smem:$0x3FB0] =	sst s10  }
0x35: {  	s10 =	sld [smem:$0x3FAF];
	_ =	sdelay $0x3  }
0x36: {  	p1 =	seq.s32 s10, $0x1;
	s10 =	sld [smem:$0x3FB0];
	_ =	sdelay $0x3  }
0x37: {  	[smem:$0x3FB0] =	sst s10  }
0x38: {  	s10 =	sld [smem:$0x3FB1]  }
0x39: {  	_ = 	snop;
	(pc) =	sbr.ind lr, $3  }
0x3a: {  	_ = 	snop  }
0x3b: {  	_ = 	snop  }
0x3c: {  	p2 =	seq.s32 s10, $0x1;
	s10 =	sld [smem:$0x3FB0]  }
0x3d: {  	_ =	shalt  }
0x3e: {  	_ =	shalt  }
0x3f: {  	_ =	shalt  }
0x40: {  	_ =	shalt  }
0x41: {  	_ =	shalt  }
0x42: {  	_ =	shalt  }
0x43: {  	_ =	shalt  }
0x44: {  	_ =	shalt  }
0x45: {  	_ =	shalt  }
0x46: {  	_ =	shalt  }
0x47: {  	_ =	shalt  }
0x48: {  	_ =	shalt  }
0x49: {  	_ =	shalt  }
0x4a: {  	_ =	shalt  }
0x4b: {  	_ =	shalt  }
0x4c: {  	_ =	shalt  }
0x4d: {  	_ =	shalt  }
0x4e: {  	_ =	shalt  }
0x4f: {  	_ =	shalt  }
0x50: {  	_ =	shalt  }
0x51: {  	_ =	shalt  }
0x52: {  	_ =	shalt  }
0x53: {  	_ =	shalt  }
0x54: {  	_ =	shalt  }
0x55: {  	_ =	shalt  }
0x56: {  	_ =	shalt  }
0x57: {  	_ =	shalt  }
0x58: {  	_ =	shalt  }
0x59: {  	_ =	shalt  }
0x5a: {  	_ =	shalt  }
0x5b: {  	_ =	shalt  }
0x5c: {  	_ =	shalt  }
0x5d: {  	_ =	shalt  }
0x5e: {  	_ =	shalt  }
0x5f: {  	_ =	shalt  }
0x60: {  	_ =	shalt  }
0x61: {  	_ =	shalt  }
0x62: {  	_ =	shalt  }
0x63: {  	_ =	shalt  }
0x64: {  	_ =	shalt  }
0x65: {  	_ =	shalt  }
0x66: {  	_ =	shalt  }
0x67: {  	_ =	shalt  }
0x68: {  	_ =	shalt  }
0x69: {  	_ =	shalt  }
0x6a: {  	_ =	shalt  }
0x6b: {  	_ =	shalt  }
0x6c: {  	_ =	shalt  }
0x6d: {  	_ =	shalt  }
0x6e: {  	_ =	shalt  }
0x6f: {  	_ =	shalt  }
0x70: {  	_ =	shalt  }
0x71: {  	_ =	shalt  }
0x72: {  	_ =	shalt  }
0x73: {  	_ =	shalt  }
0x74: {  	_ =	shalt  }
0x75: {  	_ =	shalt  }
0x76: {  	_ =	shalt  }
0x77: {  	_ =	shalt  }
0x78: {  	_ =	shalt  }
0x79: {  	_ =	shalt  }
0x7a: {  	_ =	shalt  }
0x7b: {  	_ =	shalt  }
0x7c: {  	_ =	shalt  }
0x7d: {  	_ =	shalt  }
0x7e: {  	_ =	shalt  }
0x7f: {  	_ =	shalt  }
0x80: {  	_ =	shalt  }
0x81: {  	_ =	shalt  }
0x82: {  	_ =	shalt  }
0x83: {  	_ =	shalt  }
0x84: {  	_ =	shalt  }
0x85: {  	_ =	shalt  }
0x86: {  	_ =	shalt  }
0x87: {  	_ =	shalt  }
.Lfunc_end0:
.L_simem_size_0:
called_computation.4_lowered:
.L_overlay_start_0:
0x88: {  	s2 =	sld [smem:$0x3FD9]  }
0x89: {  	s3 =	sld [smem:$0x3FFE];
	_ =	sdelay $0x1  }
0x8a: {  	s1 =	srdreg.scid  }
0x8b: {  	s0 =	sand.u32 $0x1, s1  }
0x8c: {  	s16 =	sshll.u32 s0, $0xA;
	s2 =	sadd.s32 s3, s2  }
0x8d: {  	s2 =	sadd.s32 s2, s16  }
0x8e: {  	[smem:$0x3FBC] =	sst s2  }
0x8f: {  	_ = 	snop  }
0x90: {  	(tm) =	ssettm $0x1  }
0x91: {  	s17 =	sld [smem:$0x3FFB];
	_ =	sdelay $0x3  }
0x92: {  	_ =	strace s17  }
0x93: {  	s2 =	sld [smem:$0x3FFC];
	_ =	sdelay $0x3  }
0x94: {  	_ =	strace s2  }
0x95: {  	s2 =	sld [smem:$0x3FFD];
	_ =	sdelay $0x3  }
0x96: {  	_ =	strace s2  }
0x97: {  	_ =	strace $0x8FFFFFFF  }
0x98: {  	s18 =	sld [smem:$0x3FDB];
	_ =	sdelay $0x1  }
0x99: {  	s19 =	simm.s32 $_scs_section_size  }
0x9a: {  	s4 =	simm.s32 $_size__tile_overlayer_lowered;
	s5 =	simm.s32 $_tile_overlayer_lowered  }
0x9b: {  	s22 =	simm.s32 $0x1BFF;
	s21 =	sshll.u32 s5, $0x1;
	s2 =	sadd.s32 s19, s18  }
0x9c: {  	s6 =	simm.s32 $0x0;
	s20 =	sshll.u32 s4, $0x1;
	s4 =	sadd.s32 s21, s2  }
0x9d: {  	[timem:s6], [sflag:s22] =	dma.local [hbm:s4], s20  }
0x9e: {  	_ =	swait.ge [sflag:s22], s20  }
0x9f: {  	s3 =	ssub.s32 $0x0, s20;
	[sflag:s22] =	ssyncset.done $0x0  }
0xa0: {  	[sflag:s22] =	ssyncadd.s32 s3;
	_ =	sdelay $0x1  }
0xa1: {  	s23 =	simm.s32 $0x1B8B  }
0xa2: {  	_ =	swait.ge [sflag:s23], $0x1  }
0xa3: {  	[sflag:s23] =	ssyncset.done $0x0  }
0xa4: {  	s25 =	simm.s32 $0x1B8E;
	s24 =	sld [smem:$0x3FFE];
	[sflag:s23] =	ssyncadd.s32 $0xFFFFFFFF  }
0xa5: {  	s26 =	simm.s32 $execute0_lowered;
	[smem:$0x3FD2] =	sst s25  }
0xa6: {  	s4 =	sshll.u32 s26, $0x1;
	_ =	strace $0x80000052;
	[dreg:$0x1] =	wrdreg $0xFFFFFFFF  }
0xa7: {  	s28 =	simm.s32 $_size_execute0_lowered;
	s2 =	sadd.s32 s2, s4;
	[dreg:$0x0] =	wrdreg $0x0  }
0xa8: {  	s4 =	sshll.u32 s28, $0x1;
	[dreg:$0x2] =	wrdreg s2  }
0xa9: {  	[dreg:$0x3] =	wrdreg s4  }
0xaa: {  	[dreg:$0x4] =	wrdreg $0xC0  }
0xab: {  	_ =	task [dreg:s6], $0x5FFFF  }
0xac: {  	[dreg:$0x1] =	wrdreg $0xFFFFFFFF  }
0xad: {  	[dreg:$0x0] =	wrdreg $0x60  }
0xae: {  	[dreg:$0x2] =	wrdreg s24  }
0xaf: {  	[dreg:$0x3] =	wrdreg $0x9  }
0xb0: {  	_ =	task.clear_ibuf [dreg:s6], $0x4FFFF;
	_ =	strace $0x90000052  }
0xb1: {  	s29 =	simm.s32 $0x9;
	_ =	strace $0x80000054  }
0xb2: {  	_ =	swait.ge [sflag:s29], $0x1  }
0xb3: {  	[sflag:s29] =	ssyncadd.s32 $0xFFFFFFFF  }
0xb4: {  	_ =	strace $0x90000054  }
0xb5: {  	_ =	sfence  }
0xb6: {  	s30 =	sld [smem:$0x0];
	_ =	sdelay $0x2  }
0xb7: {  	s31 =	sshll.u32 s1, $0xD;
	s1 =	sshrl.u32 s1, $0x2  }
0xb8: {  	s3 =	sand.u32 $0x4000, s31;
	s1 =	sadd.s32 s1, s30  }
0xb9: {  	s0 =	sor.u32 s3, s0;
	s1 =	sshll.u32 s1, $0x11  }
0xba: {  	s0 =	sor.u32 s1, s0  }
0xbb: {  	s0 =	sadd.s32 $0x8F2B, s0  }
0xbc: {  	[sflag:s0] =	ssyncadd.remote.s32 $0x1  }
0xbd: {  	_ =	sfence.sel $0xFFFF  }
0xbe: {  	[dreg:$0x0] =	wrdreg $0xFFFFFFFF;
	(pc) =	sbr.abs _section_cstart, $3  }
0xbf: {  	[dreg:$0x1] =	wrdreg $0xFFFFFFFF  }
0xc0: {  	_ =	task.clear_ibuf [dreg:s6], $0x2FFFF;
	_ =	strace $0x9FFFFFFF  }
0xc1: {  	(tm) =	ssettm $0x7FFFFFFF  }
tec
execute0_lowered:
.L_overlay_start_1:
0x0: {  	(tag) =	ssettag $0x1  }
0x1: {  	s5 =	rddreg [dreg:$0x0]  }
0x2: {  	s0 =	rddreg [dreg:$0x1];
	s3 =	srdreg.scid  }
0x3: {  	s2 =	simm.s32 $0x0;
	s1 =	stileid.u32;
	s9 =	simm.s32 $0x100  }
0x4: {  	s10 =	simm.s32 $0x900;
	s11 =	simm.s32 $0x1100;
	s12 =	simm.s32 $0x1900  }
0x5: {  	s13 =	simm.s32 $0x2100;
	s14 =	simm.s32 $0x2900;
	s15 =	simm.s32 $0x3100  }
0x6: {  	s16 =	simm.s32 $0x3900;
	s17 =	simm.s32 $0x4100;
	s18 =	simm.s32 $0x4900  }
0x7: {  	s19 =	simm.s32 $0x5100;
	s20 =	simm.s32 $0x5900;
	s21 =	simm.s32 $0x6100  }
0x8: {  	s22 =	simm.s32 $0x6900;
	s23 =	simm.s32 $0x7100;
	s24 =	simm.s32 $0x7900  }
0x9: {  	s25 =	simm.s32 $0x1;
	s26 =	simm.s32 $0x0;
	s4 =	sand.u32 $0x1, s3  }
0xa: {  	[smem:$0x7FF] =	sst s2;
	s6 =	sshll.u32 s1, $0x8;
	s3 =	sshll.u32 s4, $0xC  }
0xb: {  	_ =	strace $0x80000053;
	s31 =	ssub.s32 $0x2, s4;
	s3 =	sor.u32 s6, s3  }
0xc: {  	v2 =	vlaneseq.u32;
	s4 =	sadd.s32 $0x4A00, s5;
	s8 =	sshrl.u32 s31, $0x1;
	s7 =	sshrl.u32 s3, $0x3  }
0xd: {  	vm0 =	vmmov $0xffff;
	v1 =	vshrl.u32 v2, $0x3;
	s8 =	ssub.s32 s31, s8;
	s7 =	sadd.s32 s7, s5;
	s5 =	sadd.s32 $0x31E00, s5  }
0xe: {  	v0 =	vand.u32 $0x7, v2;
	v2 =	vor.u32 $0x8, v2;
	v1 =	vmul.u32 $0x8, v1;
	s6 =	sadd.s32 $0x31A00, s7;
	s7 =	smax.u32 s8, $0x1;
	s8 =	simm.s32 $0x2  }
.LBB2_1:
0xf: {  	[tilespmem:s2], [sflag:$0x2] =	stream.linear.gather [hbm4b:s6+s2], $0x100, $0x38;
	[tilespmem:$0x8100] =	vst v63  }
0x10: {  	_ =	swait.ge [sflag:s8], $0x100  }
0x11: {  	[sflag:s8] =	ssyncset.done $0x0  }
0x12: {  	p0 =	por $0x1, $0x1;
	s28 =	simm.s32 $0x0;
	[sflag:s8] =	ssyncadd.s32 $0xFFFFFF00  }
.LBB2_2:
0x13: {  	v3 =	vld [tilespmem:s28+$0x0];
	_ =	sdelay $0x4  }
0x14: {  	v4 =	vshll.u32 v3, $0x1  }
0x15: {  	v3 =	vand.u32 $0x7, v3;
	v4 =	vand.u32 $0xFFFFFFF0, v4  }
0x16: {  	v3 =	vor.u32 v3, v4  }
0x17: {  	v4 =	vperm.xlane v3, v0;
	_ =	sdelay $0x1  }
0x18: {  	v3 =	vperm.xlane v3, v2;
	v4 =	vadd.s32 v1, v4;
	_ =	sdelay $0x1  }
0x19: {  	v3 =	vadd.s32 v1, v3;
	_ =	sdelay $0x2  }
0x1a: {  	[tilespmem:s9], [sflag:$0x1] =	stream.indirect_vreg.gather [hbm4b:s4+s2], $0x80, v4, vm0, $0xb8;
	[tilespmem:$0x8100] =	vst v63  }
0x1b: {  	_ = 	snop  }
0x1c: {  	[tilespmem:s10], [sflag:$0x1] =	stream.indirect_vreg.gather [hbm4b:s4+s2], $0x80, v3, vm0, $0xb8;
	[tilespmem:$0x8100] =	vst v63  }
0x1d: {  	v3 =	vld [tilespmem:s28+$0x10];
	_ =	sdelay $0x4  }
0x1e: {  	v57 =	vshll.u32 v3, $0x1  }
0x1f: {  	v3 =	vand.u32 $0x7, v3;
	v4 =	vand.u32 $0xFFFFFFF0, v57  }
0x20: {  	v3 =	vor.u32 v3, v4  }
0x21: {  	v4 =	vperm.xlane v3, v0;
	_ =	sdelay $0x1  }
0x22: {  	v3 =	vperm.xlane v3, v2;
	v4 =	vadd.s32 v1, v4;
	_ =	sdelay $0x1  }
0x23: {  	v3 =	vadd.s32 v1, v3;
	_ =	sdelay $0x2  }
0x24: {  	[tilespmem:s11], [sflag:$0x1] =	stream.indirect_vreg.gather [hbm4b:s4+s2], $0x80, v4, vm0, $0xb8;
	[tilespmem:$0x8100] =	vst v63  }
0x25: {  	_ = 	snop  }
0x26: {  	[tilespmem:s12], [sflag:$0x1] =	stream.indirect_vreg.gather [hbm4b:s4+s2], $0x80, v3, vm0, $0xb8;
	[tilespmem:$0x8100] =	vst v63  }
0x27: {  	v3 =	vld [tilespmem:s28+$0x20];
	_ =	sdelay $0x4  }
0x28: {  	v58 =	vshll.u32 v3, $0x1  }
0x29: {  	v3 =	vand.u32 $0x7, v3;
	v4 =	vand.u32 $0xFFFFFFF0, v58  }
0x2a: {  	v3 =	vor.u32 v3, v4  }
0x2b: {  	v4 =	vperm.xlane v3, v0;
	_ =	sdelay $0x1  }
0x2c: {  	v3 =	vperm.xlane v3, v2;
	v4 =	vadd.s32 v1, v4;
	_ =	sdelay $0x1  }
0x2d: {  	v3 =	vadd.s32 v1, v3;
	_ =	sdelay $0x2  }
0x2e: {  	[tilespmem:s13], [sflag:$0x1] =	stream.indirect_vreg.gather [hbm4b:s4+s2], $0x80, v4, vm0, $0xb8;
	[tilespmem:$0x8100] =	vst v63  }
0x2f: {  	_ = 	snop  }
0x30: {  	[tilespmem:s14], [sflag:$0x1] =	stream.indirect_vreg.gather [hbm4b:s4+s2], $0x80, v3, vm0, $0xb8;
	[tilespmem:$0x8100] =	vst v63  }
0x31: {  	v3 =	vld [tilespmem:s28+$0x30];
	_ =	sdelay $0x4  }
0x32: {  	v59 =	vshll.u32 v3, $0x1  }
0x33: {  	v3 =	vand.u32 $0x7, v3;
	v4 =	vand.u32 $0xFFFFFFF0, v59  }
0x34: {  	v3 =	vor.u32 v3, v4  }
0x35: {  	v4 =	vperm.xlane v3, v0;
	_ =	sdelay $0x1  }
0x36: {  	v3 =	vperm.xlane v3, v2;
	v4 =	vadd.s32 v1, v4;
	_ =	sdelay $0x1  }
0x37: {  	v3 =	vadd.s32 v1, v3;
	_ =	sdelay $0x2  }
0x38: {  	[tilespmem:s15], [sflag:$0x1] =	stream.indirect_vreg.gather [hbm4b:s4+s2], $0x80, v4, vm0, $0xb8;
	[tilespmem:$0x8100] =	vst v63  }
0x39: {  	_ = 	snop  }
0x3a: {  	[tilespmem:s16], [sflag:$0x1] =	stream.indirect_vreg.gather [hbm4b:s4+s2], $0x80, v3, vm0, $0xb8;
	[tilespmem:$0x8100] =	vst v63  }
0x3b: {  	v3 =	vld [tilespmem:s28+$0x40];
	_ =	sdelay $0x4  }
0x3c: {  	v60 =	vshll.u32 v3, $0x1  }
0x3d: {  	v3 =	vand.u32 $0x7, v3;
	v4 =	vand.u32 $0xFFFFFFF0, v60  }
0x3e: {  	v3 =	vor.u32 v3, v4  }
0x3f: {  	v4 =	vperm.xlane v3, v0;
	_ =	sdelay $0x1  }
0x40: {  	v3 =	vperm.xlane v3, v2;
	v4 =	vadd.s32 v1, v4;
	_ =	sdelay $0x1  }
0x41: {  	v3 =	vadd.s32 v1, v3;
	_ =	sdelay $0x2  }
0x42: {  	[tilespmem:s17], [sflag:$0x1] =	stream.indirect_vreg.gather [hbm4b:s4+s2], $0x80, v4, vm0, $0xb8;
	[tilespmem:$0x8100] =	vst v63  }
0x43: {  	_ = 	snop  }
0x44: {  	[tilespmem:s18], [sflag:$0x1] =	stream.indirect_vreg.gather [hbm4b:s4+s2], $0x80, v3, vm0, $0xb8;
	[tilespmem:$0x8100] =	vst v63  }
0x45: {  	v3 =	vld [tilespmem:s28+$0x50];
	_ =	sdelay $0x4  }
0x46: {  	v61 =	vshll.u32 v3, $0x1  }
0x47: {  	v3 =	vand.u32 $0x7, v3;
	v4 =	vand.u32 $0xFFFFFFF0, v61  }
0x48: {  	v3 =	vor.u32 v3, v4  }
0x49: {  	v4 =	vperm.xlane v3, v0;
	_ =	sdelay $0x1  }
0x4a: {  	v3 =	vperm.xlane v3, v2;
	v4 =	vadd.s32 v1, v4;
	_ =	sdelay $0x1  }
0x4b: {  	v3 =	vadd.s32 v1, v3;
	_ =	sdelay $0x2  }
0x4c: {  	[tilespmem:s19], [sflag:$0x1] =	stream.indirect_vreg.gather [hbm4b:s4+s2], $0x80, v4, vm0, $0xb8;
	[tilespmem:$0x8100] =	vst v63  }
0x4d: {  	_ = 	snop  }
0x4e: {  	[tilespmem:s20], [sflag:$0x1] =	stream.indirect_vreg.gather [hbm4b:s4+s2], $0x80, v3, vm0, $0xb8;
	[tilespmem:$0x8100] =	vst v63  }
0x4f: {  	v3 =	vld [tilespmem:s28+$0x60];
	_ =	sdelay $0x4  }
0x50: {  	v62 =	vshll.u32 v3, $0x1  }
0x51: {  	v3 =	vand.u32 $0x7, v3;
	v4 =	vand.u32 $0xFFFFFFF0, v62  }
0x52: {  	v3 =	vor.u32 v3, v4  }
0x53: {  	v4 =	vperm.xlane v3, v0;
	_ =	sdelay $0x1  }
0x54: {  	v3 =	vperm.xlane v3, v2;
	v4 =	vadd.s32 v1, v4;
	_ =	sdelay $0x1  }
0x55: {  	v3 =	vadd.s32 v1, v3;
	_ =	sdelay $0x2  }
0x56: {  	[tilespmem:s21], [sflag:$0x1] =	stream.indirect_vreg.gather [hbm4b:s4+s2], $0x80, v4, vm0, $0xb8;
	[tilespmem:$0x8100] =	vst v63  }
0x57: {  	_ = 	snop  }
0x58: {  	[tilespmem:s22], [sflag:$0x1] =	stream.indirect_vreg.gather [hbm4b:s4+s2], $0x80, v3, vm0, $0xb8;
	[tilespmem:$0x8100] =	vst v63  }
0x59: {  	v3 =	vld [tilespmem:s28+$0x70];
	_ =	sdelay $0x4  }
0x5a: {  	v63 =	vshll.u32 v3, $0x1  }
0x5b: {  	v3 =	vand.u32 $0x7, v3;
	v4 =	vand.u32 $0xFFFFFFF0, v63  }
0x5c: {  	v3 =	vor.u32 v3, v4  }
0x5d: {  	v4 =	vperm.xlane v3, v0;
	_ =	sdelay $0x1  }
0x5e: {  	v3 =	vperm.xlane v3, v2;
	v4 =	vadd.s32 v1, v4;
	_ =	sdelay $0x1  }
0x5f: {  	v3 =	vadd.s32 v1, v3;
	_ =	sdelay $0x2  }
0x60: {  	[tilespmem:s23], [sflag:$0x1] =	stream.indirect_vreg.gather [hbm4b:s4+s2], $0x80, v4, vm0, $0xb8;
	[tilespmem:$0x8100] =	vst v63  }
0x61: {  	_ = 	snop  }
0x62: {  	[tilespmem:s24], [sflag:$0x1] =	stream.indirect_vreg.gather [hbm4b:s4+s2], $0x80, v3, vm0, $0xb8;
	[tilespmem:$0x8100] =	vst v63  }
0x63: {  	s28 =	sor.u32 s3, s28;
	_ =	swait.ge [sflag:s25], $0x8000  }
0x64: {  	p1 =	por p0, p0;
	s28 =	sshll.u32 s28, $0x5;
	[sflag:s25] =	ssyncset.done $0x0  }
.Ltmp0:
0x65: {  	s28 =	sadd.s32 s5, s28;
	[sflag:s25] =	ssyncadd.s32 $0xFFFF8000;
	(pc) =	sbr.rel @p1 .LBB2_2-.Ltmp0, $4  }
0x66: {  	[hbm4b:s28+s2] =	stream.linear.scatter [tilespmem:s9], [sflag:$0x2], $0x8000, $0x38;
	[tilespmem:$0x8100] =	vst v63  }
0x67: {  	_ =	swait.ge [sflag:s8], $0x8000  }
0x68: {  	[sflag:s8] =	ssyncset.done $0x0  }
0x69: {  	p0 =	por $0x0, $0x0;
	s28 =	simm.s32 $0x80;
	[sflag:s8] =	ssyncadd.s32 $0xFFFF8000  }
0x6a: {  	s26 =	sadd.s32 $0x1, s26  }
0x6b: {  	p0 =	sne.s32 s26, s7  }
.Ltmp1:
0x6c: {  	_ = 	snop;
	(pc) =	sbr.rel @p0 .LBB2_1-.Ltmp1, $1  }
0x6d: {  	_ =	sdelay $0x3  }
0x6e: {  	_ =	sfence.sel $0x180000  }
0x6f: {  	[bflag:$0x0] =	sbarrier.arrive $0xFFFF  }
0x70: {  	p0 =	sne.s32 s1, $0x0;
	_ =	strace $0x90000053  }
0x71: {  	s0 =	sadd.s32 @!p0 $0x100000, s0;
	[bflag:$0x2] =	sbarrier.arrive $0xFFFF  }
0x72: {  	[sflag:s0] =	ssyncadd.tile.s32 @!p0 $0x1;
	_ =	shalt  }
.Lfunc_end2:
_tile_overlayer_lowered:
.L_overlay_start_2:
0x73: {  	(tag) =	ssettag $0x2  }
0x74: {  	s0 =	rddreg [dreg:$0x0];
	s2 =	stileid.u32  }
0x75: {  	s1 =	rddreg [dreg:$0x1];
	p0 =	sne.s32 s2, $0x0  }
0x76: {  	s3 =	rddreg [dreg:$0x2];
	[bflag:$0x3] =	sbarrier.arrive $0xFFFF;
	s2 =	simm.s32 @!p0 $0x1C02  }
0x77: {  	[timem:s3], [sflag:s2] =	dma.local @!p0 [hbm:s0], s1  }
0x78: {  	s0 =	simm.s32 @!p0 $0x2  }
0x79: {  	_ =	swait.ge @!p0 [sflag:s0], s1  }
0x7a: {  	s1 =	ssub.s32 @!p0 $0x0, s1;
	[sflag:s0] =	ssyncset.done @!p0 $0x0  }
0x7b: {  	[sflag:s0] =	ssyncadd.s32 @!p0 s1  }
0x7c: {  	[bflag:$0x3] =	sbarrier.arrive $0xFFFF  }
0x7d: {  	_ =	shalt  }

</sc_bundles>
